<compile_context>
chip_gen: v7x
topology: tpu7x:2x2x1
jax: 0.10.2.dev20260603
libtpu: 0.0.44.dev20260713+nightly
codegen_flags: <defaults>
</compile_context>

<pallas_src>
import functools

import jax
import jax.numpy as jnp
from jax import lax
from jax.experimental import pallas as pl
from jax.experimental.pallas import tpu as pltpu
from jax.experimental.pallas import tpu_sc as plsc

_SPATIAL = (21, 200, 176)
_K = 3
_S = 2
_P = 1
_CIN = 16
_COUT = 32
_BATCH = 2
_NK = _K ** 3

_N = 200000
_NP = 204800
_B = _NP * _NK
_NC, _NS = 2, 16
_NW = _NC * _NS
_PW = _B // _NW
_SUB = 128
_GRP = 10
_CB = _SUB * _GRP
_CHUNKS = _PW // _CB
_DUMMY = 4000


def _out_dim(d):
    return (d + 2 * _P - (_K - 1) - 1) // _S + 1


_DO, _HO, _WO = _out_dim(_SPATIAL[0]), _out_dim(_SPATIAL[1]), _out_dim(_SPATIAL[2])
_TOTAL = _BATCH * _DO * _HO * _WO
_R = _TOTAL + _DUMMY

_MZ, _MY, _MX = 12, 101, 89


def _pairs(coors):
    offs = jnp.array([(a, b, c) for a in range(_K) for b in range(_K) for c in range(_K)],
                     dtype=jnp.int32)
    pos = coors[:, 1:4].astype(jnp.int32)
    b = coors[:, 0].astype(jnp.int32)
    num = pos[:, None, :] + _P - offs[None, :, :]
    q = num // _S
    r = num - q * _S
    odims = jnp.array([_DO, _HO, _WO], dtype=jnp.int32)
    valid = (r == 0).all(-1) & (q >= 0).all(-1) & (q < odims[None, None, :]).all(-1)
    lin = b[:, None] * (_DO * _HO * _WO) + q[..., 0] * (_HO * _WO) + q[..., 1] * _WO + q[..., 2]
    n = coors.shape[0]
    spread = (jnp.arange(n * _NK, dtype=jnp.int32) % _DUMMY).reshape(n, _NK)
    lin_safe = jnp.where(valid, lin, _TOTAL + spread)
    return lin_safe


def _mmk_body(x_ref, w_ref, out_ref):
    acc = jax.lax.dot(x_ref[0], w_ref[0], preferred_element_type=jnp.float32)
    for k in range(1, _NK):
        acc = acc + jax.lax.dot(x_ref[k], w_ref[k],
                                preferred_element_type=jnp.float32)
    out_ref[...] = acc


def _mmk(x, w, bn):
    nk, n, cin = x.shape
    cout = w.shape[2]
    return pl.pallas_call(
        _mmk_body,
        grid=(n // bn,),
        in_specs=[
            pl.BlockSpec((nk, bn, cin), lambda i: (0, i, 0)),
            pl.BlockSpec((nk, cin, cout), lambda i: (0, 0, 0)),
        ],
        out_specs=pl.BlockSpec((bn, cout), lambda i: (i, 0)),
        out_shape=jax.ShapeDtypeStruct((n, cout), jnp.float32),
    )(x, w)


def _mm_body(x_ref, w_ref, out_ref):
    out_ref[...] = jax.lax.dot(x_ref[...], w_ref[...],
                               preferred_element_type=jnp.float32)


def _mm(x, w, bn):
    n, cin = x.shape
    cout = w.shape[1]
    return pl.pallas_call(
        _mm_body,
        grid=(n // bn,),
        in_specs=[
            pl.BlockSpec((bn, cin), lambda i: (i, 0)),
            pl.BlockSpec((cin, cout), lambda i: (0, 0)),
        ],
        out_specs=pl.BlockSpec((bn, cout), lambda i: (i, 0)),
        out_shape=jax.ShapeDtypeStruct((n, cout), jnp.float32),
    )(x, w)


def _ymm_body(t_ref, w_ref, out_ref):
    out_ref[0] = jax.lax.dot(t_ref[...], w_ref[0],
                             preferred_element_type=jnp.float32)


def _ymm(table, w, bn):
    r = table.shape[0]
    nk, cmid, cout = w.shape
    return pl.pallas_call(
        _ymm_body,
        grid=(r // bn, nk),
        in_specs=[
            pl.BlockSpec((bn, cmid), lambda i, k: (i, 0)),
            pl.BlockSpec((1, cmid, cout), lambda i, k: (k, 0, 0)),
        ],
        out_specs=pl.BlockSpec((1, bn, cout), lambda i, k: (k, i, 0)),
        out_shape=jax.ShapeDtypeStruct((nk, r, cout), jnp.float32),
    )(table, w)


def _ksum_body(x_ref, out_ref):
    out_ref[...] = jnp.sum(x_ref[...], axis=0)


def _ksum(x, bn):
    nk, n, c = x.shape
    return pl.pallas_call(
        _ksum_body,
        grid=(n // bn,),
        in_specs=[pl.BlockSpec((nk, bn, c), lambda i: (0, i, 0))],
        out_specs=pl.BlockSpec((bn, c), lambda i: (i, 0)),
        out_shape=jax.ShapeDtypeStruct((n, c), jnp.float32),
    )(x)


def _gather_body(idx_hbm, table_hbm, out_hbm, idx_v, rows_v, sem):
    wid = lax.axis_index("s") * _NC + lax.axis_index("c")
    out_row0 = wid * _PW

    def step(j, carry):
        pltpu.sync_copy(idx_hbm.at[wid * _CHUNKS + j], idx_v)
        copies = []
        for g in range(_GRP):
            copies.append(pltpu.async_copy(
                table_hbm.at[idx_v.at[g]],
                rows_v.at[pl.ds(g * _SUB, _SUB)], sem))
        for c in copies:
            c.wait()
        pltpu.sync_copy(rows_v, out_hbm.at[pl.ds(out_row0 + j * _CB, _CB)])
        return carry

    lax.fori_loop(0, _CHUNKS, step, 0)


_gather_sc = functools.partial(
    pl.kernel,
    out_type=jax.ShapeDtypeStruct((_B, _CIN), jnp.float32),
    mesh=plsc.VectorSubcoreMesh(core_axis_name="c", subcore_axis_name="s"),
    scratch_types=[
        pltpu.VMEM((_GRP, _SUB), jnp.int32),
        pltpu.VMEM((_CB, _CIN), jnp.float32),
        pltpu.SemaphoreType.DMA,
    ],
    compiler_params=pltpu.CompilerParams(use_tc_tiling_on_sc=False),
)(_gather_body)


@jax.jit
def kernel(features, coors, W_conv, W_inv):
    coors32 = coors.astype(jnp.int32)
    b = coors32[:, 0]
    z = coors32[:, 1]
    y = coors32[:, 2]
    x = coors32[:, 3]

    gz, gy, gx = z + 1, y + 1, x + 1
    pc = (gz & 1) * 4 + (gy & 1) * 2 + (gx & 1)
    lin_pad = ((((pc * _BATCH + b) * _MZ + (gz >> 1)) * _MY + (gy >> 1)) * _MX
               + (gx >> 1))
    Fd = jnp.zeros((8 * _BATCH * _MZ * _MY * _MX, _CIN), jnp.float32)
    Fd = Fd.at[lin_pad].add(features)
    Fd6 = Fd.reshape(8, _BATCH, _MZ, _MY, _MX, _CIN)

    slices = []
    for a in range(_K):
        for bb in range(_K):
            for c in range(_K):
                p = (a & 1) * 4 + (bb & 1) * 2 + (c & 1)
                slices.append(lax.slice(
                    Fd6,
                    (p, 0, a >> 1, bb >> 1, c >> 1, 0),
                    (p + 1, _BATCH, (a >> 1) + _DO, (bb >> 1) + _HO,
                     (c >> 1) + _WO, _CIN)))
    X = jnp.concatenate(slices, axis=0).reshape(_NK, _TOTAL, _CIN)

    out_tc = _mmk(X, W_conv, 800)
    table = jnp.concatenate(
        [out_tc, jnp.zeros((_DUMMY, _COUT), jnp.float32)], axis=0)

    Y = _ymm(table, jnp.flip(W_inv, 0), 800)

    pad_coors = jnp.tile(jnp.array([[0, 25, 0, 0]], jnp.int32), (_NP - _N, 1))
    coors_p = jnp.concatenate([coors32, pad_coors], axis=0)
    lin_safe = _pairs(coors_p)

    gidx = (jnp.arange(_NK, dtype=jnp.int32)[:, None] * _R) + lin_safe.T
    G16 = _gather_sc(gidx.reshape(_B // _CB, _GRP, _SUB),
                     Y.reshape(_NK * _R, _CIN))

    res = _ksum(G16.reshape(_NK, _NP, _CIN), 1024)
    return res[:_N]

# --- scband reference (transcript-rebuilt; emitter-appended) ---
"""Pipeline reference for scband-spconv-net-59390807769140 (READ-ONLY COPY).

The authoritative reference and input builder live on the scoring server;
editing this copy changes nothing except your own understanding.
"""

import jax, jax.numpy as jnp
import numpy as np

SPATIAL = (21, 200, 176)
K = 3
S = 2
P = 1
DIL = 1
CIN = 16
COUT = 32
BATCH = 2
N_VOX = 200000


def _out_dim(d):
    return (d + 2 * P - DIL * (K - 1) - 1) // S + 1


def _build_pairs(coors):
    # Rule-book construction for spconv.SparseConv3d (regular, strided sparse conv).
    # For each kernel offset k and each active input voxel, the linked output voxel is
    # o = (in + P - DIL*k) / S when divisible and in range. Expressed with fixed-shape
    # masks over all N voxels; invalid links are redirected to a dummy slot `total`.
    D, H, W = SPATIAL
    Do, Ho, Wo = _out_dim(D), _out_dim(H), _out_dim(W)
    offs = jnp.array([(a, b, c) for a in range(K) for b in range(K) for c in range(K)], dtype=jnp.int32)  # [27,3]
    pos = coors[:, 1:4].astype(jnp.int32)  # [N,3] (z,y,x)
    b = coors[:, 0].astype(jnp.int32)      # [N]
    num = pos[:, None, :] + P - DIL * offs[None, :, :]  # [N,27,3]
    q = num // S
    r = num - q * S
    odims = jnp.array([Do, Ho, Wo], dtype=jnp.int32)
    valid = (r == 0).all(-1) & (q >= 0).all(-1) & (q < odims[None, None, :]).all(-1)  # [N,27]
    lin = b[:, None] * (Do * Ho * Wo) + q[..., 0] * (Ho * Wo) + q[..., 1] * Wo + q[..., 2]
    total = BATCH * Do * Ho * Wo
    lin_safe = jnp.where(valid, lin, total)
    return valid, lin_safe, total


def setup_inputs(seed: int = 0) -> dict:
    key = jax.random.key(seed)
    ks = jax.random.split(key, 8)
    features = jax.random.normal(ks[0], (N_VOX, CIN), dtype=jnp.float32)
    b = jax.random.randint(ks[1], (N_VOX, 1), 0, BATCH, dtype=jnp.int32)
    z = jax.random.randint(ks[2], (N_VOX, 1), 0, SPATIAL[0], dtype=jnp.int32)
    y = jax.random.randint(ks[3], (N_VOX, 1), 0, SPATIAL[1], dtype=jnp.int32)
    x = jax.random.randint(ks[4], (N_VOX, 1), 0, SPATIAL[2], dtype=jnp.int32)
    coors = jnp.concatenate([b, z, y, x], axis=1)  # [N,4] = (batch, z, y, x)
    W_conv = jax.random.normal(ks[5], (K ** 3, CIN, COUT), dtype=jnp.float32) * 0.05
    W_inv = jax.random.normal(ks[6], (K ** 3, COUT, CIN), dtype=jnp.float32) * 0.05
    return {"features": features, "coors": coors, "W_conv": W_conv, "W_inv": W_inv}


def reference(features, coors, W_conv, W_inv):
    # SparseConv3d followed by SparseInverseConv3d sharing the same indice_key:
    # the inverse conv reuses the forward rule-book with (in,out) swapped and the
    # kernel offset index flipped (transposed-conv semantics), producing features
    # back at exactly the original input voxel coordinates.
    valid, lin_safe, total = _build_pairs(coors)
    N = features.shape[0]
    nk = K ** 3
    out = jnp.zeros((total + 1, COUT), dtype=features.dtype)
    for k in range(nk):
        contrib = jnp.where(valid[:, k, None], features @ W_conv[k], 0.0)
        out = out.at[lin_safe[:, k]].add(contrib)
    res = jnp.zeros((N, CIN), dtype=features.dtype)
    for k in range(nk):
        gathered = jnp.take(out, lin_safe[:, k], axis=0)
        res = res + jnp.where(valid[:, k, None], gathered @ W_inv[nk - 1 - k], 0.0)
    return res

if __name__ == "__main__":
    import jax
    _d = setup_inputs()
    print(jax.jit(kernel)(*tuple(_d.values())))

</pallas_src>

<mosaic_0001>
#map = affine_map<(d0, d1) -> (0, 0, 0)>
#map1 = affine_map<(d0, d1) -> (0, 0)>
module attributes {stable_mosaic.version = 14 : i64} {
  func.func @_gather_body(%arg0: i32, %arg1: i32, %arg2: memref<4320x10x128xi32, #tpu.memory_space<hbm>>, %arg3: memref<5335200x16xf32, #tpu.memory_space<hbm>>, %arg4: memref<5529600x16xf32, #tpu.memory_space<hbm>>, %arg5: memref<10x128xi32, #tpu.memory_space<vmem>>, %arg6: memref<1280x16xf32, #tpu.memory_space<vmem>>, %arg7: memref<!tpu.dma_semaphore, #tpu.memory_space<semaphore_mem>>) attributes {dimension_semantics = [#tpu.dimension_semantics<core_parallel>, #tpu.dimension_semantics<subcore_parallel>], iteration_bounds = array<i64: 2, 16>, scalar_prefetch = 0 : i64, scratch_operands = 3 : i64, tpu.core_type = #tpu.core_type<sc_vector_subcore>, window_params = [{transform_indices = #map}, {transform_indices = #map1}, {transform_indices = #map1}]} {
    %mul3A = arith.constant 2 : i32
    %mul3A_0 = arith.muli %arg1, %mul3A : i32
    %add3A = arith.addi %mul3A_0, %arg0 : i32
    %mul3A_1 = arith.constant 172800 : i32
    %mul3A_2 = arith.muli %add3A, %mul3A_1 : i32
    %scan3A = arith.constant 0 : i32
    %scan3A_3 = arith.constant 0 : i32
    %scan3A_4 = arith.constant 135 : i32
    %scan3A_5 = arith.addi %scan3A_3, %scan3A_4 : i32
    %scan3A_6 = arith.constant 1 : i32
    scf.for %scan3A_8 = %scan3A_3 to %scan3A_5 step %scan3A_6  : i32 {
      %mul3A_9 = arith.constant 135 : i32
      %mul3A_10 = arith.muli %add3A, %mul3A_9 : i32
      %add3A_11 = arith.addi %mul3A_10, %scan3A_8 : i32
      "tpu.region"() ({
        %run_scoped3A = tpu.sem_alloc : memref<!tpu.dma_semaphore, #tpu.memory_space<semaphore_mem>>
        %dma_start3A_213 = arith.constant 0 : i32
        %dma_start3A_214 = arith.constant 0 : i32
        %dma_start3A_215 = tpu.memref_slice %arg2[%add3A_11, %dma_start3A_213, %dma_start3A_214] : memref<4320x10x128xi32, #tpu.memory_space<hbm>> -> memref<1x10x128xi32, #tpu.memory_space<hbm>>
        %dma_start3A_216 = tpu.memref_squeeze %dma_start3A_215 : memref<1x10x128xi32, #tpu.memory_space<hbm>> -> memref<10x128xi32, #tpu.memory_space<hbm>>
        %dma_start3A_217 = arith.constant 0 : i32
        %dma_start3A_218 = arith.constant 0 : i32
        %dma_start3A_219 = tpu.memref_slice %arg2[%add3A_11, %dma_start3A_217, %dma_start3A_218] : memref<4320x10x128xi32, #tpu.memory_space<hbm>> -> memref<1x10x128xi32, #tpu.memory_space<hbm>>
        %dma_start3A_220 = tpu.memref_squeeze %dma_start3A_219 : memref<1x10x128xi32, #tpu.memory_space<hbm>> -> memref<10x128xi32, #tpu.memory_space<hbm>>
        tpu.enqueue_dma source(%dma_start3A_220 : memref<10x128xi32, #tpu.memory_space<hbm>>) target(%arg5 : memref<10x128xi32, #tpu.memory_space<vmem>>) target_semaphore(%run_scoped3A : memref<!tpu.dma_semaphore, #tpu.memory_space<semaphore_mem>>)
        %dma_wait3A_221 = arith.constant 0 : i32
        %dma_wait3A_222 = arith.constant 0 : i32
        %dma_wait3A_223 = tpu.memref_slice %arg2[%add3A_11, %dma_wait3A_221, %dma_wait3A_222] : memref<4320x10x128xi32, #tpu.memory_space<hbm>> -> memref<1x10x128xi32, #tpu.memory_space<hbm>>
        %dma_wait3A_224 = tpu.memref_squeeze %dma_wait3A_223 : memref<1x10x128xi32, #tpu.memory_space<hbm>> -> memref<10x128xi32, #tpu.memory_space<hbm>>
        %dma_wait3A_225 = arith.constant 0 : i32
        %dma_wait3A_226 = arith.constant 0 : i32
        %dma_wait3A_227 = tpu.memref_slice %arg2[%add3A_11, %dma_wait3A_225, %dma_wait3A_226] : memref<4320x10x128xi32, #tpu.memory_space<hbm>> -> memref<1x10x128xi32, #tpu.memory_space<hbm>>
        %dma_wait3A_228 = tpu.memref_squeeze %dma_wait3A_227 : memref<1x10x128xi32, #tpu.memory_space<hbm>> -> memref<10x128xi32, #tpu.memory_space<hbm>>
        tpu.wait_dma2 semaphore(%run_scoped3A : memref<!tpu.dma_semaphore, #tpu.memory_space<semaphore_mem>>) src(%dma_wait3A_228 : memref<10x128xi32, #tpu.memory_space<hbm>>) dst(%arg5 : memref<10x128xi32, #tpu.memory_space<vmem>>)
        tpu.yield
      }) : () -> ()
      %dma_start3A = arith.constant 0 : i32
      %dma_start3A_12 = arith.constant 0 : i32
      %dma_start3A_13 = arith.constant 0 : i32
      %dma_start3A_14 = tpu.memref_slice %arg6[%dma_start3A_12, %dma_start3A_13] : memref<1280x16xf32, #tpu.memory_space<vmem>> -> memref<128x16xf32, #tpu.memory_space<vmem>>
      %dma_start3A_15 = arith.constant 0 : i32
      %dma_start3A_16 = tpu.memref_slice %arg5[%dma_start3A, %dma_start3A_15] : memref<10x128xi32, #tpu.memory_space<vmem>> -> memref<1x128xi32, #tpu.memory_space<vmem>>
      %dma_start3A_17 = tpu.memref_squeeze %dma_start3A_16 : memref<1x128xi32, #tpu.memory_space<vmem>> -> memref<128xi32, #tpu.memory_space<vmem>>
      %dma_start3A_18 = arith.constant 0 : i32
      %dma_start3A_19 = arith.constant 0 : i32
      %dma_start3A_20 = tpu.memref_slice %arg3[%dma_start3A_18, %dma_start3A_19] : memref<5335200x16xf32, #tpu.memory_space<hbm>> -> memref<5335200x16xf32, #tpu.memory_space<hbm>>
      tpu.enqueue_indirect_dma source(%dma_start3A_20 : memref<5335200x16xf32, #tpu.memory_space<hbm>>) target(%dma_start3A_14 : memref<128x16xf32, #tpu.memory_space<vmem>>) offsets(%dma_start3A_17 : memref<128xi32, #tpu.memory_space<vmem>>) semaphore(%arg7 : memref<!tpu.dma_semaphore, #tpu.memory_space<semaphore_mem>>)
      %dma_start3A_21 = arith.constant 1 : i32
      %dma_start3A_22 = arith.constant 128 : i32
      %dma_start3A_23 = arith.constant 0 : i32
      %dma_start3A_24 = tpu.memref_slice %arg6[%dma_start3A_22, %dma_start3A_23] : memref<1280x16xf32, #tpu.memory_space<vmem>> -> memref<128x16xf32, #tpu.memory_space<vmem>>
      %dma_start3A_25 = arith.constant 0 : i32
      %dma_start3A_26 = tpu.memref_slice %arg5[%dma_start3A_21, %dma_start3A_25] : memref<10x128xi32, #tpu.memory_space<vmem>> -> memref<1x128xi32, #tpu.memory_space<vmem>>
      %dma_start3A_27 = tpu.memref_squeeze %dma_start3A_26 : memref<1x128xi32, #tpu.memory_space<vmem>> -> memref<128xi32, #tpu.memory_space<vmem>>
      %dma_start3A_28 = arith.constant 0 : i32
      %dma_start3A_29 = arith.constant 0 : i32
      %dma_start3A_30 = tpu.memref_slice %arg3[%dma_start3A_28, %dma_start3A_29] : memref<5335200x16xf32, #tpu.memory_space<hbm>> -> memref<5335200x16xf32, #tpu.memory_space<hbm>>
      tpu.enqueue_indirect_dma source(%dma_start3A_30 : memref<5335200x16xf32, #tpu.memory_space<hbm>>) target(%dma_start3A_24 : memref<128x16xf32, #tpu.memory_space<vmem>>) offsets(%dma_start3A_27 : memref<128xi32, #tpu.memory_space<vmem>>) semaphore(%arg7 : memref<!tpu.dma_semaphore, #tpu.memory_space<semaphore_mem>>)
      %dma_start3A_31 = arith.constant 2 : i32
      %dma_start3A_32 = arith.constant 256 : i32
      %dma_start3A_33 = arith.constant 0 : i32
      %dma_start3A_34 = tpu.memref_slice %arg6[%dma_start3A_32, %dma_start3A_33] : memref<1280x16xf32, #tpu.memory_space<vmem>> -> memref<128x16xf32, #tpu.memory_space<vmem>>
      %dma_start3A_35 = arith.constant 0 : i32
      %dma_start3A_36 = tpu.memref_slice %arg5[%dma_start3A_31, %dma_start3A_35] : memref<10x128xi32, #tpu.memory_space<vmem>> -> memref<1x128xi32, #tpu.memory_space<vmem>>
      %dma_start3A_37 = tpu.memref_squeeze %dma_start3A_36 : memref<1x128xi32, #tpu.memory_space<vmem>> -> memref<128xi32, #tpu.memory_space<vmem>>
      %dma_start3A_38 = arith.constant 0 : i32
      %dma_start3A_39 = arith.constant 0 : i32
      %dma_start3A_40 = tpu.memref_slice %arg3[%dma_start3A_38, %dma_start3A_39] : memref<5335200x16xf32, #tpu.memory_space<hbm>> -> memref<5335200x16xf32, #tpu.memory_space<hbm>>
      tpu.enqueue_indirect_dma source(%dma_start3A_40 : memref<5335200x16xf32, #tpu.memory_space<hbm>>) target(%dma_start3A_34 : memref<128x16xf32, #tpu.memory_space<vmem>>) offsets(%dma_start3A_37 : memref<128xi32, #tpu.memory_space<vmem>>) semaphore(%arg7 : memref<!tpu.dma_semaphore, #tpu.memory_space<semaphore_mem>>)
      %dma_start3A_41 = arith.constant 3 : i32
      %dma_start3A_42 = arith.constant 384 : i32
      %dma_start3A_43 = arith.constant 0 : i32
      %dma_start3A_44 = tpu.memref_slice %arg6[%dma_start3A_42, %dma_start3A_43] : memref<1280x16xf32, #tpu.memory_space<vmem>> -> memref<128x16xf32, #tpu.memory_space<vmem>>
      %dma_start3A_45 = arith.constant 0 : i32
      %dma_start3A_46 = tpu.memref_slice %arg5[%dma_start3A_41, %dma_start3A_45] : memref<10x128xi32, #tpu.memory_space<vmem>> -> memref<1x128xi32, #tpu.memory_space<vmem>>
      %dma_start3A_47 = tpu.memref_squeeze %dma_start3A_46 : memref<1x128xi32, #tpu.memory_space<vmem>> -> memref<128xi32, #tpu.memory_space<vmem>>
      %dma_start3A_48 = arith.constant 0 : i32
      %dma_start3A_49 = arith.constant 0 : i32
      %dma_start3A_50 = tpu.memref_slice %arg3[%dma_start3A_48, %dma_start3A_49] : memref<5335200x16xf32, #tpu.memory_space<hbm>> -> memref<5335200x16xf32, #tpu.memory_space<hbm>>
      tpu.enqueue_indirect_dma source(%dma_start3A_50 : memref<5335200x16xf32, #tpu.memory_space<hbm>>) target(%dma_start3A_44 : memref<128x16xf32, #tpu.memory_space<vmem>>) offsets(%dma_start3A_47 : memref<128xi32, #tpu.memory_space<vmem>>) semaphore(%arg7 : memref<!tpu.dma_semaphore, #tpu.memory_space<semaphore_mem>>)
      %dma_start3A_51 = arith.constant 4 : i32
      %dma_start3A_52 = arith.constant 512 : i32
      %dma_start3A_53 = arith.constant 0 : i32
      %dma_start3A_54 = tpu.memref_slice %arg6[%dma_start3A_52, %dma_start3A_53] : memref<1280x16xf32, #tpu.memory_space<vmem>> -> memref<128x16xf32, #tpu.memory_space<vmem>>
      %dma_start3A_55 = arith.constant 0 : i32
      %dma_start3A_56 = tpu.memref_slice %arg5[%dma_start3A_51, %dma_start3A_55] : memref<10x128xi32, #tpu.memory_space<vmem>> -> memref<1x128xi32, #tpu.memory_space<vmem>>
      %dma_start3A_57 = tpu.memref_squeeze %dma_start3A_56 : memref<1x128xi32, #tpu.memory_space<vmem>> -> memref<128xi32, #tpu.memory_space<vmem>>
      %dma_start3A_58 = arith.constant 0 : i32
      %dma_start3A_59 = arith.constant 0 : i32
      %dma_start3A_60 = tpu.memref_slice %arg3[%dma_start3A_58, %dma_start3A_59] : memref<5335200x16xf32, #tpu.memory_space<hbm>> -> memref<5335200x16xf32, #tpu.memory_space<hbm>>
      tpu.enqueue_indirect_dma source(%dma_start3A_60 : memref<5335200x16xf32, #tpu.memory_space<hbm>>) target(%dma_start3A_54 : memref<128x16xf32, #tpu.memory_space<vmem>>) offsets(%dma_start3A_57 : memref<128xi32, #tpu.memory_space<vmem>>) semaphore(%arg7 : memref<!tpu.dma_semaphore, #tpu.memory_space<semaphore_mem>>)
      %dma_start3A_61 = arith.constant 5 : i32
      %dma_start3A_62 = arith.constant 640 : i32
      %dma_start3A_63 = arith.constant 0 : i32
      %dma_start3A_64 = tpu.memref_slice %arg6[%dma_start3A_62, %dma_start3A_63] : memref<1280x16xf32, #tpu.memory_space<vmem>> -> memref<128x16xf32, #tpu.memory_space<vmem>>
      %dma_start3A_65 = arith.constant 0 : i32
      %dma_start3A_66 = tpu.memref_slice %arg5[%dma_start3A_61, %dma_start3A_65] : memref<10x128xi32, #tpu.memory_space<vmem>> -> memref<1x128xi32, #tpu.memory_space<vmem>>
      %dma_start3A_67 = tpu.memref_squeeze %dma_start3A_66 : memref<1x128xi32, #tpu.memory_space<vmem>> -> memref<128xi32, #tpu.memory_space<vmem>>
      %dma_start3A_68 = arith.constant 0 : i32
      %dma_start3A_69 = arith.constant 0 : i32
      %dma_start3A_70 = tpu.memref_slice %arg3[%dma_start3A_68, %dma_start3A_69] : memref<5335200x16xf32, #tpu.memory_space<hbm>> -> memref<5335200x16xf32, #tpu.memory_space<hbm>>
      tpu.enqueue_indirect_dma source(%dma_start3A_70 : memref<5335200x16xf32, #tpu.memory_space<hbm>>) target(%dma_start3A_64 : memref<128x16xf32, #tpu.memory_space<vmem>>) offsets(%dma_start3A_67 : memref<128xi32, #tpu.memory_space<vmem>>) semaphore(%arg7 : memref<!tpu.dma_semaphore, #tpu.memory_space<semaphore_mem>>)
      %dma_start3A_71 = arith.constant 6 : i32
      %dma_start3A_72 = arith.constant 768 : i32
      %dma_start3A_73 = arith.constant 0 : i32
      %dma_start3A_74 = tpu.memref_slice %arg6[%dma_start3A_72, %dma_start3A_73] : memref<1280x16xf32, #tpu.memory_space<vmem>> -> memref<128x16xf32, #tpu.memory_space<vmem>>
      %dma_start3A_75 = arith.constant 0 : i32
      %dma_start3A_76 = tpu.memref_slice %arg5[%dma_start3A_71, %dma_start3A_75] : memref<10x128xi32, #tpu.memory_space<vmem>> -> memref<1x128xi32, #tpu.memory_space<vmem>>
      %dma_start3A_77 = tpu.memref_squeeze %dma_start3A_76 : memref<1x128xi32, #tpu.memory_space<vmem>> -> memref<128xi32, #tpu.memory_space<vmem>>
      %dma_start3A_78 = arith.constant 0 : i32
      %dma_start3A_79 = arith.constant 0 : i32
      %dma_start3A_80 = tpu.memref_slice %arg3[%dma_start3A_78, %dma_start3A_79] : memref<5335200x16xf32, #tpu.memory_space<hbm>> -> memref<5335200x16xf32, #tpu.memory_space<hbm>>
      tpu.enqueue_indirect_dma source(%dma_start3A_80 : memref<5335200x16xf32, #tpu.memory_space<hbm>>) target(%dma_start3A_74 : memref<128x16xf32, #tpu.memory_space<vmem>>) offsets(%dma_start3A_77 : memref<128xi32, #tpu.memory_space<vmem>>) semaphore(%arg7 : memref<!tpu.dma_semaphore, #tpu.memory_space<semaphore_mem>>)
      %dma_start3A_81 = arith.constant 7 : i32
      %dma_start3A_82 = arith.constant 896 : i32
      %dma_start3A_83 = arith.constant 0 : i32
      %dma_start3A_84 = tpu.memref_slice %arg6[%dma_start3A_82, %dma_start3A_83] : memref<1280x16xf32, #tpu.memory_space<vmem>> -> memref<128x16xf32, #tpu.memory_space<vmem>>
      %dma_start3A_85 = arith.constant 0 : i32
      %dma_start3A_86 = tpu.memref_slice %arg5[%dma_start3A_81, %dma_start3A_85] : memref<10x128xi32, #tpu.memory_space<vmem>> -> memref<1x128xi32, #tpu.memory_space<vmem>>
      %dma_start3A_87 = tpu.memref_squeeze %dma_start3A_86 : memref<1x128xi32, #tpu.memory_space<vmem>> -> memref<128xi32, #tpu.memory_space<vmem>>
      %dma_start3A_88 = arith.constant 0 : i32
      %dma_start3A_89 = arith.constant 0 : i32
      %dma_start3A_90 = tpu.memref_slice %arg3[%dma_start3A_88, %dma_start3A_89] : memref<5335200x16xf32, #tpu.memory_space<hbm>> -> memref<5335200x16xf32, #tpu.memory_space<hbm>>
      tpu.enqueue_indirect_dma source(%dma_start3A_90 : memref<5335200x16xf32, #tpu.memory_space<hbm>>) target(%dma_start3A_84 : memref<128x16xf32, #tpu.memory_space<vmem>>) offsets(%dma_start3A_87 : memref<128xi32, #tpu.memory_space<vmem>>) semaphore(%arg7 : memref<!tpu.dma_semaphore, #tpu.memory_space<semaphore_mem>>)
      %dma_start3A_91 = arith.constant 8 : i32
      %dma_start3A_92 = arith.constant 1024 : i32
      %dma_start3A_93 = arith.constant 0 : i32
      %dma_start3A_94 = tpu.memref_slice %arg6[%dma_start3A_92, %dma_start3A_93] : memref<1280x16xf32, #tpu.memory_space<vmem>> -> memref<128x16xf32, #tpu.memory_space<vmem>>
      %dma_start3A_95 = arith.constant 0 : i32
      %dma_start3A_96 = tpu.memref_slice %arg5[%dma_start3A_91, %dma_start3A_95] : memref<10x128xi32, #tpu.memory_space<vmem>> -> memref<1x128xi32, #tpu.memory_space<vmem>>
      %dma_start3A_97 = tpu.memref_squeeze %dma_start3A_96 : memref<1x128xi32, #tpu.memory_space<vmem>> -> memref<128xi32, #tpu.memory_space<vmem>>
      %dma_start3A_98 = arith.constant 0 : i32
      %dma_start3A_99 = arith.constant 0 : i32
      %dma_start3A_100 = tpu.memref_slice %arg3[%dma_start3A_98, %dma_start3A_99] : memref<5335200x16xf32, #tpu.memory_space<hbm>> -> memref<5335200x16xf32, #tpu.memory_space<hbm>>
      tpu.enqueue_indirect_dma source(%dma_start3A_100 : memref<5335200x16xf32, #tpu.memory_space<hbm>>) target(%dma_start3A_94 : memref<128x16xf32, #tpu.memory_space<vmem>>) offsets(%dma_start3A_97 : memref<128xi32, #tpu.memory_space<vmem>>) semaphore(%arg7 : memref<!tpu.dma_semaphore, #tpu.memory_space<semaphore_mem>>)
      %dma_start3A_101 = arith.constant 9 : i32
      %dma_start3A_102 = arith.constant 1152 : i32
      %dma_start3A_103 = arith.constant 0 : i32
      %dma_start3A_104 = tpu.memref_slice %arg6[%dma_start3A_102, %dma_start3A_103] : memref<1280x16xf32, #tpu.memory_space<vmem>> -> memref<128x16xf32, #tpu.memory_space<vmem>>
      %dma_start3A_105 = arith.constant 0 : i32
      %dma_start3A_106 = tpu.memref_slice %arg5[%dma_start3A_101, %dma_start3A_105] : memref<10x128xi32, #tpu.memory_space<vmem>> -> memref<1x128xi32, #tpu.memory_space<vmem>>
      %dma_start3A_107 = tpu.memref_squeeze %dma_start3A_106 : memref<1x128xi32, #tpu.memory_space<vmem>> -> memref<128xi32, #tpu.memory_space<vmem>>
      %dma_start3A_108 = arith.constant 0 : i32
      %dma_start3A_109 = arith.constant 0 : i32
      %dma_start3A_110 = tpu.memref_slice %arg3[%dma_start3A_108, %dma_start3A_109] : memref<5335200x16xf32, #tpu.memory_space<hbm>> -> memref<5335200x16xf32, #tpu.memory_space<hbm>>
      tpu.enqueue_indirect_dma source(%dma_start3A_110 : memref<5335200x16xf32, #tpu.memory_space<hbm>>) target(%dma_start3A_104 : memref<128x16xf32, #tpu.memory_space<vmem>>) offsets(%dma_start3A_107 : memref<128xi32, #tpu.memory_space<vmem>>) semaphore(%arg7 : memref<!tpu.dma_semaphore, #tpu.memory_space<semaphore_mem>>)
      %dma_wait3A = arith.constant 0 : i32
      %dma_wait3A_111 = arith.constant 0 : i32
      %dma_wait3A_112 = arith.constant 0 : i32
      %dma_wait3A_113 = tpu.memref_slice %arg6[%dma_wait3A_111, %dma_wait3A_112] : memref<1280x16xf32, #tpu.memory_space<vmem>> -> memref<128x16xf32, #tpu.memory_space<vmem>>
      %dma_wait3A_114 = arith.constant 0 : i32
      %dma_wait3A_115 = tpu.memref_slice %arg5[%dma_wait3A, %dma_wait3A_114] : memref<10x128xi32, #tpu.memory_space<vmem>> -> memref<1x128xi32, #tpu.memory_space<vmem>>
      %dma_wait3A_116 = tpu.memref_squeeze %dma_wait3A_115 : memref<1x128xi32, #tpu.memory_space<vmem>> -> memref<128xi32, #tpu.memory_space<vmem>>
      %dma_wait3A_117 = arith.constant 0 : i32
      %dma_wait3A_118 = arith.constant 0 : i32
      %dma_wait3A_119 = tpu.memref_slice %arg3[%dma_wait3A_117, %dma_wait3A_118] : memref<5335200x16xf32, #tpu.memory_space<hbm>> -> memref<5335200x16xf32, #tpu.memory_space<hbm>>
      tpu.wait_indirect_dma semaphore(%arg7 : memref<!tpu.dma_semaphore, #tpu.memory_space<semaphore_mem>>) src(%dma_wait3A_119 : memref<5335200x16xf32, #tpu.memory_space<hbm>>) dst(%dma_wait3A_113 : memref<128x16xf32, #tpu.memory_space<vmem>>)
      %dma_wait3A_120 = arith.constant 1 : i32
      %dma_wait3A_121 = arith.constant 128 : i32
      %dma_wait3A_122 = arith.constant 0 : i32
      %dma_wait3A_123 = tpu.memref_slice %arg6[%dma_wait3A_121, %dma_wait3A_122] : memref<1280x16xf32, #tpu.memory_space<vmem>> -> memref<128x16xf32, #tpu.memory_space<vmem>>
      %dma_wait3A_124 = arith.constant 0 : i32
      %dma_wait3A_125 = tpu.memref_slice %arg5[%dma_wait3A_120, %dma_wait3A_124] : memref<10x128xi32, #tpu.memory_space<vmem>> -> memref<1x128xi32, #tpu.memory_space<vmem>>
      %dma_wait3A_126 = tpu.memref_squeeze %dma_wait3A_125 : memref<1x128xi32, #tpu.memory_space<vmem>> -> memref<128xi32, #tpu.memory_space<vmem>>
      %dma_wait3A_127 = arith.constant 0 : i32
      %dma_wait3A_128 = arith.constant 0 : i32
      %dma_wait3A_129 = tpu.memref_slice %arg3[%dma_wait3A_127, %dma_wait3A_128] : memref<5335200x16xf32, #tpu.memory_space<hbm>> -> memref<5335200x16xf32, #tpu.memory_space<hbm>>
      tpu.wait_indirect_dma semaphore(%arg7 : memref<!tpu.dma_semaphore, #tpu.memory_space<semaphore_mem>>) src(%dma_wait3A_129 : memref<5335200x16xf32, #tpu.memory_space<hbm>>) dst(%dma_wait3A_123 : memref<128x16xf32, #tpu.memory_space<vmem>>)
      %dma_wait3A_130 = arith.constant 2 : i32
      %dma_wait3A_131 = arith.constant 256 : i32
      %dma_wait3A_132 = arith.constant 0 : i32
      %dma_wait3A_133 = tpu.memref_slice %arg6[%dma_wait3A_131, %dma_wait3A_132] : memref<1280x16xf32, #tpu.memory_space<vmem>> -> memref<128x16xf32, #tpu.memory_space<vmem>>
      %dma_wait3A_134 = arith.constant 0 : i32
      %dma_wait3A_135 = tpu.memref_slice %arg5[%dma_wait3A_130, %dma_wait3A_134] : memref<10x128xi32, #tpu.memory_space<vmem>> -> memref<1x128xi32, #tpu.memory_space<vmem>>
      %dma_wait3A_136 = tpu.memref_squeeze %dma_wait3A_135 : memref<1x128xi32, #tpu.memory_space<vmem>> -> memref<128xi32, #tpu.memory_space<vmem>>
      %dma_wait3A_137 = arith.constant 0 : i32
      %dma_wait3A_138 = arith.constant 0 : i32
      %dma_wait3A_139 = tpu.memref_slice %arg3[%dma_wait3A_137, %dma_wait3A_138] : memref<5335200x16xf32, #tpu.memory_space<hbm>> -> memref<5335200x16xf32, #tpu.memory_space<hbm>>
      tpu.wait_indirect_dma semaphore(%arg7 : memref<!tpu.dma_semaphore, #tpu.memory_space<semaphore_mem>>) src(%dma_wait3A_139 : memref<5335200x16xf32, #tpu.memory_space<hbm>>) dst(%dma_wait3A_133 : memref<128x16xf32, #tpu.memory_space<vmem>>)
      %dma_wait3A_140 = arith.constant 3 : i32
      %dma_wait3A_141 = arith.constant 384 : i32
      %dma_wait3A_142 = arith.constant 0 : i32
      %dma_wait3A_143 = tpu.memref_slice %arg6[%dma_wait3A_141, %dma_wait3A_142] : memref<1280x16xf32, #tpu.memory_space<vmem>> -> memref<128x16xf32, #tpu.memory_space<vmem>>
      %dma_wait3A_144 = arith.constant 0 : i32
      %dma_wait3A_145 = tpu.memref_slice %arg5[%dma_wait3A_140, %dma_wait3A_144] : memref<10x128xi32, #tpu.memory_space<vmem>> -> memref<1x128xi32, #tpu.memory_space<vmem>>
      %dma_wait3A_146 = tpu.memref_squeeze %dma_wait3A_145 : memref<1x128xi32, #tpu.memory_space<vmem>> -> memref<128xi32, #tpu.memory_space<vmem>>
      %dma_wait3A_147 = arith.constant 0 : i32
      %dma_wait3A_148 = arith.constant 0 : i32
      %dma_wait3A_149 = tpu.memref_slice %arg3[%dma_wait3A_147, %dma_wait3A_148] : memref<5335200x16xf32, #tpu.memory_space<hbm>> -> memref<5335200x16xf32, #tpu.memory_space<hbm>>
      tpu.wait_indirect_dma semaphore(%arg7 : memref<!tpu.dma_semaphore, #tpu.memory_space<semaphore_mem>>) src(%dma_wait3A_149 : memref<5335200x16xf32, #tpu.memory_space<hbm>>) dst(%dma_wait3A_143 : memref<128x16xf32, #tpu.memory_space<vmem>>)
      %dma_wait3A_150 = arith.constant 4 : i32
      %dma_wait3A_151 = arith.constant 512 : i32
      %dma_wait3A_152 = arith.constant 0 : i32
      %dma_wait3A_153 = tpu.memref_slice %arg6[%dma_wait3A_151, %dma_wait3A_152] : memref<1280x16xf32, #tpu.memory_space<vmem>> -> memref<128x16xf32, #tpu.memory_space<vmem>>
      %dma_wait3A_154 = arith.constant 0 : i32
      %dma_wait3A_155 = tpu.memref_slice %arg5[%dma_wait3A_150, %dma_wait3A_154] : memref<10x128xi32, #tpu.memory_space<vmem>> -> memref<1x128xi32, #tpu.memory_space<vmem>>
      %dma_wait3A_156 = tpu.memref_squeeze %dma_wait3A_155 : memref<1x128xi32, #tpu.memory_space<vmem>> -> memref<128xi32, #tpu.memory_space<vmem>>
      %dma_wait3A_157 = arith.constant 0 : i32
      %dma_wait3A_158 = arith.constant 0 : i32
      %dma_wait3A_159 = tpu.memref_slice %arg3[%dma_wait3A_157, %dma_wait3A_158] : memref<5335200x16xf32, #tpu.memory_space<hbm>> -> memref<5335200x16xf32, #tpu.memory_space<hbm>>
      tpu.wait_indirect_dma semaphore(%arg7 : memref<!tpu.dma_semaphore, #tpu.memory_space<semaphore_mem>>) src(%dma_wait3A_159 : memref<5335200x16xf32, #tpu.memory_space<hbm>>) dst(%dma_wait3A_153 : memref<128x16xf32, #tpu.memory_space<vmem>>)
      %dma_wait3A_160 = arith.constant 5 : i32
      %dma_wait3A_161 = arith.constant 640 : i32
      %dma_wait3A_162 = arith.constant 0 : i32
      %dma_wait3A_163 = tpu.memref_slice %arg6[%dma_wait3A_161, %dma_wait3A_162] : memref<1280x16xf32, #tpu.memory_space<vmem>> -> memref<128x16xf32, #tpu.memory_space<vmem>>
      %dma_wait3A_164 = arith.constant 0 : i32
      %dma_wait3A_165 = tpu.memref_slice %arg5[%dma_wait3A_160, %dma_wait3A_164] : memref<10x128xi32, #tpu.memory_space<vmem>> -> memref<1x128xi32, #tpu.memory_space<vmem>>
      %dma_wait3A_166 = tpu.memref_squeeze %dma_wait3A_165 : memref<1x128xi32, #tpu.memory_space<vmem>> -> memref<128xi32, #tpu.memory_space<vmem>>
      %dma_wait3A_167 = arith.constant 0 : i32
      %dma_wait3A_168 = arith.constant 0 : i32
      %dma_wait3A_169 = tpu.memref_slice %arg3[%dma_wait3A_167, %dma_wait3A_168] : memref<5335200x16xf32, #tpu.memory_space<hbm>> -> memref<5335200x16xf32, #tpu.memory_space<hbm>>
      tpu.wait_indirect_dma semaphore(%arg7 : memref<!tpu.dma_semaphore, #tpu.memory_space<semaphore_mem>>) src(%dma_wait3A_169 : memref<5335200x16xf32, #tpu.memory_space<hbm>>) dst(%dma_wait3A_163 : memref<128x16xf32, #tpu.memory_space<vmem>>)
      %dma_wait3A_170 = arith.constant 6 : i32
      %dma_wait3A_171 = arith.constant 768 : i32
      %dma_wait3A_172 = arith.constant 0 : i32
      %dma_wait3A_173 = tpu.memref_slice %arg6[%dma_wait3A_171, %dma_wait3A_172] : memref<1280x16xf32, #tpu.memory_space<vmem>> -> memref<128x16xf32, #tpu.memory_space<vmem>>
      %dma_wait3A_174 = arith.constant 0 : i32
      %dma_wait3A_175 = tpu.memref_slice %arg5[%dma_wait3A_170, %dma_wait3A_174] : memref<10x128xi32, #tpu.memory_space<vmem>> -> memref<1x128xi32, #tpu.memory_space<vmem>>
      %dma_wait3A_176 = tpu.memref_squeeze %dma_wait3A_175 : memref<1x128xi32, #tpu.memory_space<vmem>> -> memref<128xi32, #tpu.memory_space<vmem>>
      %dma_wait3A_177 = arith.constant 0 : i32
      %dma_wait3A_178 = arith.constant 0 : i32
      %dma_wait3A_179 = tpu.memref_slice %arg3[%dma_wait3A_177, %dma_wait3A_178] : memref<5335200x16xf32, #tpu.memory_space<hbm>> -> memref<5335200x16xf32, #tpu.memory_space<hbm>>
      tpu.wait_indirect_dma semaphore(%arg7 : memref<!tpu.dma_semaphore, #tpu.memory_space<semaphore_mem>>) src(%dma_wait3A_179 : memref<5335200x16xf32, #tpu.memory_space<hbm>>) dst(%dma_wait3A_173 : memref<128x16xf32, #tpu.memory_space<vmem>>)
      %dma_wait3A_180 = arith.constant 7 : i32
      %dma_wait3A_181 = arith.constant 896 : i32
      %dma_wait3A_182 = arith.constant 0 : i32
      %dma_wait3A_183 = tpu.memref_slice %arg6[%dma_wait3A_181, %dma_wait3A_182] : memref<1280x16xf32, #tpu.memory_space<vmem>> -> memref<128x16xf32, #tpu.memory_space<vmem>>
      %dma_wait3A_184 = arith.constant 0 : i32
      %dma_wait3A_185 = tpu.memref_slice %arg5[%dma_wait3A_180, %dma_wait3A_184] : memref<10x128xi32, #tpu.memory_space<vmem>> -> memref<1x128xi32, #tpu.memory_space<vmem>>
      %dma_wait3A_186 = tpu.memref_squeeze %dma_wait3A_185 : memref<1x128xi32, #tpu.memory_space<vmem>> -> memref<128xi32, #tpu.memory_space<vmem>>
      %dma_wait3A_187 = arith.constant 0 : i32
      %dma_wait3A_188 = arith.constant 0 : i32
      %dma_wait3A_189 = tpu.memref_slice %arg3[%dma_wait3A_187, %dma_wait3A_188] : memref<5335200x16xf32, #tpu.memory_space<hbm>> -> memref<5335200x16xf32, #tpu.memory_space<hbm>>
      tpu.wait_indirect_dma semaphore(%arg7 : memref<!tpu.dma_semaphore, #tpu.memory_space<semaphore_mem>>) src(%dma_wait3A_189 : memref<5335200x16xf32, #tpu.memory_space<hbm>>) dst(%dma_wait3A_183 : memref<128x16xf32, #tpu.memory_space<vmem>>)
      %dma_wait3A_190 = arith.constant 8 : i32
      %dma_wait3A_191 = arith.constant 1024 : i32
      %dma_wait3A_192 = arith.constant 0 : i32
      %dma_wait3A_193 = tpu.memref_slice %arg6[%dma_wait3A_191, %dma_wait3A_192] : memref<1280x16xf32, #tpu.memory_space<vmem>> -> memref<128x16xf32, #tpu.memory_space<vmem>>
      %dma_wait3A_194 = arith.constant 0 : i32
      %dma_wait3A_195 = tpu.memref_slice %arg5[%dma_wait3A_190, %dma_wait3A_194] : memref<10x128xi32, #tpu.memory_space<vmem>> -> memref<1x128xi32, #tpu.memory_space<vmem>>
      %dma_wait3A_196 = tpu.memref_squeeze %dma_wait3A_195 : memref<1x128xi32, #tpu.memory_space<vmem>> -> memref<128xi32, #tpu.memory_space<vmem>>
      %dma_wait3A_197 = arith.constant 0 : i32
      %dma_wait3A_198 = arith.constant 0 : i32
      %dma_wait3A_199 = tpu.memref_slice %arg3[%dma_wait3A_197, %dma_wait3A_198] : memref<5335200x16xf32, #tpu.memory_space<hbm>> -> memref<5335200x16xf32, #tpu.memory_space<hbm>>
      tpu.wait_indirect_dma semaphore(%arg7 : memref<!tpu.dma_semaphore, #tpu.memory_space<semaphore_mem>>) src(%dma_wait3A_199 : memref<5335200x16xf32, #tpu.memory_space<hbm>>) dst(%dma_wait3A_193 : memref<128x16xf32, #tpu.memory_space<vmem>>)
      %dma_wait3A_200 = arith.constant 9 : i32
      %dma_wait3A_201 = arith.constant 1152 : i32
      %dma_wait3A_202 = arith.constant 0 : i32
      %dma_wait3A_203 = tpu.memref_slice %arg6[%dma_wait3A_201, %dma_wait3A_202] : memref<1280x16xf32, #tpu.memory_space<vmem>> -> memref<128x16xf32, #tpu.memory_space<vmem>>
      %dma_wait3A_204 = arith.constant 0 : i32
      %dma_wait3A_205 = tpu.memref_slice %arg5[%dma_wait3A_200, %dma_wait3A_204] : memref<10x128xi32, #tpu.memory_space<vmem>> -> memref<1x128xi32, #tpu.memory_space<vmem>>
      %dma_wait3A_206 = tpu.memref_squeeze %dma_wait3A_205 : memref<1x128xi32, #tpu.memory_space<vmem>> -> memref<128xi32, #tpu.memory_space<vmem>>
      %dma_wait3A_207 = arith.constant 0 : i32
      %dma_wait3A_208 = arith.constant 0 : i32
      %dma_wait3A_209 = tpu.memref_slice %arg3[%dma_wait3A_207, %dma_wait3A_208] : memref<5335200x16xf32, #tpu.memory_space<hbm>> -> memref<5335200x16xf32, #tpu.memory_space<hbm>>
      tpu.wait_indirect_dma semaphore(%arg7 : memref<!tpu.dma_semaphore, #tpu.memory_space<semaphore_mem>>) src(%dma_wait3A_209 : memref<5335200x16xf32, #tpu.memory_space<hbm>>) dst(%dma_wait3A_203 : memref<128x16xf32, #tpu.memory_space<vmem>>)
      %mul3A_210 = arith.constant 1280 : i32
      %mul3A_211 = arith.muli %scan3A_8, %mul3A_210 : i32
      %add3A_212 = arith.addi %mul3A_2, %mul3A_211 : i32
      "tpu.region"() ({
        %run_scoped3A = tpu.sem_alloc : memref<!tpu.dma_semaphore, #tpu.memory_space<semaphore_mem>>
        %dma_start3A_213 = arith.constant 0 : i32
        %dma_start3A_214 = tpu.memref_slice %arg4[%add3A_212, %dma_start3A_213] : memref<5529600x16xf32, #tpu.memory_space<hbm>> -> memref<1280x16xf32, #tpu.memory_space<hbm>>
        %dma_start3A_215 = arith.constant 0 : i32
        %dma_start3A_216 = tpu.memref_slice %arg4[%add3A_212, %dma_start3A_215] : memref<5529600x16xf32, #tpu.memory_space<hbm>> -> memref<1280x16xf32, #tpu.memory_space<hbm>>
        tpu.enqueue_dma source(%arg6 : memref<1280x16xf32, #tpu.memory_space<vmem>>) target(%dma_start3A_216 : memref<1280x16xf32, #tpu.memory_space<hbm>>) target_semaphore(%run_scoped3A : memref<!tpu.dma_semaphore, #tpu.memory_space<semaphore_mem>>)
        %dma_wait3A_217 = arith.constant 0 : i32
        %dma_wait3A_218 = tpu.memref_slice %arg4[%add3A_212, %dma_wait3A_217] : memref<5529600x16xf32, #tpu.memory_space<hbm>> -> memref<1280x16xf32, #tpu.memory_space<hbm>>
        %dma_wait3A_219 = arith.constant 0 : i32
        %dma_wait3A_220 = tpu.memref_slice %arg4[%add3A_212, %dma_wait3A_219] : memref<5529600x16xf32, #tpu.memory_space<hbm>> -> memref<1280x16xf32, #tpu.memory_space<hbm>>
        tpu.wait_dma2 semaphore(%run_scoped3A : memref<!tpu.dma_semaphore, #tpu.memory_space<semaphore_mem>>) src(%arg6 : memref<1280x16xf32, #tpu.memory_space<vmem>>) dst(%dma_wait3A_220 : memref<1280x16xf32, #tpu.memory_space<hbm>>)
        tpu.yield
      }) : () -> ()
    }
    %scan3A_7 = arith.constant 135 : i32
    return
  }
}

module attributes {stable_mosaic.version = 14 : i64} {
  func.func @_mmk_body(%arg0: i32, %arg1: memref<27x800x16xf32, #tpu.memory_space<vmem>>, %arg2: memref<27x16x32xf32, #tpu.memory_space<vmem>>, %arg3: memref<800x32xf32, #tpu.memory_space<vmem>>) attributes {dimension_semantics = [#tpu.dimension_semantics<arbitrary>], iteration_bounds = array<i64: 242>, scalar_prefetch = 0 : i64, scratch_operands = 0 : i64, tpu.core_type = #tpu.core_type<tc>, window_params = [{transform_indices = @transform_0, window_bounds = array<i64: 27, 800, 16>}, {pipeline_mode = #tpu.pipeline_mode<synchronous>, transform_indices = @transform_1, window_bounds = array<i64: 27, 16, 32>}, {transform_indices = @transform_2, window_bounds = array<i64: 800, 32>}]} {
    %get3A = arith.constant 0 : index
    %get3A_0 = arith.constant 0 : index
    %get3A_1 = arith.constant 0 : index
    %get3A_2 = vector.load %arg1[%get3A, %get3A_0, %get3A_1] : memref<27x800x16xf32, #tpu.memory_space<vmem>>, vector<1x800x16xf32>
    %get3A_3 = vector.shape_cast %get3A_2 : vector<1x800x16xf32> to vector<800x16xf32>
    %get3A_4 = arith.constant 0 : index
    %get3A_5 = arith.constant 0 : index
    %get3A_6 = arith.constant 0 : index
    %get3A_7 = vector.load %arg2[%get3A_4, %get3A_5, %get3A_6] : memref<27x16x32xf32, #tpu.memory_space<vmem>>, vector<1x16x32xf32>
    %get3A_8 = vector.shape_cast %get3A_7 : vector<1x16x32xf32> to vector<16x32xf32>
    %dot_general3A = arith.constant dense<0.000000e+00> : vector<800x32xf32>
    %dot_general3A_9 = tpu.matmul %get3A_3, %get3A_8, %dot_general3A {dimension_numbers = #tpu.dot_dimension_numbers<[1], [0], [0], [1], [0, 0, 1, 1], [], []>, transpose_lhs_hint = false} : vector<800x16xf32>, vector<16x32xf32>, vector<800x32xf32> -> vector<800x32xf32>
    %get3A_10 = arith.constant 1 : index
    %get3A_11 = arith.constant 0 : index
    %get3A_12 = arith.constant 0 : index
    %get3A_13 = vector.load %arg1[%get3A_10, %get3A_11, %get3A_12] : memref<27x800x16xf32, #tpu.memory_space<vmem>>, vector<1x800x16xf32>
    %get3A_14 = vector.shape_cast %get3A_13 : vector<1x800x16xf32> to vector<800x16xf32>
    %get3A_15 = arith.constant 1 : index
    %get3A_16 = arith.constant 0 : index
    %get3A_17 = arith.constant 0 : index
    %get3A_18 = vector.load %arg2[%get3A_15, %get3A_16, %get3A_17] : memref<27x16x32xf32, #tpu.memory_space<vmem>>, vector<1x16x32xf32>
    %get3A_19 = vector.shape_cast %get3A_18 : vector<1x16x32xf32> to vector<16x32xf32>
    %dot_general3A_20 = arith.constant dense<0.000000e+00> : vector<800x32xf32>
    %dot_general3A_21 = tpu.matmul %get3A_14, %get3A_19, %dot_general3A_20 {dimension_numbers = #tpu.dot_dimension_numbers<[1], [0], [0], [1], [0, 0, 1, 1], [], []>, transpose_lhs_hint = false} : vector<800x16xf32>, vector<16x32xf32>, vector<800x32xf32> -> vector<800x32xf32>
    %add3A = arith.addf %dot_general3A_9, %dot_general3A_21 : vector<800x32xf32>
    %get3A_22 = arith.constant 2 : index
    %get3A_23 = arith.constant 0 : index
    %get3A_24 = arith.constant 0 : index
    %get3A_25 = vector.load %arg1[%get3A_22, %get3A_23, %get3A_24] : memref<27x800x16xf32, #tpu.memory_space<vmem>>, vector<1x800x16xf32>
    %get3A_26 = vector.shape_cast %get3A_25 : vector<1x800x16xf32> to vector<800x16xf32>
    %get3A_27 = arith.constant 2 : index
    %get3A_28 = arith.constant 0 : index
    %get3A_29 = arith.constant 0 : index
    %get3A_30 = vector.load %arg2[%get3A_27, %get3A_28, %get3A_29] : memref<27x16x32xf32, #tpu.memory_space<vmem>>, vector<1x16x32xf32>
    %get3A_31 = vector.shape_cast %get3A_30 : vector<1x16x32xf32> to vector<16x32xf32>
    %dot_general3A_32 = arith.constant dense<0.000000e+00> : vector<800x32xf32>
    %dot_general3A_33 = tpu.matmul %get3A_26, %get3A_31, %dot_general3A_32 {dimension_numbers = #tpu.dot_dimension_numbers<[1], [0], [0], [1], [0, 0, 1, 1], [], []>, transpose_lhs_hint = false} : vector<800x16xf32>, vector<16x32xf32>, vector<800x32xf32> -> vector<800x32xf32>
    %add3A_34 = arith.addf %add3A, %dot_general3A_33 : vector<800x32xf32>
    %get3A_35 = arith.constant 3 : index
    %get3A_36 = arith.constant 0 : index
    %get3A_37 = arith.constant 0 : index
    %get3A_38 = vector.load %arg1[%get3A_35, %get3A_36, %get3A_37] : memref<27x800x16xf32, #tpu.memory_space<vmem>>, vector<1x800x16xf32>
    %get3A_39 = vector.shape_cast %get3A_38 : vector<1x800x16xf32> to vector<800x16xf32>
    %get3A_40 = arith.constant 3 : index
    %get3A_41 = arith.constant 0 : index
    %get3A_42 = arith.constant 0 : index
    %get3A_43 = vector.load %arg2[%get3A_40, %get3A_41, %get3A_42] : memref<27x16x32xf32, #tpu.memory_space<vmem>>, vector<1x16x32xf32>
    %get3A_44 = vector.shape_cast %get3A_43 : vector<1x16x32xf32> to vector<16x32xf32>
    %dot_general3A_45 = arith.constant dense<0.000000e+00> : vector<800x32xf32>
    %dot_general3A_46 = tpu.matmul %get3A_39, %get3A_44, %dot_general3A_45 {dimension_numbers = #tpu.dot_dimension_numbers<[1], [0], [0], [1], [0, 0, 1, 1], [], []>, transpose_lhs_hint = false} : vector<800x16xf32>, vector<16x32xf32>, vector<800x32xf32> -> vector<800x32xf32>
    %add3A_47 = arith.addf %add3A_34, %dot_general3A_46 : vector<800x32xf32>
    %get3A_48 = arith.constant 4 : index
    %get3A_49 = arith.constant 0 : index
    %get3A_50 = arith.constant 0 : index
    %get3A_51 = vector.load %arg1[%get3A_48, %get3A_49, %get3A_50] : memref<27x800x16xf32, #tpu.memory_space<vmem>>, vector<1x800x16xf32>
    %get3A_52 = vector.shape_cast %get3A_51 : vector<1x800x16xf32> to vector<800x16xf32>
    %get3A_53 = arith.constant 4 : index
    %get3A_54 = arith.constant 0 : index
    %get3A_55 = arith.constant 0 : index
    %get3A_56 = vector.load %arg2[%get3A_53, %get3A_54, %get3A_55] : memref<27x16x32xf32, #tpu.memory_space<vmem>>, vector<1x16x32xf32>
    %get3A_57 = vector.shape_cast %get3A_56 : vector<1x16x32xf32> to vector<16x32xf32>
    %dot_general3A_58 = arith.constant dense<0.000000e+00> : vector<800x32xf32>
    %dot_general3A_59 = tpu.matmul %get3A_52, %get3A_57, %dot_general3A_58 {dimension_numbers = #tpu.dot_dimension_numbers<[1], [0], [0], [1], [0, 0, 1, 1], [], []>, transpose_lhs_hint = false} : vector<800x16xf32>, vector<16x32xf32>, vector<800x32xf32> -> vector<800x32xf32>
    %add3A_60 = arith.addf %add3A_47, %dot_general3A_59 : vector<800x32xf32>
    %get3A_61 = arith.constant 5 : index
    %get3A_62 = arith.constant 0 : index
    %get3A_63 = arith.constant 0 : index
    %get3A_64 = vector.load %arg1[%get3A_61, %get3A_62, %get3A_63] : memref<27x800x16xf32, #tpu.memory_space<vmem>>, vector<1x800x16xf32>
    %get3A_65 = vector.shape_cast %get3A_64 : vector<1x800x16xf32> to vector<800x16xf32>
    %get3A_66 = arith.constant 5 : index
    %get3A_67 = arith.constant 0 : index
    %get3A_68 = arith.constant 0 : index
    %get3A_69 = vector.load %arg2[%get3A_66, %get3A_67, %get3A_68] : memref<27x16x32xf32, #tpu.memory_space<vmem>>, vector<1x16x32xf32>
    %get3A_70 = vector.shape_cast %get3A_69 : vector<1x16x32xf32> to vector<16x32xf32>
    %dot_general3A_71 = arith.constant dense<0.000000e+00> : vector<800x32xf32>
    %dot_general3A_72 = tpu.matmul %get3A_65, %get3A_70, %dot_general3A_71 {dimension_numbers = #tpu.dot_dimension_numbers<[1], [0], [0], [1], [0, 0, 1, 1], [], []>, transpose_lhs_hint = false} : vector<800x16xf32>, vector<16x32xf32>, vector<800x32xf32> -> vector<800x32xf32>
    %add3A_73 = arith.addf %add3A_60, %dot_general3A_72 : vector<800x32xf32>
    %get3A_74 = arith.constant 6 : index
    %get3A_75 = arith.constant 0 : index
    %get3A_76 = arith.constant 0 : index
    %get3A_77 = vector.load %arg1[%get3A_74, %get3A_75, %get3A_76] : memref<27x800x16xf32, #tpu.memory_space<vmem>>, vector<1x800x16xf32>
    %get3A_78 = vector.shape_cast %get3A_77 : vector<1x800x16xf32> to vector<800x16xf32>
    %get3A_79 = arith.constant 6 : index
    %get3A_80 = arith.constant 0 : index
    %get3A_81 = arith.constant 0 : index
    %get3A_82 = vector.load %arg2[%get3A_79, %get3A_80, %get3A_81] : memref<27x16x32xf32, #tpu.memory_space<vmem>>, vector<1x16x32xf32>
    %get3A_83 = vector.shape_cast %get3A_82 : vector<1x16x32xf32> to vector<16x32xf32>
    %dot_general3A_84 = arith.constant dense<0.000000e+00> : vector<800x32xf32>
    %dot_general3A_85 = tpu.matmul %get3A_78, %get3A_83, %dot_general3A_84 {dimension_numbers = #tpu.dot_dimension_numbers<[1], [0], [0], [1], [0, 0, 1, 1], [], []>, transpose_lhs_hint = false} : vector<800x16xf32>, vector<16x32xf32>, vector<800x32xf32> -> vector<800x32xf32>
    %add3A_86 = arith.addf %add3A_73, %dot_general3A_85 : vector<800x32xf32>
    %get3A_87 = arith.constant 7 : index
    %get3A_88 = arith.constant 0 : index
    %get3A_89 = arith.constant 0 : index
    %get3A_90 = vector.load %arg1[%get3A_87, %get3A_88, %get3A_89] : memref<27x800x16xf32, #tpu.memory_space<vmem>>, vector<1x800x16xf32>
    %get3A_91 = vector.shape_cast %get3A_90 : vector<1x800x16xf32> to vector<800x16xf32>
    %get3A_92 = arith.constant 7 : index
    %get3A_93 = arith.constant 0 : index
    %get3A_94 = arith.constant 0 : index
    %get3A_95 = vector.load %arg2[%get3A_92, %get3A_93, %get3A_94] : memref<27x16x32xf32, #tpu.memory_space<vmem>>, vector<1x16x32xf32>
    %get3A_96 = vector.shape_cast %get3A_95 : vector<1x16x32xf32> to vector<16x32xf32>
    %dot_general3A_97 = arith.constant dense<0.000000e+00> : vector<800x32xf32>
    %dot_general3A_98 = tpu.matmul %get3A_91, %get3A_96, %dot_general3A_97 {dimension_numbers = #tpu.dot_dimension_numbers<[1], [0], [0], [1], [0, 0, 1, 1], [], []>, transpose_lhs_hint = false} : vector<800x16xf32>, vector<16x32xf32>, vector<800x32xf32> -> vector<800x32xf32>
    %add3A_99 = arith.addf %add3A_86, %dot_general3A_98 : vector<800x32xf32>
    %get3A_100 = arith.constant 8 : index
    %get3A_101 = arith.constant 0 : index
    %get3A_102 = arith.constant 0 : index
    %get3A_103 = vector.load %arg1[%get3A_100, %get3A_101, %get3A_102] : memref<27x800x16xf32, #tpu.memory_space<vmem>>, vector<1x800x16xf32>
    %get3A_104 = vector.shape_cast %get3A_103 : vector<1x800x16xf32> to vector<800x16xf32>
    %get3A_105 = arith.constant 8 : index
    %get3A_106 = arith.constant 0 : index
    %get3A_107 = arith.constant 0 : index
    %get3A_108 = vector.load %arg2[%get3A_105, %get3A_106, %get3A_107] : memref<27x16x32xf32, #tpu.memory_space<vmem>>, vector<1x16x32xf32>
    %get3A_109 = vector.shape_cast %get3A_108 : vector<1x16x32xf32> to vector<16x32xf32>
    %dot_general3A_110 = arith.constant dense<0.000000e+00> : vector<800x32xf32>
    %dot_general3A_111 = tpu.matmul %get3A_104, %get3A_109, %dot_general3A_110 {dimension_numbers = #tpu.dot_dimension_numbers<[1], [0], [0], [1], [0, 0, 1, 1], [], []>, transpose_lhs_hint = false} : vector<800x16xf32>, vector<16x32xf32>, vector<800x32xf32> -> vector<800x32xf32>
    %add3A_112 = arith.addf %add3A_99, %dot_general3A_111 : vector<800x32xf32>
    %get3A_113 = arith.constant 9 : index
    %get3A_114 = arith.constant 0 : index
    %get3A_115 = arith.constant 0 : index
    %get3A_116 = vector.load %arg1[%get3A_113, %get3A_114, %get3A_115] : memref<27x800x16xf32, #tpu.memory_space<vmem>>, vector<1x800x16xf32>
    %get3A_117 = vector.shape_cast %get3A_116 : vector<1x800x16xf32> to vector<800x16xf32>
    %get3A_118 = arith.constant 9 : index
    %get3A_119 = arith.constant 0 : index
    %get3A_120 = arith.constant 0 : index
    %get3A_121 = vector.load %arg2[%get3A_118, %get3A_119, %get3A_120] : memref<27x16x32xf32, #tpu.memory_space<vmem>>, vector<1x16x32xf32>
    %get3A_122 = vector.shape_cast %get3A_121 : vector<1x16x32xf32> to vector<16x32xf32>
    %dot_general3A_123 = arith.constant dense<0.000000e+00> : vector<800x32xf32>
    %dot_general3A_124 = tpu.matmul %get3A_117, %get3A_122, %dot_general3A_123 {dimension_numbers = #tpu.dot_dimension_numbers<[1], [0], [0], [1], [0, 0, 1, 1], [], []>, transpose_lhs_hint = false} : vector<800x16xf32>, vector<16x32xf32>, vector<800x32xf32> -> vector<800x32xf32>
    %add3A_125 = arith.addf %add3A_112, %dot_general3A_124 : vector<800x32xf32>
    %get3A_126 = arith.constant 10 : index
    %get3A_127 = arith.constant 0 : index
    %get3A_128 = arith.constant 0 : index
    %get3A_129 = vector.load %arg1[%get3A_126, %get3A_127, %get3A_128] : memref<27x800x16xf32, #tpu.memory_space<vmem>>, vector<1x800x16xf32>
    %get3A_130 = vector.shape_cast %get3A_129 : vector<1x800x16xf32> to vector<800x16xf32>
    %get3A_131 = arith.constant 10 : index
    %get3A_132 = arith.constant 0 : index
    %get3A_133 = arith.constant 0 : index
    %get3A_134 = vector.load %arg2[%get3A_131, %get3A_132, %get3A_133] : memref<27x16x32xf32, #tpu.memory_space<vmem>>, vector<1x16x32xf32>
    %get3A_135 = vector.shape_cast %get3A_134 : vector<1x16x32xf32> to vector<16x32xf32>
    %dot_general3A_136 = arith.constant dense<0.000000e+00> : vector<800x32xf32>
    %dot_general3A_137 = tpu.matmul %get3A_130, %get3A_135, %dot_general3A_136 {dimension_numbers = #tpu.dot_dimension_numbers<[1], [0], [0], [1], [0, 0, 1, 1], [], []>, transpose_lhs_hint = false} : vector<800x16xf32>, vector<16x32xf32>, vector<800x32xf32> -> vector<800x32xf32>
    %add3A_138 = arith.addf %add3A_125, %dot_general3A_137 : vector<800x32xf32>
    %get3A_139 = arith.constant 11 : index
    %get3A_140 = arith.constant 0 : index
    %get3A_141 = arith.constant 0 : index
    %get3A_142 = vector.load %arg1[%get3A_139, %get3A_140, %get3A_141] : memref<27x800x16xf32, #tpu.memory_space<vmem>>, vector<1x800x16xf32>
    %get3A_143 = vector.shape_cast %get3A_142 : vector<1x800x16xf32> to vector<800x16xf32>
    %get3A_144 = arith.constant 11 : index
    %get3A_145 = arith.constant 0 : index
    %get3A_146 = arith.constant 0 : index
    %get3A_147 = vector.load %arg2[%get3A_144, %get3A_145, %get3A_146] : memref<27x16x32xf32, #tpu.memory_space<vmem>>, vector<1x16x32xf32>
    %get3A_148 = vector.shape_cast %get3A_147 : vector<1x16x32xf32> to vector<16x32xf32>
    %dot_general3A_149 = arith.constant dense<0.000000e+00> : vector<800x32xf32>
    %dot_general3A_150 = tpu.matmul %get3A_143, %get3A_148, %dot_general3A_149 {dimension_numbers = #tpu.dot_dimension_numbers<[1], [0], [0], [1], [0, 0, 1, 1], [], []>, transpose_lhs_hint = false} : vector<800x16xf32>, vector<16x32xf32>, vector<800x32xf32> -> vector<800x32xf32>
    %add3A_151 = arith.addf %add3A_138, %dot_general3A_150 : vector<800x32xf32>
    %get3A_152 = arith.constant 12 : index
    %get3A_153 = arith.constant 0 : index
    %get3A_154 = arith.constant 0 : index
    %get3A_155 = vector.load %arg1[%get3A_152, %get3A_153, %get3A_154] : memref<27x800x16xf32, #tpu.memory_space<vmem>>, vector<1x800x16xf32>
    %get3A_156 = vector.shape_cast %get3A_155 : vector<1x800x16xf32> to vector<800x16xf32>
    %get3A_157 = arith.constant 12 : index
    %get3A_158 = arith.constant 0 : index
    %get3A_159 = arith.constant 0 : index
    %get3A_160 = vector.load %arg2[%get3A_157, %get3A_158, %get3A_159] : memref<27x16x32xf32, #tpu.memory_space<vmem>>, vector<1x16x32xf32>
    %get3A_161 = vector.shape_cast %get3A_160 : vector<1x16x32xf32> to vector<16x32xf32>
    %dot_general3A_162 = arith.constant dense<0.000000e+00> : vector<800x32xf32>
    %dot_general3A_163 = tpu.matmul %get3A_156, %get3A_161, %dot_general3A_162 {dimension_numbers = #tpu.dot_dimension_numbers<[1], [0], [0], [1], [0, 0, 1, 1], [], []>, transpose_lhs_hint = false} : vector<800x16xf32>, vector<16x32xf32>, vector<800x32xf32> -> vector<800x32xf32>
    %add3A_164 = arith.addf %add3A_151, %dot_general3A_163 : vector<800x32xf32>
    %get3A_165 = arith.constant 13 : index
    %get3A_166 = arith.constant 0 : index
    %get3A_167 = arith.constant 0 : index
    %get3A_168 = vector.load %arg1[%get3A_165, %get3A_166, %get3A_167] : memref<27x800x16xf32, #tpu.memory_space<vmem>>, vector<1x800x16xf32>
    %get3A_169 = vector.shape_cast %get3A_168 : vector<1x800x16xf32> to vector<800x16xf32>
    %get3A_170 = arith.constant 13 : index
    %get3A_171 = arith.constant 0 : index
    %get3A_172 = arith.constant 0 : index
    %get3A_173 = vector.load %arg2[%get3A_170, %get3A_171, %get3A_172] : memref<27x16x32xf32, #tpu.memory_space<vmem>>, vector<1x16x32xf32>
    %get3A_174 = vector.shape_cast %get3A_173 : vector<1x16x32xf32> to vector<16x32xf32>
    %dot_general3A_175 = arith.constant dense<0.000000e+00> : vector<800x32xf32>
    %dot_general3A_176 = tpu.matmul %get3A_169, %get3A_174, %dot_general3A_175 {dimension_numbers = #tpu.dot_dimension_numbers<[1], [0], [0], [1], [0, 0, 1, 1], [], []>, transpose_lhs_hint = false} : vector<800x16xf32>, vector<16x32xf32>, vector<800x32xf32> -> vector<800x32xf32>
    %add3A_177 = arith.addf %add3A_164, %dot_general3A_176 : vector<800x32xf32>
    %get3A_178 = arith.constant 14 : index
    %get3A_179 = arith.constant 0 : index
    %get3A_180 = arith.constant 0 : index
    %get3A_181 = vector.load %arg1[%get3A_178, %get3A_179, %get3A_180] : memref<27x800x16xf32, #tpu.memory_space<vmem>>, vector<1x800x16xf32>
    %get3A_182 = vector.shape_cast %get3A_181 : vector<1x800x16xf32> to vector<800x16xf32>
    %get3A_183 = arith.constant 14 : index
    %get3A_184 = arith.constant 0 : index
    %get3A_185 = arith.constant 0 : index
    %get3A_186 = vector.load %arg2[%get3A_183, %get3A_184, %get3A_185] : memref<27x16x32xf32, #tpu.memory_space<vmem>>, vector<1x16x32xf32>
    %get3A_187 = vector.shape_cast %get3A_186 : vector<1x16x32xf32> to vector<16x32xf32>
    %dot_general3A_188 = arith.constant dense<0.000000e+00> : vector<800x32xf32>
    %dot_general3A_189 = tpu.matmul %get3A_182, %get3A_187, %dot_general3A_188 {dimension_numbers = #tpu.dot_dimension_numbers<[1], [0], [0], [1], [0, 0, 1, 1], [], []>, transpose_lhs_hint = false} : vector<800x16xf32>, vector<16x32xf32>, vector<800x32xf32> -> vector<800x32xf32>
    %add3A_190 = arith.addf %add3A_177, %dot_general3A_189 : vector<800x32xf32>
    %get3A_191 = arith.constant 15 : index
    %get3A_192 = arith.constant 0 : index
    %get3A_193 = arith.constant 0 : index
    %get3A_194 = vector.load %arg1[%get3A_191, %get3A_192, %get3A_193] : memref<27x800x16xf32, #tpu.memory_space<vmem>>, vector<1x800x16xf32>
    %get3A_195 = vector.shape_cast %get3A_194 : vector<1x800x16xf32> to vector<800x16xf32>
    %get3A_196 = arith.constant 15 : index
    %get3A_197 = arith.constant 0 : index
    %get3A_198 = arith.constant 0 : index
    %get3A_199 = vector.load %arg2[%get3A_196, %get3A_197, %get3A_198] : memref<27x16x32xf32, #tpu.memory_space<vmem>>, vector<1x16x32xf32>
    %get3A_200 = vector.shape_cast %get3A_199 : vector<1x16x32xf32> to vector<16x32xf32>
    %dot_general3A_201 = arith.constant dense<0.000000e+00> : vector<800x32xf32>
    %dot_general3A_202 = tpu.matmul %get3A_195, %get3A_200, %dot_general3A_201 {dimension_numbers = #tpu.dot_dimension_numbers<[1], [0], [0], [1], [0, 0, 1, 1], [], []>, transpose_lhs_hint = false} : vector<800x16xf32>, vector<16x32xf32>, vector<800x32xf32> -> vector<800x32xf32>
    %add3A_203 = arith.addf %add3A_190, %dot_general3A_202 : vector<800x32xf32>
    %get3A_204 = arith.constant 16 : index
    %get3A_205 = arith.constant 0 : index
    %get3A_206 = arith.constant 0 : index
    %get3A_207 = vector.load %arg1[%get3A_204, %get3A_205, %get3A_206] : memref<27x800x16xf32, #tpu.memory_space<vmem>>, vector<1x800x16xf32>
    %get3A_208 = vector.shape_cast %get3A_207 : vector<1x800x16xf32> to vector<800x16xf32>
    %get3A_209 = arith.constant 16 : index
    %get3A_210 = arith.constant 0 : index
    %get3A_211 = arith.constant 0 : index
    %get3A_212 = vector.load %arg2[%get3A_209, %get3A_210, %get3A_211] : memref<27x16x32xf32, #tpu.memory_space<vmem>>, vector<1x16x32xf32>
    %get3A_213 = vector.shape_cast %get3A_212 : vector<1x16x32xf32> to vector<16x32xf32>
    %dot_general3A_214 = arith.constant dense<0.000000e+00> : vector<800x32xf32>
    %dot_general3A_215 = tpu.matmul %get3A_208, %get3A_213, %dot_general3A_214 {dimension_numbers = #tpu.dot_dimension_numbers<[1], [0], [0], [1], [0, 0, 1, 1], [], []>, transpose_lhs_hint = false} : vector<800x16xf32>, vector<16x32xf32>, vector<800x32xf32> -> vector<800x32xf32>
    %add3A_216 = arith.addf %add3A_203, %dot_general3A_215 : vector<800x32xf32>
    %get3A_217 = arith.constant 17 : index
    %get3A_218 = arith.constant 0 : index
    %get3A_219 = arith.constant 0 : index
    %get3A_220 = vector.load %arg1[%get3A_217, %get3A_218, %get3A_219] : memref<27x800x16xf32, #tpu.memory_space<vmem>>, vector<1x800x16xf32>
    %get3A_221 = vector.shape_cast %get3A_220 : vector<1x800x16xf32> to vector<800x16xf32>
    %get3A_222 = arith.constant 17 : index
    %get3A_223 = arith.constant 0 : index
    %get3A_224 = arith.constant 0 : index
    %get3A_225 = vector.load %arg2[%get3A_222, %get3A_223, %get3A_224] : memref<27x16x32xf32, #tpu.memory_space<vmem>>, vector<1x16x32xf32>
    %get3A_226 = vector.shape_cast %get3A_225 : vector<1x16x32xf32> to vector<16x32xf32>
    %dot_general3A_227 = arith.constant dense<0.000000e+00> : vector<800x32xf32>
    %dot_general3A_228 = tpu.matmul %get3A_221, %get3A_226, %dot_general3A_227 {dimension_numbers = #tpu.dot_dimension_numbers<[1], [0], [0], [1], [0, 0, 1, 1], [], []>, transpose_lhs_hint = false} : vector<800x16xf32>, vector<16x32xf32>, vector<800x32xf32> -> vector<800x32xf32>
    %add3A_229 = arith.addf %add3A_216, %dot_general3A_228 : vector<800x32xf32>
    %get3A_230 = arith.constant 18 : index
    %get3A_231 = arith.constant 0 : index
    %get3A_232 = arith.constant 0 : index
    %get3A_233 = vector.load %arg1[%get3A_230, %get3A_231, %get3A_232] : memref<27x800x16xf32, #tpu.memory_space<vmem>>, vector<1x800x16xf32>
    %get3A_234 = vector.shape_cast %get3A_233 : vector<1x800x16xf32> to vector<800x16xf32>
    %get3A_235 = arith.constant 18 : index
    %get3A_236 = arith.constant 0 : index
    %get3A_237 = arith.constant 0 : index
    %get3A_238 = vector.load %arg2[%get3A_235, %get3A_236, %get3A_237] : memref<27x16x32xf32, #tpu.memory_space<vmem>>, vector<1x16x32xf32>
    %get3A_239 = vector.shape_cast %get3A_238 : vector<1x16x32xf32> to vector<16x32xf32>
    %dot_general3A_240 = arith.constant dense<0.000000e+00> : vector<800x32xf32>
    %dot_general3A_241 = tpu.matmul %get3A_234, %get3A_239, %dot_general3A_240 {dimension_numbers = #tpu.dot_dimension_numbers<[1], [0], [0], [1], [0, 0, 1, 1], [], []>, transpose_lhs_hint = false} : vector<800x16xf32>, vector<16x32xf32>, vector<800x32xf32> -> vector<800x32xf32>
    %add3A_242 = arith.addf %add3A_229, %dot_general3A_241 : vector<800x32xf32>
    %get3A_243 = arith.constant 19 : index
    %get3A_244 = arith.constant 0 : index
    %get3A_245 = arith.constant 0 : index
    %get3A_246 = vector.load %arg1[%get3A_243, %get3A_244, %get3A_245] : memref<27x800x16xf32, #tpu.memory_space<vmem>>, vector<1x800x16xf32>
    %get3A_247 = vector.shape_cast %get3A_246 : vector<1x800x16xf32> to vector<800x16xf32>
    %get3A_248 = arith.constant 19 : index
    %get3A_249 = arith.constant 0 : index
    %get3A_250 = arith.constant 0 : index
    %get3A_251 = vector.load %arg2[%get3A_248, %get3A_249, %get3A_250] : memref<27x16x32xf32, #tpu.memory_space<vmem>>, vector<1x16x32xf32>
    %get3A_252 = vector.shape_cast %get3A_251 : vector<1x16x32xf32> to vector<16x32xf32>
    %dot_general3A_253 = arith.constant dense<0.000000e+00> : vector<800x32xf32>
    %dot_general3A_254 = tpu.matmul %get3A_247, %get3A_252, %dot_general3A_253 {dimension_numbers = #tpu.dot_dimension_numbers<[1], [0], [0], [1], [0, 0, 1, 1], [], []>, transpose_lhs_hint = false} : vector<800x16xf32>, vector<16x32xf32>, vector<800x32xf32> -> vector<800x32xf32>
    %add3A_255 = arith.addf %add3A_242, %dot_general3A_254 : vector<800x32xf32>
    %get3A_256 = arith.constant 20 : index
    %get3A_257 = arith.constant 0 : index
    %get3A_258 = arith.constant 0 : index
    %get3A_259 = vector.load %arg1[%get3A_256, %get3A_257, %get3A_258] : memref<27x800x16xf32, #tpu.memory_space<vmem>>, vector<1x800x16xf32>
    %get3A_260 = vector.shape_cast %get3A_259 : vector<1x800x16xf32> to vector<800x16xf32>
    %get3A_261 = arith.constant 20 : index
    %get3A_262 = arith.constant 0 : index
    %get3A_263 = arith.constant 0 : index
    %get3A_264 = vector.load %arg2[%get3A_261, %get3A_262, %get3A_263] : memref<27x16x32xf32, #tpu.memory_space<vmem>>, vector<1x16x32xf32>
    %get3A_265 = vector.shape_cast %get3A_264 : vector<1x16x32xf32> to vector<16x32xf32>
    %dot_general3A_266 = arith.constant dense<0.000000e+00> : vector<800x32xf32>
    %dot_general3A_267 = tpu.matmul %get3A_260, %get3A_265, %dot_general3A_266 {dimension_numbers = #tpu.dot_dimension_numbers<[1], [0], [0], [1], [0, 0, 1, 1], [], []>, transpose_lhs_hint = false} : vector<800x16xf32>, vector<16x32xf32>, vector<800x32xf32> -> vector<800x32xf32>
    %add3A_268 = arith.addf %add3A_255, %dot_general3A_267 : vector<800x32xf32>
    %get3A_269 = arith.constant 21 : index
    %get3A_270 = arith.constant 0 : index
    %get3A_271 = arith.constant 0 : index
    %get3A_272 = vector.load %arg1[%get3A_269, %get3A_270, %get3A_271] : memref<27x800x16xf32, #tpu.memory_space<vmem>>, vector<1x800x16xf32>
    %get3A_273 = vector.shape_cast %get3A_272 : vector<1x800x16xf32> to vector<800x16xf32>
    %get3A_274 = arith.constant 21 : index
    %get3A_275 = arith.constant 0 : index
    %get3A_276 = arith.constant 0 : index
    %get3A_277 = vector.load %arg2[%get3A_274, %get3A_275, %get3A_276] : memref<27x16x32xf32, #tpu.memory_space<vmem>>, vector<1x16x32xf32>
    %get3A_278 = vector.shape_cast %get3A_277 : vector<1x16x32xf32> to vector<16x32xf32>
    %dot_general3A_279 = arith.constant dense<0.000000e+00> : vector<800x32xf32>
    %dot_general3A_280 = tpu.matmul %get3A_273, %get3A_278, %dot_general3A_279 {dimension_numbers = #tpu.dot_dimension_numbers<[1], [0], [0], [1], [0, 0, 1, 1], [], []>, transpose_lhs_hint = false} : vector<800x16xf32>, vector<16x32xf32>, vector<800x32xf32> -> vector<800x32xf32>
    %add3A_281 = arith.addf %add3A_268, %dot_general3A_280 : vector<800x32xf32>
    %get3A_282 = arith.constant 22 : index
    %get3A_283 = arith.constant 0 : index
    %get3A_284 = arith.constant 0 : index
    %get3A_285 = vector.load %arg1[%get3A_282, %get3A_283, %get3A_284] : memref<27x800x16xf32, #tpu.memory_space<vmem>>, vector<1x800x16xf32>
    %get3A_286 = vector.shape_cast %get3A_285 : vector<1x800x16xf32> to vector<800x16xf32>
    %get3A_287 = arith.constant 22 : index
    %get3A_288 = arith.constant 0 : index
    %get3A_289 = arith.constant 0 : index
    %get3A_290 = vector.load %arg2[%get3A_287, %get3A_288, %get3A_289] : memref<27x16x32xf32, #tpu.memory_space<vmem>>, vector<1x16x32xf32>
    %get3A_291 = vector.shape_cast %get3A_290 : vector<1x16x32xf32> to vector<16x32xf32>
    %dot_general3A_292 = arith.constant dense<0.000000e+00> : vector<800x32xf32>
    %dot_general3A_293 = tpu.matmul %get3A_286, %get3A_291, %dot_general3A_292 {dimension_numbers = #tpu.dot_dimension_numbers<[1], [0], [0], [1], [0, 0, 1, 1], [], []>, transpose_lhs_hint = false} : vector<800x16xf32>, vector<16x32xf32>, vector<800x32xf32> -> vector<800x32xf32>
    %add3A_294 = arith.addf %add3A_281, %dot_general3A_293 : vector<800x32xf32>
    %get3A_295 = arith.constant 23 : index
    %get3A_296 = arith.constant 0 : index
    %get3A_297 = arith.constant 0 : index
    %get3A_298 = vector.load %arg1[%get3A_295, %get3A_296, %get3A_297] : memref<27x800x16xf32, #tpu.memory_space<vmem>>, vector<1x800x16xf32>
    %get3A_299 = vector.shape_cast %get3A_298 : vector<1x800x16xf32> to vector<800x16xf32>
    %get3A_300 = arith.constant 23 : index
    %get3A_301 = arith.constant 0 : index
    %get3A_302 = arith.constant 0 : index
    %get3A_303 = vector.load %arg2[%get3A_300, %get3A_301, %get3A_302] : memref<27x16x32xf32, #tpu.memory_space<vmem>>, vector<1x16x32xf32>
    %get3A_304 = vector.shape_cast %get3A_303 : vector<1x16x32xf32> to vector<16x32xf32>
    %dot_general3A_305 = arith.constant dense<0.000000e+00> : vector<800x32xf32>
    %dot_general3A_306 = tpu.matmul %get3A_299, %get3A_304, %dot_general3A_305 {dimension_numbers = #tpu.dot_dimension_numbers<[1], [0], [0], [1], [0, 0, 1, 1], [], []>, transpose_lhs_hint = false} : vector<800x16xf32>, vector<16x32xf32>, vector<800x32xf32> -> vector<800x32xf32>
    %add3A_307 = arith.addf %add3A_294, %dot_general3A_306 : vector<800x32xf32>
    %get3A_308 = arith.constant 24 : index
    %get3A_309 = arith.constant 0 : index
    %get3A_310 = arith.constant 0 : index
    %get3A_311 = vector.load %arg1[%get3A_308, %get3A_309, %get3A_310] : memref<27x800x16xf32, #tpu.memory_space<vmem>>, vector<1x800x16xf32>
    %get3A_312 = vector.shape_cast %get3A_311 : vector<1x800x16xf32> to vector<800x16xf32>
    %get3A_313 = arith.constant 24 : index
    %get3A_314 = arith.constant 0 : index
    %get3A_315 = arith.constant 0 : index
    %get3A_316 = vector.load %arg2[%get3A_313, %get3A_314, %get3A_315] : memref<27x16x32xf32, #tpu.memory_space<vmem>>, vector<1x16x32xf32>
    %get3A_317 = vector.shape_cast %get3A_316 : vector<1x16x32xf32> to vector<16x32xf32>
    %dot_general3A_318 = arith.constant dense<0.000000e+00> : vector<800x32xf32>
    %dot_general3A_319 = tpu.matmul %get3A_312, %get3A_317, %dot_general3A_318 {dimension_numbers = #tpu.dot_dimension_numbers<[1], [0], [0], [1], [0, 0, 1, 1], [], []>, transpose_lhs_hint = false} : vector<800x16xf32>, vector<16x32xf32>, vector<800x32xf32> -> vector<800x32xf32>
    %add3A_320 = arith.addf %add3A_307, %dot_general3A_319 : vector<800x32xf32>
    %get3A_321 = arith.constant 25 : index
    %get3A_322 = arith.constant 0 : index
    %get3A_323 = arith.constant 0 : index
    %get3A_324 = vector.load %arg1[%get3A_321, %get3A_322, %get3A_323] : memref<27x800x16xf32, #tpu.memory_space<vmem>>, vector<1x800x16xf32>
    %get3A_325 = vector.shape_cast %get3A_324 : vector<1x800x16xf32> to vector<800x16xf32>
    %get3A_326 = arith.constant 25 : index
    %get3A_327 = arith.constant 0 : index
    %get3A_328 = arith.constant 0 : index
    %get3A_329 = vector.load %arg2[%get3A_326, %get3A_327, %get3A_328] : memref<27x16x32xf32, #tpu.memory_space<vmem>>, vector<1x16x32xf32>
    %get3A_330 = vector.shape_cast %get3A_329 : vector<1x16x32xf32> to vector<16x32xf32>
    %dot_general3A_331 = arith.constant dense<0.000000e+00> : vector<800x32xf32>
    %dot_general3A_332 = tpu.matmul %get3A_325, %get3A_330, %dot_general3A_331 {dimension_numbers = #tpu.dot_dimension_numbers<[1], [0], [0], [1], [0, 0, 1, 1], [], []>, transpose_lhs_hint = false} : vector<800x16xf32>, vector<16x32xf32>, vector<800x32xf32> -> vector<800x32xf32>
    %add3A_333 = arith.addf %add3A_320, %dot_general3A_332 : vector<800x32xf32>
    %get3A_334 = arith.constant 26 : index
    %get3A_335 = arith.constant 0 : index
    %get3A_336 = arith.constant 0 : index
    %get3A_337 = vector.load %arg1[%get3A_334, %get3A_335, %get3A_336] : memref<27x800x16xf32, #tpu.memory_space<vmem>>, vector<1x800x16xf32>
    %get3A_338 = vector.shape_cast %get3A_337 : vector<1x800x16xf32> to vector<800x16xf32>
    %get3A_339 = arith.constant 26 : index
    %get3A_340 = arith.constant 0 : index
    %get3A_341 = arith.constant 0 : index
    %get3A_342 = vector.load %arg2[%get3A_339, %get3A_340, %get3A_341] : memref<27x16x32xf32, #tpu.memory_space<vmem>>, vector<1x16x32xf32>
    %get3A_343 = vector.shape_cast %get3A_342 : vector<1x16x32xf32> to vector<16x32xf32>
    %dot_general3A_344 = arith.constant dense<0.000000e+00> : vector<800x32xf32>
    %dot_general3A_345 = tpu.matmul %get3A_338, %get3A_343, %dot_general3A_344 {dimension_numbers = #tpu.dot_dimension_numbers<[1], [0], [0], [1], [0, 0, 1, 1], [], []>, transpose_lhs_hint = false} : vector<800x16xf32>, vector<16x32xf32>, vector<800x32xf32> -> vector<800x32xf32>
    %add3A_346 = arith.addf %add3A_333, %dot_general3A_345 : vector<800x32xf32>
    %swap3A = arith.constant 0 : index
    %swap3A_347 = arith.constant 0 : index
    %swap3A_348 = vector.load %arg3[%swap3A, %swap3A_347] : memref<800x32xf32, #tpu.memory_space<vmem>>, vector<800x32xf32>
    tpu.vector_store %arg3[%swap3A, %swap3A_347], %add3A_346 {strides = array<i32>} : memref<800x32xf32, #tpu.memory_space<vmem>>, vector<800x32xf32>,
    return
  }
  func.func @transform_0(%arg0: i32) -> (i32, i32, i32) {
    %c0_i32 = arith.constant 0 : i32
    %c0_i32_0 = arith.constant 0 : i32
    %c0_i32_1 = arith.constant 0 : i32
    return %c0_i32, %arg0, %c0_i32_0 : i32, i32, i32
  }
  func.func @transform_1(%arg0: i32) -> (i32, i32, i32) {
    %c0_i32 = arith.constant 0 : i32
    %c0_i32_0 = arith.constant 0 : i32
    %c0_i32_1 = arith.constant 0 : i32
    %c0_i32_2 = arith.constant 0 : i32
    return %c0_i32, %c0_i32_0, %c0_i32_1 : i32, i32, i32
  }
  func.func @transform_2(%arg0: i32) -> (i32, i32) {
    %c0_i32 = arith.constant 0 : i32
    %c0_i32_0 = arith.constant 0 : i32
    return %arg0, %c0_i32 : i32, i32
  }
}

module attributes {stable_mosaic.version = 14 : i64} {
  func.func @_ymm_body(%arg0: i32, %arg1: i32, %arg2: memref<800x32xf32, #tpu.memory_space<vmem>>, %arg3: memref<1x32x16xf32, #tpu.memory_space<vmem>>, %arg4: memref<1x800x16xf32, #tpu.memory_space<vmem>>) attributes {dimension_semantics = [#tpu.dimension_semantics<arbitrary>, #tpu.dimension_semantics<arbitrary>], iteration_bounds = array<i64: 247, 27>, scalar_prefetch = 0 : i64, scratch_operands = 0 : i64, tpu.core_type = #tpu.core_type<tc>, window_params = [{transform_indices = @transform_0, window_bounds = array<i64: 800, 32>}, {transform_indices = @transform_1, window_bounds = array<i64: 1, 32, 16>}, {transform_indices = @transform_2, window_bounds = array<i64: 1, 800, 16>}]} {
    %get3A = arith.constant 0 : index
    %get3A_0 = arith.constant 0 : index
    %get3A_1 = vector.load %arg2[%get3A, %get3A_0] : memref<800x32xf32, #tpu.memory_space<vmem>>, vector<800x32xf32>
    %get3A_2 = arith.constant 0 : index
    %get3A_3 = arith.constant 0 : index
    %get3A_4 = arith.constant 0 : index
    %get3A_5 = vector.load %arg3[%get3A_2, %get3A_3, %get3A_4] : memref<1x32x16xf32, #tpu.memory_space<vmem>>, vector<1x32x16xf32>
    %get3A_6 = vector.shape_cast %get3A_5 : vector<1x32x16xf32> to vector<32x16xf32>
    %dot_general3A = arith.constant dense<0.000000e+00> : vector<800x16xf32>
    %dot_general3A_7 = tpu.matmul %get3A_1, %get3A_6, %dot_general3A {dimension_numbers = #tpu.dot_dimension_numbers<[1], [0], [0], [1], [0, 0, 1, 1], [], []>, transpose_lhs_hint = false} : vector<800x32xf32>, vector<32x16xf32>, vector<800x16xf32> -> vector<800x16xf32>
    %swap3A = arith.constant 0 : index
    %swap3A_8 = arith.constant 0 : index
    %swap3A_9 = arith.constant 0 : index
    %swap3A_10 = vector.load %arg4[%swap3A, %swap3A_8, %swap3A_9] : memref<1x800x16xf32, #tpu.memory_space<vmem>>, vector<1x800x16xf32>
    %swap3A_11 = vector.shape_cast %swap3A_10 : vector<1x800x16xf32> to vector<800x16xf32>
    %swap3A_12 = vector.shape_cast %dot_general3A_7 : vector<800x16xf32> to vector<1x800x16xf32>
    tpu.vector_store %arg4[%swap3A, %swap3A_8, %swap3A_9], %swap3A_12 {strides = array<i32>} : memref<1x800x16xf32, #tpu.memory_space<vmem>>, vector<1x800x16xf32>,
    return
  }
  func.func @transform_0(%arg0: i32, %arg1: i32) -> (i32, i32) {
    %c0_i32 = arith.constant 0 : i32
    %c0_i32_0 = arith.constant 0 : i32
    return %arg0, %c0_i32 : i32, i32
  }
  func.func @transform_1(%arg0: i32, %arg1: i32) -> (i32, i32, i32) {
    %c0_i32 = arith.constant 0 : i32
    %c0_i32_0 = arith.constant 0 : i32
    %c0_i32_1 = arith.constant 0 : i32
    return %arg1, %c0_i32, %c0_i32_0 : i32, i32, i32
  }
  func.func @transform_2(%arg0: i32, %arg1: i32) -> (i32, i32, i32) {
    %c0_i32 = arith.constant 0 : i32
    %c0_i32_0 = arith.constant 0 : i32
    return %arg1, %arg0, %c0_i32 : i32, i32, i32
  }
}

module attributes {stable_mosaic.version = 14 : i64} {
  func.func @_ksum_body(%arg0: i32, %arg1: memref<27x1024x16xf32, #tpu.memory_space<vmem>>, %arg2: memref<1024x16xf32, #tpu.memory_space<vmem>>) attributes {dimension_semantics = [#tpu.dimension_semantics<arbitrary>], iteration_bounds = array<i64: 200>, scalar_prefetch = 0 : i64, scratch_operands = 0 : i64, tpu.core_type = #tpu.core_type<tc>, window_params = [{transform_indices = @transform_0, window_bounds = array<i64: 27, 1024, 16>}, {transform_indices = @transform_1, window_bounds = array<i64: 1024, 16>}]} {
    %get3A = arith.constant 0 : index
    %get3A_0 = arith.constant 0 : index
    %get3A_1 = arith.constant 0 : index
    %get3A_2 = vector.load %arg1[%get3A, %get3A_0, %get3A_1] : memref<27x1024x16xf32, #tpu.memory_space<vmem>>, vector<27x1024x16xf32>
    %reduce_sum3A = arith.constant dense<0.000000e+00> : vector<1024x16xf32>
    %reduce_sum3A_3 = vector.multi_reduction <add>, %get3A_2, %reduce_sum3A [0] : vector<27x1024x16xf32> to vector<1024x16xf32>
    %swap3A = arith.constant 0 : index
    %swap3A_4 = arith.constant 0 : index
    %swap3A_5 = vector.load %arg2[%swap3A, %swap3A_4] : memref<1024x16xf32, #tpu.memory_space<vmem>>, vector<1024x16xf32>
    tpu.vector_store %arg2[%swap3A, %swap3A_4], %reduce_sum3A_3 {strides = array<i32>} : memref<1024x16xf32, #tpu.memory_space<vmem>>, vector<1024x16xf32>,
    return
  }
  func.func @transform_0(%arg0: i32) -> (i32, i32, i32) {
    %c0_i32 = arith.constant 0 : i32
    %c0_i32_0 = arith.constant 0 : i32
    %c0_i32_1 = arith.constant 0 : i32
    return %c0_i32, %arg0, %c0_i32_0 : i32, i32, i32
  }
  func.func @transform_1(%arg0: i32) -> (i32, i32) {
    %c0_i32 = arith.constant 0 : i32
    %c0_i32_0 = arith.constant 0 : i32
    return %arg0, %c0_i32 : i32, i32
  }
}

</mosaic_0001>

<sc_bundles>
// kernel: kernel.6.cloned.1.call-start
scs
__scs_entry_jumppad:
0x0: {  	(pc) =	sbr.rel $0x88, $3  }
0x1: {  	(tag) =	ssettag $0x0;
	lr =	simm.s32 $0x1  }
0x2: {  	[smem:$0x3F9D] =	sst lr;
	_ =	strace $0xD0000000  }
0x3: {  	_ = 	snop  }
0x4: {  	_ = 	snop  }
0x5: {  	_ = 	snop  }
0x6: {  	_ = 	snop  }
0x7: {  	_ = 	snop  }
__scs_overlays_trampoline_lowered:
0x8: {  	[smem:$0x3FAC] =	sst s0  }
0x9: {  	[smem:$0x3FAD] =	sst s1  }
0xa: {  	[smem:$0x3FAE] =	sst s2  }
0xb: {  	[smem:$0x3FAF] =	sst s3  }
0xc: {  	[smem:$0x3FB0] =	sst s4  }
0xd: {  	[smem:$0x3FB1] =	sst s5  }
0xe: {  	[smem:$0x3FB2] =	sst s6  }
0xf: {  	[smem:$0x3FB3] =	sst s7  }
0x10: {  	[smem:$0x3FB4] =	sst s8  }
0x11: {  	[smem:$0x3FB5] =	sst s9;
	s0 =	simm.s32 @!p0 $0x0  }
0x12: {  	s1 =	sld [smem:$0x3F9B];
	s0 =	simm.s32 @p0 $0x1  }
0x13: {  	[smem:$0x3FB6] =	sst s0;
	s0 =	simm.s32 @!p1 $0x0  }
0x14: {  	s2 =	sld [smem:$0x3F9A];
	s0 =	simm.s32 @p1 $0x1  }
0x15: {  	[smem:$0x3FB7] =	sst s0;
	s0 =	simm.s32 @!p2 $0x0  }
0x16: {  	s3 =	sld [smem:$0x3FDB];
	s0 =	simm.s32 @p2 $0x1  }
0x17: {  	s4 =	simm.s32 $0x1BF5;
	[smem:$0x3FB9] =	sst s0  }
0x18: {  	s0 =	sld [smem:$0x3F9C];
	_ =	swait.ge [sflag:s4], $0x0  }
0x19: {  	s7 =	sld [smem:$0x3F9D]  }
0x1a: {  	s8 =	sadd.s32 $0xFFFFE003, lr  }
0x1b: {  	s9 =	sadd.s32 $0xFFFFFEF7, lr;
	s5 =	simm.s32 $0xFFFFFFFF;
	p2 =	slt.u32 s8, $0xFFFFF086  }
0x1c: {  	p1 =	slt.u32 s9, $0xF7A;
	s5 =	simm.s32 @!p2 $0x0  }
0x1d: {  	s5 =	simm.s32 @p1 $0x1;
	p0 =	seq.s32 s7, s2  }
0x1e: {  	s7 =	smul.u32 @!p0 $0xF7A, s2;
	p2 =	seq.s32 @!p0 s5, $0x0  }
0x1f: {  	s9 =	smul.u32 $0xF7A, s1;
	s8 =	simm.s32 @!p0 $0x1BF5;
	p2 =	por !p2, p0  }
0x20: {  	[sflag:s8] =	ssyncset.s32 @!p0 $0xFFFFF086;
	s6 =	sadd.s32 @!p0 s3, s7;
	s7 =	simm.s32 @!p0 $0x108  }
0x21: {  	s3 =	sadd.s32 s3, s9;
	s6 =	sadd.s32 @!p0 $0x88, s6;
	s7 =	simm.s32 @p2 $0x1082  }
0x22: {  	[simem:s7], [sflag:s8] =	dma.local @!p0 [hbm:s6], $0xF7A  }
0x23: {  	s9 =	sor.u32 $0xD0000000, s2;
	s6 =	simm.s32 $0x108;
	_ =	swait.ge @!p0 [sflag:s8], $0x0  }
0x24: {  	s3 =	sadd.s32 $0x88, s3;
	s6 =	simm.s32 @!p1 $0x1082;
	[sflag:s4] =	ssyncset.s32 $0xFFFFF086  }
0x25: {  	[simem:s6], [sflag:s4] =	dma.local [hbm:s3], $0xF7A  }
0x26: {  	[smem:$0x3F9D] =	sst s1;
	(tag) =	ssettag s2;
	_ =	strace s9  }
0x27: {  	s1 =	sld [smem:$0x3FAD]  }
0x28: {  	s2 =	sld [smem:$0x3FAE]  }
0x29: {  	s4 =	sld [smem:$0x3FB0]  }
0x2a: {  	p0 =	seq.s32 s5, $0x0;
	s5 =	sld [smem:$0x3FB1]  }
0x2b: {  	s6 =	sld [smem:$0x3FB2]  }
0x2c: {  	s7 =	sld [smem:$0x3FB3]  }
0x2d: {  	s3 =	simm.s32 $0x108;
	s8 =	sld [smem:$0x3FB4]  }
0x2e: {  	s3 =	simm.s32 @!p0 $0x1082;
	s9 =	sld [smem:$0x3FB5]  }
0x2f: {  	lr =	sadd.s32 s0, s3;
	s0 =	sld [smem:$0x3FAC]  }
0x30: {  	s3 =	sld [smem:$0x3FAF]  }
0x31: {  	[smem:$0x3FB8] =	sst s10  }
0x32: {  	s10 =	sld [smem:$0x3FB6];
	_ =	sdelay $0x3  }
0x33: {  	p0 =	seq.s32 s10, $0x1;
	s10 =	sld [smem:$0x3FB8];
	_ =	sdelay $0x3  }
0x34: {  	[smem:$0x3FB8] =	sst s10  }
0x35: {  	s10 =	sld [smem:$0x3FB7];
	_ =	sdelay $0x3  }
0x36: {  	p1 =	seq.s32 s10, $0x1;
	s10 =	sld [smem:$0x3FB8];
	_ =	sdelay $0x3  }
0x37: {  	[smem:$0x3FB8] =	sst s10  }
0x38: {  	s10 =	sld [smem:$0x3FB9]  }
0x39: {  	_ = 	snop;
	(pc) =	sbr.ind lr, $3  }
0x3a: {  	_ = 	snop  }
0x3b: {  	_ = 	snop  }
0x3c: {  	p2 =	seq.s32 s10, $0x1;
	s10 =	sld [smem:$0x3FB8]  }
0x3d: {  	_ =	shalt  }
0x3e: {  	_ =	shalt  }
0x3f: {  	_ =	shalt  }
0x40: {  	_ =	shalt  }
0x41: {  	_ =	shalt  }
0x42: {  	_ =	shalt  }
0x43: {  	_ =	shalt  }
0x44: {  	_ =	shalt  }
0x45: {  	_ =	shalt  }
0x46: {  	_ =	shalt  }
0x47: {  	_ =	shalt  }
0x48: {  	_ =	shalt  }
0x49: {  	_ =	shalt  }
0x4a: {  	_ =	shalt  }
0x4b: {  	_ =	shalt  }
0x4c: {  	_ =	shalt  }
0x4d: {  	_ =	shalt  }
0x4e: {  	_ =	shalt  }
0x4f: {  	_ =	shalt  }
0x50: {  	_ =	shalt  }
0x51: {  	_ =	shalt  }
0x52: {  	_ =	shalt  }
0x53: {  	_ =	shalt  }
0x54: {  	_ =	shalt  }
0x55: {  	_ =	shalt  }
0x56: {  	_ =	shalt  }
0x57: {  	_ =	shalt  }
0x58: {  	_ =	shalt  }
0x59: {  	_ =	shalt  }
0x5a: {  	_ =	shalt  }
0x5b: {  	_ =	shalt  }
0x5c: {  	_ =	shalt  }
0x5d: {  	_ =	shalt  }
0x5e: {  	_ =	shalt  }
0x5f: {  	_ =	shalt  }
0x60: {  	_ =	shalt  }
0x61: {  	_ =	shalt  }
0x62: {  	_ =	shalt  }
0x63: {  	_ =	shalt  }
0x64: {  	_ =	shalt  }
0x65: {  	_ =	shalt  }
0x66: {  	_ =	shalt  }
0x67: {  	_ =	shalt  }
0x68: {  	_ =	shalt  }
0x69: {  	_ =	shalt  }
0x6a: {  	_ =	shalt  }
0x6b: {  	_ =	shalt  }
0x6c: {  	_ =	shalt  }
0x6d: {  	_ =	shalt  }
0x6e: {  	_ =	shalt  }
0x6f: {  	_ =	shalt  }
0x70: {  	_ =	shalt  }
0x71: {  	_ =	shalt  }
0x72: {  	_ =	shalt  }
0x73: {  	_ =	shalt  }
0x74: {  	_ =	shalt  }
0x75: {  	_ =	shalt  }
0x76: {  	_ =	shalt  }
0x77: {  	_ =	shalt  }
0x78: {  	_ =	shalt  }
0x79: {  	_ =	shalt  }
0x7a: {  	_ =	shalt  }
0x7b: {  	_ =	shalt  }
0x7c: {  	_ =	shalt  }
0x7d: {  	_ =	shalt  }
0x7e: {  	_ =	shalt  }
0x7f: {  	_ =	shalt  }
0x80: {  	_ =	shalt  }
0x81: {  	_ =	shalt  }
0x82: {  	_ =	shalt  }
0x83: {  	_ =	shalt  }
0x84: {  	_ =	shalt  }
0x85: {  	_ =	shalt  }
0x86: {  	_ =	shalt  }
0x87: {  	_ =	shalt  }
.Lfunc_end0:
.L_simem_size_0:
called_computation.3_lowered:
.L_overlay_start_0:
0x88: {  	s2 =	sld [smem:$0x3FD9]  }
0x89: {  	s3 =	sld [smem:$0x3FFE];
	_ =	sdelay $0x1  }
0x8a: {  	s1 =	srdreg.scid  }
0x8b: {  	s0 =	sand.u32 $0x1, s1  }
0x8c: {  	s16 =	sshll.u32 s0, $0xA;
	s2 =	sadd.s32 s3, s2  }
0x8d: {  	s2 =	sadd.s32 s2, s16  }
0x8e: {  	[smem:$0x3FC4] =	sst s2  }
0x8f: {  	_ = 	snop  }
0x90: {  	(tm) =	ssettm $0x1  }
0x91: {  	s17 =	sld [smem:$0x3FFB];
	_ =	sdelay $0x3  }
0x92: {  	_ =	strace s17  }
0x93: {  	s2 =	sld [smem:$0x3FFC];
	_ =	sdelay $0x3  }
0x94: {  	_ =	strace s2  }
0x95: {  	s2 =	sld [smem:$0x3FFD];
	_ =	sdelay $0x3  }
0x96: {  	_ =	strace s2  }
0x97: {  	_ =	strace $0x8FFFFFFF  }
0x98: {  	s18 =	sld [smem:$0x3FDB];
	_ =	sdelay $0x1  }
0x99: {  	s19 =	simm.s32 $_scs_section_size  }
0x9a: {  	s4 =	simm.s32 $_size__tile_overlayer_lowered;
	s5 =	simm.s32 $_tile_overlayer_lowered  }
0x9b: {  	s22 =	simm.s32 $0x1BFF;
	s21 =	sshll.u32 s5, $0x1;
	s2 =	sadd.s32 s19, s18  }
0x9c: {  	s6 =	simm.s32 $0x0;
	s20 =	sshll.u32 s4, $0x1;
	s4 =	sadd.s32 s21, s2  }
0x9d: {  	[timem:s6], [sflag:s22] =	dma.local [hbm:s4], s20  }
0x9e: {  	_ =	swait.ge [sflag:s22], s20  }
0x9f: {  	s3 =	ssub.s32 $0x0, s20;
	[sflag:s22] =	ssyncset.done $0x0  }
0xa0: {  	[sflag:s22] =	ssyncadd.s32 s3;
	_ =	sdelay $0x1  }
0xa1: {  	s23 =	simm.s32 $0x1B8B  }
0xa2: {  	_ =	swait.ge [sflag:s23], $0x1  }
0xa3: {  	[sflag:s23] =	ssyncset.done $0x0  }
0xa4: {  	s25 =	simm.s32 $0x1B8E;
	s24 =	sld [smem:$0x3FFE];
	[sflag:s23] =	ssyncadd.s32 $0xFFFFFFFF  }
0xa5: {  	s26 =	simm.s32 $execute0_lowered;
	[smem:$0x3FD2] =	sst s25  }
0xa6: {  	s4 =	sshll.u32 s26, $0x1;
	_ =	strace $0x8000004F;
	[dreg:$0x1] =	wrdreg $0xFFFFFFFF  }
0xa7: {  	s28 =	simm.s32 $_size_execute0_lowered;
	s2 =	sadd.s32 s2, s4;
	[dreg:$0x0] =	wrdreg $0x0  }
0xa8: {  	s4 =	sshll.u32 s28, $0x1;
	[dreg:$0x2] =	wrdreg s2  }
0xa9: {  	[dreg:$0x3] =	wrdreg s4  }
0xaa: {  	[dreg:$0x4] =	wrdreg $0xC0  }
0xab: {  	_ =	task [dreg:s6], $0x5FFFF  }
0xac: {  	[dreg:$0x1] =	wrdreg $0xFFFFFFFF  }
0xad: {  	[dreg:$0x0] =	wrdreg $0x60  }
0xae: {  	[dreg:$0x2] =	wrdreg s24  }
0xaf: {  	[dreg:$0x3] =	wrdreg $0x9  }
0xb0: {  	_ =	task.clear_ibuf [dreg:s6], $0x4FFFF;
	_ =	strace $0x9000004F  }
0xb1: {  	s29 =	simm.s32 $0x9;
	_ =	strace $0x80000051  }
0xb2: {  	_ =	swait.ge [sflag:s29], $0x1  }
0xb3: {  	[sflag:s29] =	ssyncadd.s32 $0xFFFFFFFF  }
0xb4: {  	_ =	strace $0x90000051  }
0xb5: {  	_ =	sfence  }
0xb6: {  	s30 =	sld [smem:$0x0];
	_ =	sdelay $0x2  }
0xb7: {  	s31 =	sshll.u32 s1, $0xD;
	s1 =	sshrl.u32 s1, $0x2  }
0xb8: {  	s3 =	sand.u32 $0x4000, s31;
	s1 =	sadd.s32 s1, s30  }
0xb9: {  	s0 =	sor.u32 s3, s0;
	s1 =	sshll.u32 s1, $0x11  }
0xba: {  	s0 =	sor.u32 s1, s0  }
0xbb: {  	s0 =	sadd.s32 $0x8F2B, s0  }
0xbc: {  	[sflag:s0] =	ssyncadd.remote.s32 $0x1  }
0xbd: {  	_ =	sfence.sel $0xFFFF  }
0xbe: {  	[dreg:$0x0] =	wrdreg $0xFFFFFFFF;
	(pc) =	sbr.abs _section_cstart, $3  }
0xbf: {  	[dreg:$0x1] =	wrdreg $0xFFFFFFFF  }
0xc0: {  	_ =	task.clear_ibuf [dreg:s6], $0x2FFFF;
	_ =	strace $0x9FFFFFFF  }
0xc1: {  	(tm) =	ssettm $0x7FFFFFFF  }
tec
execute0_lowered:
.L_overlay_start_1:
0x0: {  	(tag) =	ssettag $0x1  }
0x1: {  	s0 =	rddreg [dreg:$0x0];
	s4 =	stileid.u32;
	s2 =	simm.s32 $0x0  }
0x2: {  	s3 =	srdreg.scid;
	s9 =	simm.s32 $0x500;
	s10 =	simm.s32 $0xD00  }
0x3: {  	s11 =	simm.s32 $0x100;
	s12 =	simm.s32 $0x1500;
	s13 =	simm.s32 $0x180  }
0x4: {  	s14 =	simm.s32 $0x1D00;
	s15 =	simm.s32 $0x200;
	s16 =	simm.s32 $0x2500  }
0x5: {  	s17 =	simm.s32 $0x280;
	s18 =	simm.s32 $0x2D00;
	s19 =	simm.s32 $0x300  }
0x6: {  	s20 =	simm.s32 $0x3500;
	s21 =	simm.s32 $0x380;
	s22 =	simm.s32 $0x3D00  }
0x7: {  	s23 =	simm.s32 $0x400;
	s24 =	simm.s32 $0x4500;
	s25 =	simm.s32 $0x480  }
0x8: {  	s26 =	simm.s32 $0x4D00;
	s28 =	simm.s32 $0x1;
	s1 =	smul.u32 $0xA8C0, s4  }
0x9: {  	[smem:$0x7FF] =	sst s2;
	s4 =	smul.u32 $0xA8C00, s4;
	s3 =	sand.u32 $0x1, s3  }
0xa: {  	s29 =	simm.s32 $0x0;
	_ =	strace $0x80000050;
	s6 =	smul.u32 $0x54600, s3  }
0xb: {  	s5 =	ssub.s32 $0x2, s3;
	s8 =	smul.u32 $0x5460, s3;
	s3 =	sadd.s32 $0x5809C00, s0  }
0xc: {  	s1 =	sadd.s32 s1, s0;
	s7 =	sshrl.u32 s5, $0x1;
	s0 =	sadd.s32 s4, s0  }
0xd: {  	s31 =	ssub.s32 s5, s7;
	s0 =	sadd.s32 s6, s0;
	s1 =	sadd.s32 s8, s1  }
0xe: {  	s7 =	simm.s32 $0x2;
	s8 =	simm.s32 $0x80;
	s4 =	smax.u32 s31, $0x1  }
0xf: {  	s5 =	sadd.s32 $0xA9000, s0;
	s6 =	sadd.s32 $0x400, s1;
	[dreg:$0x2] =	wrdreg s4  }
.LBB2_1:
0x10: {  	s0 =	sadd.s32 $0x0, s6  }
0x11: {  	[tilespmem:s2], [sflag:$0x2] =	stream.linear.gather [hbm4b:s0+s2], $0x500, $0x38;
	[tilespmem:$0x5500] =	vst v63  }
0x12: {  	_ =	swait.ge [sflag:s7], $0x500  }
0x13: {  	[sflag:s7] =	ssyncset.done $0x0  }
0x14: {  	[sflag:s7] =	ssyncadd.s32 $0xFFFFFB00  }
0x15: {  	[tilespmem:s9], [sflag:$0x1] =	stream.indirect.gather [hbm4b:s3+s8], $0x10, s2, s8, $0xb8;
	[tilespmem:$0x5500] =	vst v63  }
0x16: {  	_ = 	snop  }
0x17: {  	[tilespmem:s10], [sflag:$0x1] =	stream.indirect.gather [hbm4b:s3+s8], $0x10, s8, s8, $0xb8;
	[tilespmem:$0x5500] =	vst v63  }
0x18: {  	_ = 	snop  }
0x19: {  	[tilespmem:s12], [sflag:$0x1] =	stream.indirect.gather [hbm4b:s3+s8], $0x10, s11, s8, $0xb8;
	[tilespmem:$0x5500] =	vst v63  }
0x1a: {  	_ = 	snop  }
0x1b: {  	[tilespmem:s14], [sflag:$0x1] =	stream.indirect.gather [hbm4b:s3+s8], $0x10, s13, s8, $0xb8;
	[tilespmem:$0x5500] =	vst v63  }
0x1c: {  	_ = 	snop  }
0x1d: {  	[tilespmem:s16], [sflag:$0x1] =	stream.indirect.gather [hbm4b:s3+s8], $0x10, s15, s8, $0xb8;
	[tilespmem:$0x5500] =	vst v63  }
0x1e: {  	_ = 	snop  }
0x1f: {  	[tilespmem:s18], [sflag:$0x1] =	stream.indirect.gather [hbm4b:s3+s8], $0x10, s17, s8, $0xb8;
	[tilespmem:$0x5500] =	vst v63  }
0x20: {  	_ = 	snop  }
0x21: {  	[tilespmem:s20], [sflag:$0x1] =	stream.indirect.gather [hbm4b:s3+s8], $0x10, s19, s8, $0xb8;
	[tilespmem:$0x5500] =	vst v63  }
0x22: {  	_ = 	snop  }
0x23: {  	[tilespmem:s22], [sflag:$0x1] =	stream.indirect.gather [hbm4b:s3+s8], $0x10, s21, s8, $0xb8;
	[tilespmem:$0x5500] =	vst v63  }
0x24: {  	_ = 	snop  }
0x25: {  	[tilespmem:s24], [sflag:$0x1] =	stream.indirect.gather [hbm4b:s3+s8], $0x10, s23, s8, $0xb8;
	[tilespmem:$0x5500] =	vst v63  }
0x26: {  	_ = 	snop  }
0x27: {  	[tilespmem:s26], [sflag:$0x1] =	stream.indirect.gather [hbm4b:s3+s8], $0x10, s25, s8, $0xb8;
	[tilespmem:$0x5500] =	vst v63  }
0x28: {  	_ =	swait.ge [sflag:s28], $0x800  }
0x29: {  	[sflag:s28] =	ssyncset.done $0x0  }
0x2a: {  	[sflag:s28] =	ssyncadd.s32 $0xFFFFF800  }
0x2b: {  	_ =	swait.ge [sflag:s28], $0x800  }
0x2c: {  	[sflag:s28] =	ssyncset.done $0x0  }
0x2d: {  	[sflag:s28] =	ssyncadd.s32 $0xFFFFF800  }
0x2e: {  	_ =	swait.ge [sflag:s28], $0x800  }
0x2f: {  	[sflag:s28] =	ssyncset.done $0x0  }
0x30: {  	[sflag:s28] =	ssyncadd.s32 $0xFFFFF800  }
0x31: {  	_ =	swait.ge [sflag:s28], $0x800  }
0x32: {  	[sflag:s28] =	ssyncset.done $0x0  }
0x33: {  	[sflag:s28] =	ssyncadd.s32 $0xFFFFF800  }
0x34: {  	_ =	swait.ge [sflag:s28], $0x800  }
0x35: {  	[sflag:s28] =	ssyncset.done $0x0  }
0x36: {  	[sflag:s28] =	ssyncadd.s32 $0xFFFFF800  }
0x37: {  	_ =	swait.ge [sflag:s28], $0x800  }
0x38: {  	[sflag:s28] =	ssyncset.done $0x0  }
0x39: {  	[sflag:s28] =	ssyncadd.s32 $0xFFFFF800  }
0x3a: {  	_ =	swait.ge [sflag:s28], $0x800  }
0x3b: {  	[sflag:s28] =	ssyncset.done $0x0  }
0x3c: {  	[sflag:s28] =	ssyncadd.s32 $0xFFFFF800  }
0x3d: {  	_ =	swait.ge [sflag:s28], $0x800  }
0x3e: {  	[sflag:s28] =	ssyncset.done $0x0  }
0x3f: {  	[sflag:s28] =	ssyncadd.s32 $0xFFFFF800  }
0x40: {  	_ =	swait.ge [sflag:s28], $0x800  }
0x41: {  	[sflag:s28] =	ssyncset.done $0x0  }
0x42: {  	[sflag:s28] =	ssyncadd.s32 $0xFFFFF800  }
0x43: {  	_ =	swait.ge [sflag:s28], $0x800  }
0x44: {  	[sflag:s28] =	ssyncset.done $0x0  }
0x45: {  	[sflag:s28] =	ssyncadd.s32 $0xFFFFF800  }
0x46: {  	[hbm4b:s5+s2] =	stream.linear.scatter [tilespmem:s9], [sflag:$0x2], $0x5000, $0x38;
	[tilespmem:$0x5500] =	vst v63  }
0x47: {  	s31 =	simm.s32 $0xA0;
	_ =	swait.ge [sflag:s7], $0x5000  }
0x48: {  	s30 =	sadd.s32 $0xA00, s5;
	s0 =	simm.s32 $0x140;
	[sflag:s7] =	ssyncset.done $0x0  }
.LBB2_2:
0x49: {  	s4 =	sadd.s32 s31, s6  }
0x4a: {  	[sflag:s7] =	ssyncadd.s32 $0xFFFFB000;
	s31 =	smov.u32 s0;
	s1 =	sadd.s32 $0xA0, s0  }
0x4b: {  	[tilespmem:s2], [sflag:$0x2] =	stream.linear.gather [hbm4b:s4+s2], $0x500, $0x38;
	[tilespmem:$0x5500] =	vst v63  }
0x4c: {  	p0 =	sne.s32 s0, $0x53C0;
	_ =	swait.ge [sflag:s7], $0x500  }
0x4d: {  	[sflag:s7] =	ssyncset.done $0x0  }
0x4e: {  	[sflag:s7] =	ssyncadd.s32 $0xFFFFFB00  }
0x4f: {  	[tilespmem:s9], [sflag:$0x1] =	stream.indirect.gather [hbm4b:s3+s8], $0x10, s2, s8, $0xb8;
	[tilespmem:$0x5500] =	vst v63  }
0x50: {  	_ = 	snop  }
0x51: {  	[tilespmem:s10], [sflag:$0x1] =	stream.indirect.gather [hbm4b:s3+s8], $0x10, s8, s8, $0xb8;
	[tilespmem:$0x5500] =	vst v63  }
0x52: {  	_ = 	snop  }
0x53: {  	[tilespmem:s12], [sflag:$0x1] =	stream.indirect.gather [hbm4b:s3+s8], $0x10, s11, s8, $0xb8;
	[tilespmem:$0x5500] =	vst v63  }
0x54: {  	_ = 	snop  }
0x55: {  	[tilespmem:s14], [sflag:$0x1] =	stream.indirect.gather [hbm4b:s3+s8], $0x10, s13, s8, $0xb8;
	[tilespmem:$0x5500] =	vst v63  }
0x56: {  	_ = 	snop  }
0x57: {  	[tilespmem:s16], [sflag:$0x1] =	stream.indirect.gather [hbm4b:s3+s8], $0x10, s15, s8, $0xb8;
	[tilespmem:$0x5500] =	vst v63  }
0x58: {  	_ = 	snop  }
0x59: {  	[tilespmem:s18], [sflag:$0x1] =	stream.indirect.gather [hbm4b:s3+s8], $0x10, s17, s8, $0xb8;
	[tilespmem:$0x5500] =	vst v63  }
0x5a: {  	_ = 	snop  }
0x5b: {  	[tilespmem:s20], [sflag:$0x1] =	stream.indirect.gather [hbm4b:s3+s8], $0x10, s19, s8, $0xb8;
	[tilespmem:$0x5500] =	vst v63  }
0x5c: {  	_ = 	snop  }
0x5d: {  	[tilespmem:s22], [sflag:$0x1] =	stream.indirect.gather [hbm4b:s3+s8], $0x10, s21, s8, $0xb8;
	[tilespmem:$0x5500] =	vst v63  }
0x5e: {  	_ = 	snop  }
0x5f: {  	[tilespmem:s24], [sflag:$0x1] =	stream.indirect.gather [hbm4b:s3+s8], $0x10, s23, s8, $0xb8;
	[tilespmem:$0x5500] =	vst v63  }
0x60: {  	_ = 	snop  }
0x61: {  	[tilespmem:s26], [sflag:$0x1] =	stream.indirect.gather [hbm4b:s3+s8], $0x10, s25, s8, $0xb8;
	[tilespmem:$0x5500] =	vst v63  }
0x62: {  	_ =	swait.ge [sflag:s28], $0x800  }
0x63: {  	[sflag:s28] =	ssyncset.done $0x0  }
0x64: {  	[sflag:s28] =	ssyncadd.s32 $0xFFFFF800  }
0x65: {  	_ =	swait.ge [sflag:s28], $0x800  }
0x66: {  	[sflag:s28] =	ssyncset.done $0x0  }
0x67: {  	[sflag:s28] =	ssyncadd.s32 $0xFFFFF800  }
0x68: {  	_ =	swait.ge [sflag:s28], $0x800  }
0x69: {  	[sflag:s28] =	ssyncset.done $0x0  }
0x6a: {  	[sflag:s28] =	ssyncadd.s32 $0xFFFFF800  }
0x6b: {  	_ =	swait.ge [sflag:s28], $0x800  }
0x6c: {  	[sflag:s28] =	ssyncset.done $0x0  }
0x6d: {  	[sflag:s28] =	ssyncadd.s32 $0xFFFFF800  }
0x6e: {  	_ =	swait.ge [sflag:s28], $0x800  }
0x6f: {  	[sflag:s28] =	ssyncset.done $0x0  }
0x70: {  	[sflag:s28] =	ssyncadd.s32 $0xFFFFF800  }
0x71: {  	_ =	swait.ge [sflag:s28], $0x800  }
0x72: {  	[sflag:s28] =	ssyncset.done $0x0  }
0x73: {  	[sflag:s28] =	ssyncadd.s32 $0xFFFFF800  }
0x74: {  	_ =	swait.ge [sflag:s28], $0x800  }
0x75: {  	[sflag:s28] =	ssyncset.done $0x0  }
0x76: {  	[sflag:s28] =	ssyncadd.s32 $0xFFFFF800  }
0x77: {  	_ =	swait.ge [sflag:s28], $0x800  }
0x78: {  	[sflag:s28] =	ssyncset.done $0x0  }
0x79: {  	[sflag:s28] =	ssyncadd.s32 $0xFFFFF800  }
0x7a: {  	_ =	swait.ge [sflag:s28], $0x800  }
0x7b: {  	[sflag:s28] =	ssyncset.done $0x0  }
0x7c: {  	[sflag:s28] =	ssyncadd.s32 $0xFFFFF800  }
0x7d: {  	_ =	swait.ge [sflag:s28], $0x800  }
.Ltmp0:
0x7e: {  	[sflag:s28] =	ssyncset.done $0x0;
	(pc) =	sbr.rel @p0 .LBB2_2-.Ltmp0, $4  }
0x7f: {  	[sflag:s28] =	ssyncadd.s32 $0xFFFFF800  }
0x80: {  	[hbm4b:s30+s2] =	stream.linear.scatter [tilespmem:s9], [sflag:$0x2], $0x5000, $0x38;
	[tilespmem:$0x5500] =	vst v63  }
0x81: {  	_ =	swait.ge [sflag:s7], $0x5000  }
0x82: {  	s0 =	smov.u32 s1;
	s30 =	sadd.s32 $0xA00, s30;
	[sflag:s7] =	ssyncset.done $0x0  }
0x83: {  	s0 =	sadd.s32 s31, s6;
	[sflag:s7] =	ssyncadd.s32 $0xFFFFB000  }
0x84: {  	[tilespmem:s2], [sflag:$0x2] =	stream.linear.gather [hbm4b:s0+s2], $0x500, $0x38;
	[tilespmem:$0x5500] =	vst v63  }
0x85: {  	_ =	swait.ge [sflag:s7], $0x500  }
0x86: {  	[sflag:s7] =	ssyncset.done $0x0  }
0x87: {  	[sflag:s7] =	ssyncadd.s32 $0xFFFFFB00  }
0x88: {  	[tilespmem:s9], [sflag:$0x1] =	stream.indirect.gather [hbm4b:s3+s8], $0x10, s2, s8, $0xb8;
	[tilespmem:$0x5500] =	vst v63  }
0x89: {  	_ = 	snop  }
0x8a: {  	[tilespmem:s10], [sflag:$0x1] =	stream.indirect.gather [hbm4b:s3+s8], $0x10, s8, s8, $0xb8;
	[tilespmem:$0x5500] =	vst v63  }
0x8b: {  	_ = 	snop  }
0x8c: {  	[tilespmem:s12], [sflag:$0x1] =	stream.indirect.gather [hbm4b:s3+s8], $0x10, s11, s8, $0xb8;
	[tilespmem:$0x5500] =	vst v63  }
0x8d: {  	_ = 	snop  }
0x8e: {  	[tilespmem:s14], [sflag:$0x1] =	stream.indirect.gather [hbm4b:s3+s8], $0x10, s13, s8, $0xb8;
	[tilespmem:$0x5500] =	vst v63  }
0x8f: {  	_ = 	snop  }
0x90: {  	[tilespmem:s16], [sflag:$0x1] =	stream.indirect.gather [hbm4b:s3+s8], $0x10, s15, s8, $0xb8;
	[tilespmem:$0x5500] =	vst v63  }
0x91: {  	_ = 	snop  }
0x92: {  	[tilespmem:s18], [sflag:$0x1] =	stream.indirect.gather [hbm4b:s3+s8], $0x10, s17, s8, $0xb8;
	[tilespmem:$0x5500] =	vst v63  }
0x93: {  	_ = 	snop  }
0x94: {  	[tilespmem:s20], [sflag:$0x1] =	stream.indirect.gather [hbm4b:s3+s8], $0x10, s19, s8, $0xb8;
	[tilespmem:$0x5500] =	vst v63  }
0x95: {  	_ = 	snop  }
0x96: {  	[tilespmem:s22], [sflag:$0x1] =	stream.indirect.gather [hbm4b:s3+s8], $0x10, s21, s8, $0xb8;
	[tilespmem:$0x5500] =	vst v63  }
0x97: {  	_ = 	snop  }
0x98: {  	[tilespmem:s24], [sflag:$0x1] =	stream.indirect.gather [hbm4b:s3+s8], $0x10, s23, s8, $0xb8;
	[tilespmem:$0x5500] =	vst v63  }
0x99: {  	_ = 	snop  }
0x9a: {  	[tilespmem:s26], [sflag:$0x1] =	stream.indirect.gather [hbm4b:s3+s8], $0x10, s25, s8, $0xb8;
	[tilespmem:$0x5500] =	vst v63  }
0x9b: {  	_ =	swait.ge [sflag:s28], $0x800  }
0x9c: {  	[sflag:s28] =	ssyncset.done $0x0  }
0x9d: {  	[sflag:s28] =	ssyncadd.s32 $0xFFFFF800  }
0x9e: {  	_ =	swait.ge [sflag:s28], $0x800  }
0x9f: {  	[sflag:s28] =	ssyncset.done $0x0  }
0xa0: {  	[sflag:s28] =	ssyncadd.s32 $0xFFFFF800  }
0xa1: {  	_ =	swait.ge [sflag:s28], $0x800  }
0xa2: {  	[sflag:s28] =	ssyncset.done $0x0  }
0xa3: {  	[sflag:s28] =	ssyncadd.s32 $0xFFFFF800  }
0xa4: {  	_ =	swait.ge [sflag:s28], $0x800  }
0xa5: {  	[sflag:s28] =	ssyncset.done $0x0  }
0xa6: {  	[sflag:s28] =	ssyncadd.s32 $0xFFFFF800  }
0xa7: {  	_ =	swait.ge [sflag:s28], $0x800  }
0xa8: {  	[sflag:s28] =	ssyncset.done $0x0  }
0xa9: {  	[sflag:s28] =	ssyncadd.s32 $0xFFFFF800  }
0xaa: {  	_ =	swait.ge [sflag:s28], $0x800  }
0xab: {  	[sflag:s28] =	ssyncset.done $0x0  }
0xac: {  	[sflag:s28] =	ssyncadd.s32 $0xFFFFF800  }
0xad: {  	_ =	swait.ge [sflag:s28], $0x800  }
0xae: {  	[sflag:s28] =	ssyncset.done $0x0  }
0xaf: {  	[sflag:s28] =	ssyncadd.s32 $0xFFFFF800  }
0xb0: {  	_ =	swait.ge [sflag:s28], $0x800  }
0xb1: {  	[sflag:s28] =	ssyncset.done $0x0  }
0xb2: {  	[sflag:s28] =	ssyncadd.s32 $0xFFFFF800  }
0xb3: {  	_ =	swait.ge [sflag:s28], $0x800  }
0xb4: {  	[sflag:s28] =	ssyncset.done $0x0  }
0xb5: {  	[sflag:s28] =	ssyncadd.s32 $0xFFFFF800  }
0xb6: {  	_ =	swait.ge [sflag:s28], $0x800  }
0xb7: {  	[sflag:s28] =	ssyncset.done $0x0  }
0xb8: {  	[sflag:s28] =	ssyncadd.s32 $0xFFFFF800  }
0xb9: {  	[hbm4b:s30+s2] =	stream.linear.scatter [tilespmem:s9], [sflag:$0x2], $0x5000, $0x38;
	[tilespmem:$0x5500] =	vst v63  }
0xba: {  	_ =	swait.ge [sflag:s7], $0x5000  }
0xbb: {  	s29 =	sadd.s32 $0x1, s29;
	s31 =	rddreg [dreg:$0x2]  }
0xbc: {  	p0 =	sne.s32 s29, s31  }
.Ltmp1:
0xbd: {  	_ = 	snop;
	(pc) =	sbr.rel @p0 .LBB2_1-.Ltmp1, $3  }
0xbe: {  	_ =	sdelay $0x1  }
0xbf: {  	[sflag:s7] =	ssyncset.done $0x0  }
0xc0: {  	[sflag:s7] =	ssyncadd.s32 $0xFFFFB000  }
0xc1: {  	_ =	sfence.sel $0x180000  }
0xc2: {  	[bflag:$0x0] =	sbarrier.arrive $0xFFFF  }
0xc3: {  	_ =	strace $0x90000050  }
0xc4: {  	s0 =	stileid.u32;
	[bflag:$0x2] =	sbarrier.arrive $0xFFFF  }
0xc5: {  	p0 =	sne.s32 s0, $0x0;
	s0 =	rddreg [dreg:$0x1]  }
0xc6: {  	s0 =	sadd.s32 @!p0 $0x100000, s0  }
0xc7: {  	[sflag:s0] =	ssyncadd.tile.s32 @!p0 $0x1;
	_ =	shalt  }
.Lfunc_end2:
_tile_overlayer_lowered:
.L_overlay_start_2:
0xc8: {  	(tag) =	ssettag $0x2  }
0xc9: {  	s0 =	rddreg [dreg:$0x0];
	s2 =	stileid.u32  }
0xca: {  	s1 =	rddreg [dreg:$0x1];
	p0 =	sne.s32 s2, $0x0  }
0xcb: {  	s3 =	rddreg [dreg:$0x2];
	[bflag:$0x3] =	sbarrier.arrive $0xFFFF;
	s2 =	simm.s32 @!p0 $0x1C02  }
0xcc: {  	[timem:s3], [sflag:s2] =	dma.local @!p0 [hbm:s0], s1  }
0xcd: {  	s0 =	simm.s32 @!p0 $0x2  }
0xce: {  	_ =	swait.ge @!p0 [sflag:s0], s1  }
0xcf: {  	s1 =	ssub.s32 @!p0 $0x0, s1;
	[sflag:s0] =	ssyncset.done @!p0 $0x0  }
0xd0: {  	[sflag:s0] =	ssyncadd.s32 @!p0 s1  }
0xd1: {  	[bflag:$0x3] =	sbarrier.arrive $0xFFFF  }
0xd2: {  	_ =	shalt  }

// kernel: scatter_offload_async_start
scs
__scs_entry_jumppad:
0x0: {  	(pc) =	sbr.rel $0x88, $3  }
0x1: {  	(tag) =	ssettag $0x0;
	lr =	simm.s32 $0x1  }
0x2: {  	[smem:$0x3F9D] =	sst lr;
	_ =	strace $0xD0000000  }
0x3: {  	_ = 	snop  }
0x4: {  	_ = 	snop  }
0x5: {  	_ = 	snop  }
0x6: {  	_ = 	snop  }
0x7: {  	_ = 	snop  }
__scs_overlays_trampoline_lowered:
0x8: {  	[smem:$0x3FAC] =	sst s0  }
0x9: {  	[smem:$0x3FAD] =	sst s1  }
0xa: {  	[smem:$0x3FAE] =	sst s2  }
0xb: {  	[smem:$0x3FAF] =	sst s3  }
0xc: {  	[smem:$0x3FB0] =	sst s4  }
0xd: {  	[smem:$0x3FB1] =	sst s5  }
0xe: {  	[smem:$0x3FB2] =	sst s6  }
0xf: {  	[smem:$0x3FB3] =	sst s7  }
0x10: {  	[smem:$0x3FB4] =	sst s8  }
0x11: {  	[smem:$0x3FB5] =	sst s9;
	s0 =	simm.s32 @!p0 $0x0  }
0x12: {  	s1 =	sld [smem:$0x3F9B];
	s0 =	simm.s32 @p0 $0x1  }
0x13: {  	[smem:$0x3FB6] =	sst s0;
	s0 =	simm.s32 @!p1 $0x0  }
0x14: {  	s2 =	sld [smem:$0x3F9A];
	s0 =	simm.s32 @p1 $0x1  }
0x15: {  	[smem:$0x3FB7] =	sst s0;
	s0 =	simm.s32 @!p2 $0x0  }
0x16: {  	s3 =	sld [smem:$0x3FDB];
	s0 =	simm.s32 @p2 $0x1  }
0x17: {  	s4 =	simm.s32 $0x1BF5;
	[smem:$0x3FB9] =	sst s0  }
0x18: {  	s0 =	sld [smem:$0x3F9C];
	_ =	swait.ge [sflag:s4], $0x0  }
0x19: {  	s7 =	sld [smem:$0x3F9D]  }
0x1a: {  	s8 =	sadd.s32 $0xFFFFE003, lr  }
0x1b: {  	s9 =	sadd.s32 $0xFFFFFEF7, lr;
	s5 =	simm.s32 $0xFFFFFFFF;
	p2 =	slt.u32 s8, $0xFFFFF086  }
0x1c: {  	p1 =	slt.u32 s9, $0xF7A;
	s5 =	simm.s32 @!p2 $0x0  }
0x1d: {  	s5 =	simm.s32 @p1 $0x1;
	p0 =	seq.s32 s7, s2  }
0x1e: {  	s7 =	smul.u32 @!p0 $0xF7A, s2;
	p2 =	seq.s32 @!p0 s5, $0x0  }
0x1f: {  	s9 =	smul.u32 $0xF7A, s1;
	s8 =	simm.s32 @!p0 $0x1BF5;
	p2 =	por !p2, p0  }
0x20: {  	[sflag:s8] =	ssyncset.s32 @!p0 $0xFFFFF086;
	s6 =	sadd.s32 @!p0 s3, s7;
	s7 =	simm.s32 @!p0 $0x108  }
0x21: {  	s3 =	sadd.s32 s3, s9;
	s6 =	sadd.s32 @!p0 $0x88, s6;
	s7 =	simm.s32 @p2 $0x1082  }
0x22: {  	[simem:s7], [sflag:s8] =	dma.local @!p0 [hbm:s6], $0xF7A  }
0x23: {  	s9 =	sor.u32 $0xD0000000, s2;
	s6 =	simm.s32 $0x108;
	_ =	swait.ge @!p0 [sflag:s8], $0x0  }
0x24: {  	s3 =	sadd.s32 $0x88, s3;
	s6 =	simm.s32 @!p1 $0x1082;
	[sflag:s4] =	ssyncset.s32 $0xFFFFF086  }
0x25: {  	[simem:s6], [sflag:s4] =	dma.local [hbm:s3], $0xF7A  }
0x26: {  	[smem:$0x3F9D] =	sst s1;
	(tag) =	ssettag s2;
	_ =	strace s9  }
0x27: {  	s1 =	sld [smem:$0x3FAD]  }
0x28: {  	s2 =	sld [smem:$0x3FAE]  }
0x29: {  	s4 =	sld [smem:$0x3FB0]  }
0x2a: {  	p0 =	seq.s32 s5, $0x0;
	s5 =	sld [smem:$0x3FB1]  }
0x2b: {  	s6 =	sld [smem:$0x3FB2]  }
0x2c: {  	s7 =	sld [smem:$0x3FB3]  }
0x2d: {  	s3 =	simm.s32 $0x108;
	s8 =	sld [smem:$0x3FB4]  }
0x2e: {  	s3 =	simm.s32 @!p0 $0x1082;
	s9 =	sld [smem:$0x3FB5]  }
0x2f: {  	lr =	sadd.s32 s0, s3;
	s0 =	sld [smem:$0x3FAC]  }
0x30: {  	s3 =	sld [smem:$0x3FAF]  }
0x31: {  	[smem:$0x3FB8] =	sst s10  }
0x32: {  	s10 =	sld [smem:$0x3FB6];
	_ =	sdelay $0x3  }
0x33: {  	p0 =	seq.s32 s10, $0x1;
	s10 =	sld [smem:$0x3FB8];
	_ =	sdelay $0x3  }
0x34: {  	[smem:$0x3FB8] =	sst s10  }
0x35: {  	s10 =	sld [smem:$0x3FB7];
	_ =	sdelay $0x3  }
0x36: {  	p1 =	seq.s32 s10, $0x1;
	s10 =	sld [smem:$0x3FB8];
	_ =	sdelay $0x3  }
0x37: {  	[smem:$0x3FB8] =	sst s10  }
0x38: {  	s10 =	sld [smem:$0x3FB9]  }
0x39: {  	_ = 	snop;
	(pc) =	sbr.ind lr, $3  }
0x3a: {  	_ = 	snop  }
0x3b: {  	_ = 	snop  }
0x3c: {  	p2 =	seq.s32 s10, $0x1;
	s10 =	sld [smem:$0x3FB8]  }
0x3d: {  	_ =	shalt  }
0x3e: {  	_ =	shalt  }
0x3f: {  	_ =	shalt  }
0x40: {  	_ =	shalt  }
0x41: {  	_ =	shalt  }
0x42: {  	_ =	shalt  }
0x43: {  	_ =	shalt  }
0x44: {  	_ =	shalt  }
0x45: {  	_ =	shalt  }
0x46: {  	_ =	shalt  }
0x47: {  	_ =	shalt  }
0x48: {  	_ =	shalt  }
0x49: {  	_ =	shalt  }
0x4a: {  	_ =	shalt  }
0x4b: {  	_ =	shalt  }
0x4c: {  	_ =	shalt  }
0x4d: {  	_ =	shalt  }
0x4e: {  	_ =	shalt  }
0x4f: {  	_ =	shalt  }
0x50: {  	_ =	shalt  }
0x51: {  	_ =	shalt  }
0x52: {  	_ =	shalt  }
0x53: {  	_ =	shalt  }
0x54: {  	_ =	shalt  }
0x55: {  	_ =	shalt  }
0x56: {  	_ =	shalt  }
0x57: {  	_ =	shalt  }
0x58: {  	_ =	shalt  }
0x59: {  	_ =	shalt  }
0x5a: {  	_ =	shalt  }
0x5b: {  	_ =	shalt  }
0x5c: {  	_ =	shalt  }
0x5d: {  	_ =	shalt  }
0x5e: {  	_ =	shalt  }
0x5f: {  	_ =	shalt  }
0x60: {  	_ =	shalt  }
0x61: {  	_ =	shalt  }
0x62: {  	_ =	shalt  }
0x63: {  	_ =	shalt  }
0x64: {  	_ =	shalt  }
0x65: {  	_ =	shalt  }
0x66: {  	_ =	shalt  }
0x67: {  	_ =	shalt  }
0x68: {  	_ =	shalt  }
0x69: {  	_ =	shalt  }
0x6a: {  	_ =	shalt  }
0x6b: {  	_ =	shalt  }
0x6c: {  	_ =	shalt  }
0x6d: {  	_ =	shalt  }
0x6e: {  	_ =	shalt  }
0x6f: {  	_ =	shalt  }
0x70: {  	_ =	shalt  }
0x71: {  	_ =	shalt  }
0x72: {  	_ =	shalt  }
0x73: {  	_ =	shalt  }
0x74: {  	_ =	shalt  }
0x75: {  	_ =	shalt  }
0x76: {  	_ =	shalt  }
0x77: {  	_ =	shalt  }
0x78: {  	_ =	shalt  }
0x79: {  	_ =	shalt  }
0x7a: {  	_ =	shalt  }
0x7b: {  	_ =	shalt  }
0x7c: {  	_ =	shalt  }
0x7d: {  	_ =	shalt  }
0x7e: {  	_ =	shalt  }
0x7f: {  	_ =	shalt  }
0x80: {  	_ =	shalt  }
0x81: {  	_ =	shalt  }
0x82: {  	_ =	shalt  }
0x83: {  	_ =	shalt  }
0x84: {  	_ =	shalt  }
0x85: {  	_ =	shalt  }
0x86: {  	_ =	shalt  }
0x87: {  	_ =	shalt  }
.Lfunc_end0:
.L_simem_size_0:
called_computation_lowered:
.L_overlay_start_0:
0x88: {  	s2 =	sld [smem:$0x3FD9]  }
0x89: {  	s3 =	sld [smem:$0x3FFE];
	_ =	sdelay $0x1  }
0x8a: {  	s1 =	srdreg.scid  }
0x8b: {  	s0 =	sand.u32 $0x1, s1  }
0x8c: {  	s15 =	sshll.u32 s0, $0xA;
	s2 =	sadd.s32 s3, s2  }
0x8d: {  	s2 =	sadd.s32 s2, s15  }
0x8e: {  	[smem:$0x3FC4] =	sst s2  }
0x8f: {  	_ = 	snop  }
0x90: {  	(tm) =	ssettm $0x1  }
0x91: {  	s16 =	sld [smem:$0x3FFB];
	_ =	sdelay $0x3  }
0x92: {  	_ =	strace s16  }
0x93: {  	s2 =	sld [smem:$0x3FFC];
	_ =	sdelay $0x3  }
0x94: {  	_ =	strace s2  }
0x95: {  	s2 =	sld [smem:$0x3FFD];
	_ =	sdelay $0x3  }
0x96: {  	_ =	strace s2  }
0x97: {  	_ =	strace $0x8FFFFFFF  }
0x98: {  	s17 =	sld [smem:$0x3FDB];
	_ =	sdelay $0x1  }
0x99: {  	s18 =	simm.s32 $_scs_section_size  }
0x9a: {  	s4 =	simm.s32 $_size__tile_overlayer_lowered;
	s5 =	simm.s32 $_tile_overlayer_lowered  }
0x9b: {  	s21 =	simm.s32 $0x1BFF;
	s20 =	sshll.u32 s5, $0x1;
	s2 =	sadd.s32 s18, s17  }
0x9c: {  	s6 =	simm.s32 $0x0;
	s19 =	sshll.u32 s4, $0x1;
	s4 =	sadd.s32 s20, s2  }
0x9d: {  	[timem:s6], [sflag:s21] =	dma.local [hbm:s4], s19  }
0x9e: {  	_ =	swait.ge [sflag:s21], s19  }
0x9f: {  	s3 =	ssub.s32 $0x0, s19;
	[sflag:s21] =	ssyncset.done $0x0  }
0xa0: {  	[sflag:s21] =	ssyncadd.s32 s3;
	_ =	sdelay $0x1  }
0xa1: {  	s22 =	simm.s32 $0x1B8B  }
0xa2: {  	_ =	swait.ge [sflag:s22], $0x1  }
0xa3: {  	[sflag:s22] =	ssyncset.done $0x0  }
0xa4: {  	s23 =	sld [smem:$0x3FFE];
	[sflag:s22] =	ssyncadd.s32 $0xFFFFFFFF  }
0xa5: {  	s25 =	simm.s32 $0x1B8E;
	s24 =	sld [smem:$0x0]  }
0xa6: {  	s26 =	simm.s32 $execute0_lowered;
	[smem:$0x3FD2] =	sst s25  }
0xa7: {  	s5 =	sshll.u32 s26, $0x1;
	_ =	strace $0x80000046;
	[dreg:$0x1] =	wrdreg $0xFFFFFFFF  }
0xa8: {  	s28 =	simm.s32 $_size_execute0_lowered;
	s2 =	sadd.s32 s2, s5;
	[dreg:$0x0] =	wrdreg $0x0  }
0xa9: {  	s5 =	sshll.u32 s28, $0x1;
	[dreg:$0x2] =	wrdreg s2  }
0xaa: {  	[dreg:$0x3] =	wrdreg s5  }
0xab: {  	[dreg:$0x4] =	wrdreg $0xC0  }
0xac: {  	_ =	task [dreg:s6], $0x5FFFF  }
0xad: {  	[dreg:$0x1] =	wrdreg $0xFFFFFFFF  }
0xae: {  	[dreg:$0x0] =	wrdreg $0x60  }
0xaf: {  	[dreg:$0x2] =	wrdreg s23  }
0xb0: {  	[dreg:$0x3] =	wrdreg s1  }
0xb1: {  	[dreg:$0x4] =	wrdreg s24  }
0xb2: {  	[dreg:$0x5] =	wrdreg $0x9  }
0xb3: {  	_ =	task.clear_ibuf [dreg:s6], $0x6FFFF;
	_ =	strace $0x90000046  }
0xb4: {  	s29 =	simm.s32 $0x9;
	_ =	strace $0x80000048  }
0xb5: {  	_ =	swait.ge [sflag:s29], $0x1  }
0xb6: {  	[sflag:s29] =	ssyncadd.s32 $0xFFFFFFFF  }
0xb7: {  	_ =	strace $0x90000048  }
0xb8: {  	_ =	sfence  }
0xb9: {  	s30 =	sld [smem:$0x0];
	_ =	sdelay $0x2  }
0xba: {  	s31 =	sshll.u32 s1, $0xD;
	s1 =	sshrl.u32 s1, $0x2  }
0xbb: {  	s3 =	sand.u32 $0x4000, s31;
	s1 =	sadd.s32 s1, s30  }
0xbc: {  	s0 =	sor.u32 s3, s0;
	s1 =	sshll.u32 s1, $0x11  }
0xbd: {  	s0 =	sor.u32 s1, s0  }
0xbe: {  	s0 =	sadd.s32 $0x8F2B, s0  }
0xbf: {  	[sflag:s0] =	ssyncadd.remote.s32 $0x1  }
0xc0: {  	_ =	sfence.sel $0xFFFF  }
0xc1: {  	[dreg:$0x0] =	wrdreg $0xFFFFFFFF;
	(pc) =	sbr.abs _section_cstart, $3  }
0xc2: {  	[dreg:$0x1] =	wrdreg $0xFFFFFFFF  }
0xc3: {  	_ =	task.clear_ibuf [dreg:s6], $0x2FFFF;
	_ =	strace $0x9FFFFFFF  }
0xc4: {  	(tm) =	ssettm $0x7FFFFFFF  }
0xc5: {  	_ =	shalt  }
tec
execute0_lowered:
.L_overlay_start_1:
0x0: {  	(tag) =	ssettag $0x1  }
0x1: {  	s11 =	rddreg [dreg:$0x0]  }
0x2: {  	s2 =	rddreg [dreg:$0x1];
	_ =	strace $0x80000047;
	s12 =	simm.s32 $0x1  }
0x3: {  	v0 =	vimm.s32 $0x0;
	[sflag:s12] =	ssyncpa.u1 $0x0  }
0x4: {  	[tilespmem:$0x28] =	vst v0  }
0x5: {  	[tilespmem:$0x38] =	vst v0  }
0x6: {  	[tilespmem:$0x48] =	vst v0  }
0x7: {  	[tilespmem:$0x58] =	vst v0  }
0x8: {  	[tilespmem:$0x68] =	vst v0  }
0x9: {  	[tilespmem:$0x78] =	vst v0  }
0xa: {  	[tilespmem:$0x88] =	vst v0  }
0xb: {  	[tilespmem:$0x98] =	vst v0  }
0xc: {  	[tilespmem:$0xA8] =	vst v0  }
0xd: {  	[tilespmem:$0xB8] =	vst v0  }
0xe: {  	[tilespmem:$0xC8] =	vst v0  }
0xf: {  	[tilespmem:$0xD8] =	vst v0  }
0x10: {  	[tilespmem:$0xE8] =	vst v0  }
0x11: {  	[tilespmem:$0xF8] =	vst v0  }
0x12: {  	[tilespmem:$0x108] =	vst v0  }
0x13: {  	[tilespmem:$0x118] =	vst v0  }
0x14: {  	[tilespmem:$0x128] =	vst v0  }
0x15: {  	[tilespmem:$0x138] =	vst v0  }
0x16: {  	[tilespmem:$0x148] =	vst v0  }
0x17: {  	[tilespmem:$0x158] =	vst v0  }
0x18: {  	[tilespmem:$0x168] =	vst v0  }
0x19: {  	[tilespmem:$0x178] =	vst v0  }
0x1a: {  	[tilespmem:$0x188] =	vst v0  }
0x1b: {  	[tilespmem:$0x198] =	vst v0  }
0x1c: {  	[tilespmem:$0x1A8] =	vst v0  }
0x1d: {  	[tilespmem:$0x1B8] =	vst v0  }
0x1e: {  	[tilespmem:$0x1C8] =	vst v0  }
0x1f: {  	[tilespmem:$0x1D8] =	vst v0  }
0x20: {  	[tilespmem:$0x1E8] =	vst v0  }
0x21: {  	[tilespmem:$0x1F8] =	vst v0  }
0x22: {  	[tilespmem:$0x208] =	vst v0  }
0x23: {  	[tilespmem:$0x218] =	vst v0  }
0x24: {  	[tilespmem:$0x228] =	vst v0  }
0x25: {  	[tilespmem:$0x238] =	vst v0  }
0x26: {  	[tilespmem:$0x248] =	vst v0  }
0x27: {  	[tilespmem:$0x258] =	vst v0  }
0x28: {  	[tilespmem:$0x268] =	vst v0  }
0x29: {  	[tilespmem:$0x278] =	vst v0  }
0x2a: {  	[tilespmem:$0x288] =	vst v0  }
0x2b: {  	[tilespmem:$0x298] =	vst v0  }
0x2c: {  	[tilespmem:$0x2A8] =	vst v0  }
0x2d: {  	[tilespmem:$0x2B8] =	vst v0  }
0x2e: {  	[tilespmem:$0x2C8] =	vst v0  }
0x2f: {  	[tilespmem:$0x2D8] =	vst v0  }
0x30: {  	[tilespmem:$0x2E8] =	vst v0  }
0x31: {  	[tilespmem:$0x2F8] =	vst v0  }
0x32: {  	[tilespmem:$0x308] =	vst v0  }
0x33: {  	[tilespmem:$0x318] =	vst v0  }
0x34: {  	[tilespmem:$0x328] =	vst v0  }
0x35: {  	[tilespmem:$0x338] =	vst v0  }
0x36: {  	[tilespmem:$0x348] =	vst v0  }
0x37: {  	[tilespmem:$0x358] =	vst v0  }
0x38: {  	[tilespmem:$0x368] =	vst v0  }
0x39: {  	[tilespmem:$0x378] =	vst v0  }
0x3a: {  	[tilespmem:$0x388] =	vst v0  }
0x3b: {  	[tilespmem:$0x398] =	vst v0  }
0x3c: {  	[tilespmem:$0x3A8] =	vst v0  }
0x3d: {  	[tilespmem:$0x3B8] =	vst v0  }
0x3e: {  	[tilespmem:$0x3C8] =	vst v0  }
0x3f: {  	[tilespmem:$0x3D8] =	vst v0  }
0x40: {  	[tilespmem:$0x3E8] =	vst v0  }
0x41: {  	[tilespmem:$0x3F8] =	vst v0  }
0x42: {  	[tilespmem:$0x408] =	vst v0  }
0x43: {  	[tilespmem:$0x418] =	vst v0  }
0x44: {  	[tilespmem:$0x428] =	vst v0  }
0x45: {  	[tilespmem:$0x438] =	vst v0  }
0x46: {  	[tilespmem:$0x448] =	vst v0  }
0x47: {  	[tilespmem:$0x458] =	vst v0  }
0x48: {  	[tilespmem:$0x468] =	vst v0  }
0x49: {  	[tilespmem:$0x478] =	vst v0  }
0x4a: {  	[tilespmem:$0x488] =	vst v0  }
0x4b: {  	[tilespmem:$0x498] =	vst v0  }
0x4c: {  	[tilespmem:$0x4A8] =	vst v0  }
0x4d: {  	[tilespmem:$0x4B8] =	vst v0  }
0x4e: {  	[tilespmem:$0x4C8] =	vst v0  }
0x4f: {  	[tilespmem:$0x4D8] =	vst v0  }
0x50: {  	[tilespmem:$0x4E8] =	vst v0  }
0x51: {  	[tilespmem:$0x4F8] =	vst v0  }
0x52: {  	[tilespmem:$0x508] =	vst v0  }
0x53: {  	[tilespmem:$0x518] =	vst v0  }
0x54: {  	[tilespmem:$0x528] =	vst v0  }
0x55: {  	[tilespmem:$0x538] =	vst v0  }
0x56: {  	[tilespmem:$0x548] =	vst v0  }
0x57: {  	[tilespmem:$0x558] =	vst v0  }
0x58: {  	[tilespmem:$0x568] =	vst v0  }
0x59: {  	[tilespmem:$0x578] =	vst v0  }
0x5a: {  	[tilespmem:$0x588] =	vst v0  }
0x5b: {  	[tilespmem:$0x598] =	vst v0  }
0x5c: {  	[tilespmem:$0x5A8] =	vst v0  }
0x5d: {  	[tilespmem:$0x5B8] =	vst v0  }
0x5e: {  	[tilespmem:$0x5C8] =	vst v0  }
0x5f: {  	[tilespmem:$0x5D8] =	vst v0  }
0x60: {  	[tilespmem:$0x5E8] =	vst v0  }
0x61: {  	[tilespmem:$0x5F8] =	vst v0  }
0x62: {  	[tilespmem:$0x608] =	vst v0  }
0x63: {  	[tilespmem:$0x618] =	vst v0  }
0x64: {  	[tilespmem:$0x628] =	vst v0  }
0x65: {  	[tilespmem:$0x638] =	vst v0  }
0x66: {  	[tilespmem:$0x648] =	vst v0  }
0x67: {  	[tilespmem:$0x658] =	vst v0  }
0x68: {  	[tilespmem:$0x668] =	vst v0  }
0x69: {  	[tilespmem:$0x678] =	vst v0  }
0x6a: {  	[tilespmem:$0x688] =	vst v0  }
0x6b: {  	[tilespmem:$0x698] =	vst v0  }
0x6c: {  	[tilespmem:$0x6A8] =	vst v0  }
0x6d: {  	[tilespmem:$0x6B8] =	vst v0  }
0x6e: {  	[tilespmem:$0x6C8] =	vst v0  }
0x6f: {  	[tilespmem:$0x6D8] =	vst v0  }
0x70: {  	[tilespmem:$0x6E8] =	vst v0  }
0x71: {  	[tilespmem:$0x6F8] =	vst v0  }
0x72: {  	[tilespmem:$0x708] =	vst v0  }
0x73: {  	[tilespmem:$0x718] =	vst v0  }
0x74: {  	[tilespmem:$0x728] =	vst v0  }
0x75: {  	[tilespmem:$0x738] =	vst v0  }
0x76: {  	[tilespmem:$0x748] =	vst v0  }
0x77: {  	[tilespmem:$0x758] =	vst v0  }
0x78: {  	[tilespmem:$0x768] =	vst v0  }
0x79: {  	[tilespmem:$0x778] =	vst v0  }
0x7a: {  	[tilespmem:$0x788] =	vst v0  }
0x7b: {  	[tilespmem:$0x798] =	vst v0  }
0x7c: {  	[tilespmem:$0x7A8] =	vst v0  }
0x7d: {  	[tilespmem:$0x7B8] =	vst v0  }
0x7e: {  	[tilespmem:$0x7C8] =	vst v0  }
0x7f: {  	[tilespmem:$0x7D8] =	vst v0  }
0x80: {  	[tilespmem:$0x7E8] =	vst v0  }
0x81: {  	[tilespmem:$0x7F8] =	vst v0  }
0x82: {  	[tilespmem:$0x808] =	vst v0  }
0x83: {  	[tilespmem:$0x818] =	vst v0  }
0x84: {  	[tilespmem:$0x828] =	vst v0  }
0x85: {  	[tilespmem:$0x838] =	vst v0  }
0x86: {  	[tilespmem:$0x848] =	vst v0  }
0x87: {  	[tilespmem:$0x858] =	vst v0  }
0x88: {  	[tilespmem:$0x868] =	vst v0  }
0x89: {  	[tilespmem:$0x878] =	vst v0  }
0x8a: {  	[tilespmem:$0x888] =	vst v0  }
0x8b: {  	[tilespmem:$0x898] =	vst v0  }
0x8c: {  	[tilespmem:$0x8A8] =	vst v0  }
0x8d: {  	[tilespmem:$0x8B8] =	vst v0  }
0x8e: {  	[tilespmem:$0x8C8] =	vst v0  }
0x8f: {  	[tilespmem:$0x8D8] =	vst v0  }
0x90: {  	[tilespmem:$0x8E8] =	vst v0  }
0x91: {  	[tilespmem:$0x8F8] =	vst v0  }
0x92: {  	[tilespmem:$0x908] =	vst v0  }
0x93: {  	[tilespmem:$0x918] =	vst v0  }
0x94: {  	[tilespmem:$0x928] =	vst v0  }
0x95: {  	[tilespmem:$0x938] =	vst v0  }
0x96: {  	[tilespmem:$0x948] =	vst v0  }
0x97: {  	[tilespmem:$0x958] =	vst v0  }
0x98: {  	[tilespmem:$0x968] =	vst v0  }
0x99: {  	[tilespmem:$0x978] =	vst v0  }
0x9a: {  	[tilespmem:$0x988] =	vst v0  }
0x9b: {  	[tilespmem:$0x998] =	vst v0  }
0x9c: {  	[tilespmem:$0x9A8] =	vst v0  }
0x9d: {  	[tilespmem:$0x9B8] =	vst v0  }
0x9e: {  	[tilespmem:$0x9C8] =	vst v0  }
0x9f: {  	[tilespmem:$0x9D8] =	vst v0  }
0xa0: {  	[tilespmem:$0x9E8] =	vst v0  }
0xa1: {  	[tilespmem:$0x9F8] =	vst v0  }
0xa2: {  	[tilespmem:$0xA08] =	vst v0  }
0xa3: {  	[tilespmem:$0xA18] =	vst v0  }
0xa4: {  	[tilespmem:$0xA28] =	vst v0  }
0xa5: {  	[tilespmem:$0xA38] =	vst v0  }
0xa6: {  	[tilespmem:$0xA48] =	vst v0  }
0xa7: {  	[tilespmem:$0xA58] =	vst v0  }
0xa8: {  	[tilespmem:$0xA68] =	vst v0  }
0xa9: {  	[tilespmem:$0xA78] =	vst v0  }
0xaa: {  	[tilespmem:$0xA88] =	vst v0  }
0xab: {  	[tilespmem:$0xA98] =	vst v0  }
0xac: {  	[tilespmem:$0xAA8] =	vst v0  }
0xad: {  	[tilespmem:$0xAB8] =	vst v0  }
0xae: {  	[tilespmem:$0xAC8] =	vst v0  }
0xaf: {  	[tilespmem:$0xAD8] =	vst v0  }
0xb0: {  	[tilespmem:$0xAE8] =	vst v0  }
0xb1: {  	[tilespmem:$0xAF8] =	vst v0  }
0xb2: {  	[tilespmem:$0xB08] =	vst v0  }
0xb3: {  	[tilespmem:$0xB18] =	vst v0  }
0xb4: {  	[tilespmem:$0xB28] =	vst v0  }
0xb5: {  	[tilespmem:$0xB38] =	vst v0  }
0xb6: {  	[tilespmem:$0xB48] =	vst v0  }
0xb7: {  	[tilespmem:$0xB58] =	vst v0  }
0xb8: {  	[tilespmem:$0xB68] =	vst v0  }
0xb9: {  	[tilespmem:$0xB78] =	vst v0  }
0xba: {  	[tilespmem:$0xB88] =	vst v0  }
0xbb: {  	[tilespmem:$0xB98] =	vst v0  }
0xbc: {  	[tilespmem:$0xBA8] =	vst v0  }
0xbd: {  	[tilespmem:$0xBB8] =	vst v0  }
0xbe: {  	[tilespmem:$0xBC8] =	vst v0  }
0xbf: {  	[tilespmem:$0xBD8] =	vst v0  }
0xc0: {  	[tilespmem:$0xBE8] =	vst v0  }
0xc1: {  	[tilespmem:$0xBF8] =	vst v0  }
0xc2: {  	[tilespmem:$0xC08] =	vst v0  }
0xc3: {  	[tilespmem:$0xC18] =	vst v0  }
0xc4: {  	[tilespmem:$0xC28] =	vst v0  }
0xc5: {  	[tilespmem:$0xC38] =	vst v0  }
0xc6: {  	[tilespmem:$0xC48] =	vst v0  }
0xc7: {  	[tilespmem:$0xC58] =	vst v0  }
0xc8: {  	[tilespmem:$0xC68] =	vst v0  }
0xc9: {  	[tilespmem:$0xC78] =	vst v0  }
0xca: {  	[tilespmem:$0xC88] =	vst v0  }
0xcb: {  	[tilespmem:$0xC98] =	vst v0  }
0xcc: {  	[tilespmem:$0xCA8] =	vst v0  }
0xcd: {  	[tilespmem:$0xCB8] =	vst v0  }
0xce: {  	[tilespmem:$0xCC8] =	vst v0  }
0xcf: {  	[tilespmem:$0xCD8] =	vst v0  }
0xd0: {  	[tilespmem:$0xCE8] =	vst v0  }
0xd1: {  	[tilespmem:$0xCF8] =	vst v0  }
0xd2: {  	[tilespmem:$0xD08] =	vst v0  }
0xd3: {  	[tilespmem:$0xD18] =	vst v0  }
0xd4: {  	[tilespmem:$0xD28] =	vst v0  }
0xd5: {  	[tilespmem:$0xD38] =	vst v0  }
0xd6: {  	[tilespmem:$0xD48] =	vst v0  }
0xd7: {  	[tilespmem:$0xD58] =	vst v0  }
0xd8: {  	[tilespmem:$0xD68] =	vst v0  }
0xd9: {  	[tilespmem:$0xD78] =	vst v0  }
0xda: {  	[tilespmem:$0xD88] =	vst v0  }
0xdb: {  	[tilespmem:$0xD98] =	vst v0  }
0xdc: {  	[tilespmem:$0xDA8] =	vst v0  }
0xdd: {  	[tilespmem:$0xDB8] =	vst v0  }
0xde: {  	[tilespmem:$0xDC8] =	vst v0  }
0xdf: {  	[tilespmem:$0xDD8] =	vst v0  }
0xe0: {  	[tilespmem:$0xDE8] =	vst v0  }
0xe1: {  	[tilespmem:$0xDF8] =	vst v0  }
0xe2: {  	[tilespmem:$0xE08] =	vst v0  }
0xe3: {  	[tilespmem:$0xE18] =	vst v0  }
0xe4: {  	[tilespmem:$0xE28] =	vst v0  }
0xe5: {  	[tilespmem:$0xE38] =	vst v0  }
0xe6: {  	[tilespmem:$0xE48] =	vst v0  }
0xe7: {  	[tilespmem:$0xE58] =	vst v0  }
0xe8: {  	[tilespmem:$0xE68] =	vst v0  }
0xe9: {  	[tilespmem:$0xE78] =	vst v0  }
0xea: {  	[tilespmem:$0xE88] =	vst v0  }
0xeb: {  	[tilespmem:$0xE98] =	vst v0  }
0xec: {  	[tilespmem:$0xEA8] =	vst v0  }
0xed: {  	[tilespmem:$0xEB8] =	vst v0  }
0xee: {  	[tilespmem:$0xEC8] =	vst v0  }
0xef: {  	[tilespmem:$0xED8] =	vst v0  }
0xf0: {  	[tilespmem:$0xEE8] =	vst v0  }
0xf1: {  	[tilespmem:$0xEF8] =	vst v0  }
0xf2: {  	[tilespmem:$0xF08] =	vst v0  }
0xf3: {  	[tilespmem:$0xF18] =	vst v0  }
0xf4: {  	[tilespmem:$0xF28] =	vst v0  }
0xf5: {  	[tilespmem:$0xF38] =	vst v0  }
0xf6: {  	[tilespmem:$0xF48] =	vst v0  }
0xf7: {  	[tilespmem:$0xF58] =	vst v0  }
0xf8: {  	[tilespmem:$0xF68] =	vst v0  }
0xf9: {  	[tilespmem:$0xF78] =	vst v0  }
0xfa: {  	[tilespmem:$0xF88] =	vst v0  }
0xfb: {  	[tilespmem:$0xF98] =	vst v0  }
0xfc: {  	[tilespmem:$0xFA8] =	vst v0  }
0xfd: {  	[tilespmem:$0xFB8] =	vst v0  }
0xfe: {  	[tilespmem:$0xFC8] =	vst v0  }
0xff: {  	[tilespmem:$0xFD8] =	vst v0  }
0x100: {  	[tilespmem:$0xFE8] =	vst v0  }
0x101: {  	[tilespmem:$0xFF8] =	vst v0  }
0x102: {  	[tilespmem:$0x1028] =	vst v0  }
0x103: {  	[tilespmem:$0x10E8] =	vst v0  }
0x104: {  	[tilespmem:$0x1068] =	vst v0  }
0x105: {  	[tilespmem:$0x1B28] =	vst v0  }
0x106: {  	[tilespmem:$0x1B18] =	vst v0  }
0x107: {  	[tilespmem:$0x1B08] =	vst v0  }
0x108: {  	[tilespmem:$0x1AF8] =	vst v0  }
0x109: {  	[tilespmem:$0x1AE8] =	vst v0  }
0x10a: {  	[tilespmem:$0x1AD8] =	vst v0  }
0x10b: {  	[tilespmem:$0x1AC8] =	vst v0  }
0x10c: {  	[tilespmem:$0x1AB8] =	vst v0  }
0x10d: {  	[tilespmem:$0x1AA8] =	vst v0  }
0x10e: {  	[tilespmem:$0x1A98] =	vst v0  }
0x10f: {  	[tilespmem:$0x1A88] =	vst v0  }
0x110: {  	[tilespmem:$0x1A78] =	vst v0  }
0x111: {  	[tilespmem:$0x1A68] =	vst v0  }
0x112: {  	[tilespmem:$0x1A58] =	vst v0  }
0x113: {  	[tilespmem:$0x1A48] =	vst v0  }
0x114: {  	[tilespmem:$0x1A38] =	vst v0  }
0x115: {  	[tilespmem:$0x1A28] =	vst v0  }
0x116: {  	[tilespmem:$0x1A18] =	vst v0  }
0x117: {  	[tilespmem:$0x1A08] =	vst v0  }
0x118: {  	[tilespmem:$0x19F8] =	vst v0  }
0x119: {  	[tilespmem:$0x19E8] =	vst v0  }
0x11a: {  	[tilespmem:$0x19D8] =	vst v0  }
0x11b: {  	[tilespmem:$0x19C8] =	vst v0  }
0x11c: {  	[tilespmem:$0x19B8] =	vst v0  }
0x11d: {  	[tilespmem:$0x19A8] =	vst v0  }
0x11e: {  	[tilespmem:$0x1998] =	vst v0  }
0x11f: {  	[tilespmem:$0x1988] =	vst v0  }
0x120: {  	[tilespmem:$0x1978] =	vst v0  }
0x121: {  	[tilespmem:$0x1968] =	vst v0  }
0x122: {  	[tilespmem:$0x1958] =	vst v0  }
0x123: {  	[tilespmem:$0x1948] =	vst v0  }
0x124: {  	[tilespmem:$0x1938] =	vst v0  }
0x125: {  	[tilespmem:$0x1928] =	vst v0  }
0x126: {  	[tilespmem:$0x1918] =	vst v0  }
0x127: {  	[tilespmem:$0x1908] =	vst v0  }
0x128: {  	[tilespmem:$0x18F8] =	vst v0  }
0x129: {  	[tilespmem:$0x18E8] =	vst v0  }
0x12a: {  	[tilespmem:$0x18D8] =	vst v0  }
0x12b: {  	[tilespmem:$0x18C8] =	vst v0  }
0x12c: {  	[tilespmem:$0x18B8] =	vst v0  }
0x12d: {  	[tilespmem:$0x18A8] =	vst v0  }
0x12e: {  	[tilespmem:$0x1898] =	vst v0  }
0x12f: {  	[tilespmem:$0x1888] =	vst v0  }
0x130: {  	[tilespmem:$0x1878] =	vst v0  }
0x131: {  	[tilespmem:$0x1868] =	vst v0  }
0x132: {  	[tilespmem:$0x1858] =	vst v0  }
0x133: {  	[tilespmem:$0x1848] =	vst v0  }
0x134: {  	[tilespmem:$0x1838] =	vst v0  }
0x135: {  	[tilespmem:$0x1828] =	vst v0  }
0x136: {  	[tilespmem:$0x1818] =	vst v0  }
0x137: {  	[tilespmem:$0x1808] =	vst v0  }
0x138: {  	[tilespmem:$0x17F8] =	vst v0  }
0x139: {  	[tilespmem:$0x17E8] =	vst v0  }
0x13a: {  	[tilespmem:$0x17D8] =	vst v0  }
0x13b: {  	[tilespmem:$0x17C8] =	vst v0  }
0x13c: {  	[tilespmem:$0x17B8] =	vst v0  }
0x13d: {  	[tilespmem:$0x17A8] =	vst v0  }
0x13e: {  	[tilespmem:$0x1798] =	vst v0  }
0x13f: {  	[tilespmem:$0x1788] =	vst v0  }
0x140: {  	[tilespmem:$0x1778] =	vst v0  }
0x141: {  	[tilespmem:$0x1768] =	vst v0  }
0x142: {  	[tilespmem:$0x1758] =	vst v0  }
0x143: {  	[tilespmem:$0x1748] =	vst v0  }
0x144: {  	[tilespmem:$0x1738] =	vst v0  }
0x145: {  	[tilespmem:$0x1728] =	vst v0  }
0x146: {  	[tilespmem:$0x1718] =	vst v0  }
0x147: {  	[tilespmem:$0x1708] =	vst v0  }
0x148: {  	[tilespmem:$0x16F8] =	vst v0  }
0x149: {  	[tilespmem:$0x16E8] =	vst v0  }
0x14a: {  	[tilespmem:$0x16D8] =	vst v0  }
0x14b: {  	[tilespmem:$0x16C8] =	vst v0  }
0x14c: {  	[tilespmem:$0x16B8] =	vst v0  }
0x14d: {  	[tilespmem:$0x16A8] =	vst v0  }
0x14e: {  	[tilespmem:$0x1698] =	vst v0  }
0x14f: {  	[tilespmem:$0x1688] =	vst v0  }
0x150: {  	[tilespmem:$0x1678] =	vst v0  }
0x151: {  	[tilespmem:$0x1668] =	vst v0  }
0x152: {  	[tilespmem:$0x1658] =	vst v0  }
0x153: {  	[tilespmem:$0x1648] =	vst v0  }
0x154: {  	[tilespmem:$0x1638] =	vst v0  }
0x155: {  	[tilespmem:$0x1628] =	vst v0  }
0x156: {  	[tilespmem:$0x1618] =	vst v0  }
0x157: {  	[tilespmem:$0x1608] =	vst v0  }
0x158: {  	[tilespmem:$0x15F8] =	vst v0  }
0x159: {  	[tilespmem:$0x15E8] =	vst v0  }
0x15a: {  	[tilespmem:$0x15D8] =	vst v0  }
0x15b: {  	[tilespmem:$0x15C8] =	vst v0  }
0x15c: {  	[tilespmem:$0x15B8] =	vst v0  }
0x15d: {  	[tilespmem:$0x15A8] =	vst v0  }
0x15e: {  	[tilespmem:$0x1598] =	vst v0  }
0x15f: {  	[tilespmem:$0x1588] =	vst v0  }
0x160: {  	[tilespmem:$0x1578] =	vst v0  }
0x161: {  	[tilespmem:$0x1568] =	vst v0  }
0x162: {  	[tilespmem:$0x1558] =	vst v0  }
0x163: {  	[tilespmem:$0x1548] =	vst v0  }
0x164: {  	[tilespmem:$0x1538] =	vst v0  }
0x165: {  	[tilespmem:$0x1528] =	vst v0  }
0x166: {  	[tilespmem:$0x1518] =	vst v0  }
0x167: {  	[tilespmem:$0x1508] =	vst v0  }
0x168: {  	[tilespmem:$0x14F8] =	vst v0  }
0x169: {  	[tilespmem:$0x14E8] =	vst v0  }
0x16a: {  	[tilespmem:$0x14D8] =	vst v0  }
0x16b: {  	[tilespmem:$0x14C8] =	vst v0  }
0x16c: {  	[tilespmem:$0x14B8] =	vst v0  }
0x16d: {  	[tilespmem:$0x14A8] =	vst v0  }
0x16e: {  	[tilespmem:$0x1498] =	vst v0  }
0x16f: {  	[tilespmem:$0x1488] =	vst v0  }
0x170: {  	[tilespmem:$0x1478] =	vst v0  }
0x171: {  	[tilespmem:$0x1468] =	vst v0  }
0x172: {  	[tilespmem:$0x1458] =	vst v0  }
0x173: {  	[tilespmem:$0x1448] =	vst v0  }
0x174: {  	[tilespmem:$0x1438] =	vst v0  }
0x175: {  	[tilespmem:$0x1428] =	vst v0  }
0x176: {  	[tilespmem:$0x1418] =	vst v0  }
0x177: {  	[tilespmem:$0x1408] =	vst v0  }
0x178: {  	[tilespmem:$0x13F8] =	vst v0  }
0x179: {  	[tilespmem:$0x13E8] =	vst v0  }
0x17a: {  	[tilespmem:$0x13D8] =	vst v0  }
0x17b: {  	[tilespmem:$0x13C8] =	vst v0  }
0x17c: {  	[tilespmem:$0x13B8] =	vst v0  }
0x17d: {  	[tilespmem:$0x13A8] =	vst v0  }
0x17e: {  	[tilespmem:$0x1398] =	vst v0  }
0x17f: {  	[tilespmem:$0x1388] =	vst v0  }
0x180: {  	[tilespmem:$0x1378] =	vst v0  }
0x181: {  	[tilespmem:$0x1368] =	vst v0  }
0x182: {  	[tilespmem:$0x1358] =	vst v0  }
0x183: {  	[tilespmem:$0x1348] =	vst v0  }
0x184: {  	[tilespmem:$0x1338] =	vst v0  }
0x185: {  	[tilespmem:$0x1328] =	vst v0  }
0x186: {  	[tilespmem:$0x1318] =	vst v0  }
0x187: {  	[tilespmem:$0x1308] =	vst v0  }
0x188: {  	[tilespmem:$0x12F8] =	vst v0  }
0x189: {  	[tilespmem:$0x12E8] =	vst v0  }
0x18a: {  	[tilespmem:$0x12D8] =	vst v0  }
0x18b: {  	[tilespmem:$0x12C8] =	vst v0  }
0x18c: {  	[tilespmem:$0x12B8] =	vst v0  }
0x18d: {  	[tilespmem:$0x12A8] =	vst v0  }
0x18e: {  	[tilespmem:$0x1298] =	vst v0  }
0x18f: {  	[tilespmem:$0x1288] =	vst v0  }
0x190: {  	[tilespmem:$0x1278] =	vst v0  }
0x191: {  	[tilespmem:$0x1268] =	vst v0  }
0x192: {  	[tilespmem:$0x1258] =	vst v0  }
0x193: {  	[tilespmem:$0x1248] =	vst v0  }
0x194: {  	[tilespmem:$0x1238] =	vst v0  }
0x195: {  	[tilespmem:$0x1228] =	vst v0  }
0x196: {  	[tilespmem:$0x1218] =	vst v0  }
0x197: {  	[tilespmem:$0x1208] =	vst v0  }
0x198: {  	[tilespmem:$0x11F8] =	vst v0  }
0x199: {  	[tilespmem:$0x11E8] =	vst v0  }
0x19a: {  	[tilespmem:$0x11D8] =	vst v0  }
0x19b: {  	[tilespmem:$0x11C8] =	vst v0  }
0x19c: {  	[tilespmem:$0x11B8] =	vst v0  }
0x19d: {  	[tilespmem:$0x11A8] =	vst v0  }
0x19e: {  	[tilespmem:$0x1198] =	vst v0  }
0x19f: {  	[tilespmem:$0x1188] =	vst v0  }
0x1a0: {  	[tilespmem:$0x1178] =	vst v0  }
0x1a1: {  	[tilespmem:$0x1168] =	vst v0  }
0x1a2: {  	[tilespmem:$0x1158] =	vst v0  }
0x1a3: {  	[tilespmem:$0x1148] =	vst v0  }
0x1a4: {  	[tilespmem:$0x1138] =	vst v0  }
0x1a5: {  	[tilespmem:$0x1128] =	vst v0  }
0x1a6: {  	[tilespmem:$0x1118] =	vst v0  }
0x1a7: {  	s4 =	stileid.u32;
	[tilespmem:$0x1108] =	vst v0  }
0x1a8: {  	s0 =	smul.u32 $0xE, s4;
	[tilespmem:$0x10F8] =	vst v0  }
0x1a9: {  	s1 =	smin.u32 s4, $0x8;
	[tilespmem:$0x10C8] =	vst v0  }
0x1aa: {  	[tilespmem:$0x10D8] =	vst v0;
	s0 =	sadd.s32 s1, s0  }
0x1ab: {  	p0 =	slt.u32 s4, $0x8;
	[tilespmem:$0x10B8] =	vst v0;
	s1 =	simm.s32 $0x1950;
	s6 =	smul.u32 $0x1B0, s0  }
0x1ac: {  	s1 =	simm.s32 @!p0 $0x17A0;
	[tilespmem:$0x1038] =	vst v0  }
0x1ad: {  	[tilespmem:$0x10A8] =	vst v0;
	s0 =	sadd.s32 s1, s6  }
0x1ae: {  	s3 =	simm.s32 $0x2;
	s8 =	simm.s32 $0x9;
	[tilespmem:$0x1098] =	vst v0;
	s7 =	smin.u32 s0, $0x186A0  }
0x1af: {  	s10 =	simm.s32 $0xA;
	s30 =	simm.s32 $0xB;
	[tilespmem:$0x1088] =	vst v0;
	s0 =	ssub.s32 s7, s6  }
0x1b0: {  	s16 =	simm.s32 $0x0;
	p4 =	por $0x0, $0x0;
	[tilespmem:$0x1078] =	vst v0;
	p0 =	sgt.s32 s0, $0x0  }
0x1b1: {  	s17 =	simm.s32 $0xC;
	s21 =	simm.s32 $0x0;
	[tilespmem:$0x1058] =	vst v0;
	s0 =	simm.s32 @!p0 $0x0  }
0x1b2: {  	s18 =	simm.s32 $0x0;
	s2 =	sand.u32 $0x1, s2;
	[tilespmem:$0x1048] =	vst v0;
	s29 =	smulhi.u32 $0x4BDA12F7, s0  }
0x1b3: {  	s20 =	simm.s32 $0x0;
	s31 =	sshll.u32 s4, $0x5;
	[tilespmem:$0x1018] =	vst v0;
	[dreg:$0x5] =	wrdreg s2  }
0x1b4: {  	s2 =	smul.u32 $0x30D4, s2;
	[tilespmem:$0x1008] =	vst v0;
	[sflag:s3] =	ssyncpa.u1 $0x0;
	s1 =	sshrl.u32 s29, $0x7  }
0x1b5: {  	v0 =	vimm.s32 $0xFFFFFFFF;
	s3 =	sadd.s32 $0x365600, s11;
	[dreg:$0x4] =	wrdreg s31;
	s5 =	smul.u32 $0x1B0, s1  }
.Ltmp0:
0x1b6: {  	[tilespmem:$0x3648] =	vst v0;
	[sflag:s8] =	ssyncpa.u1 $0x0;
	s2 =	sadd.s32 s2, s11;
	(pc) =	sbr.rel .LBB2_1-.Ltmp0, $4  }
0x1b7: {  	[sflag:s10] =	ssyncpa.u1 $0x0;
	s11 =	sadd.s32 $0x400, s11;
	p0 =	sne.s32 s0, s5  }
0x1b8: {  	[sflag:s30] =	ssyncpa.u1 $0x0;
	s14 =	sadd.s32 $0x32D400, s2;
	s12 =	simm.s32 @!p0 $0x0  }
0x1b9: {  	s15 =	sadd.s32 $0x327200, s2;
	s19 =	smov.u32 s6;
	s12 =	sadd.s32 s12, s1  }
0x1ba: {  	v0 =	vlaneseq.u32;
	[dreg:$0x6] =	wrdreg s6;
	p0 =	por $0x1, $0x1;
	s4 =	sadd.s32 $0x1, s12  }
.LBB2_18:
0x1bb: {  	s0 =	simm.s32 $0x2  }
0x1bc: {  	_ =	swait.ge [sflag:s0], $0x0  }
0x1bd: {  	[sflag:s0] =	ssyncset.done $0x0;
	s0 =	simm.s32 $0x0  }
.LBB2_19:
0x1be: {  	_ =	swait.ge [sflag:s17], s0  }
0x1bf: {  	s31 =	ssub.s32 $0x0, s0;
	v1 =	vmov s23;
	vm0 =	veq.s32 v0, $0x0;
	[sflag:s17] =	ssyncset.done $0x0  }
0x1c0: {  	vm15 =	veq.s32 v0, $0x2;
	v1 =	vsel vm0, s28, v1;
	[sflag:s17] =	ssyncadd.s32 s31  }
0x1c1: {  	v1 =	vsel vm15, s21, v1;
	[sflag:s17] =	ssyncpa.u1 $0x1  }
0x1c2: {  	[tilespmem:$0x3648] =	vst v1  }
.LBB2_20:
0x1c3: {  	s0 =	sadd.s32 $0x1B0, s19  }
0x1c4: {  	s1 =	smov.u32 s6;
	p1 =	slt.s32 s0, s7  }
0x1c5: {  	s1 =	smov.u32 @p1 s0;
	p1 =	sne.s32 s20, s4  }
.Ltmp1:
0x1c6: {  	_ = 	snop;
	(pc) =	sbr.rel @!p1 .LBB2_21-.Ltmp1, $4  }
0x1c7: {  	_ = 	snop  }
0x1c8: {  	s21 =	smov.u32 s18  }
0x1c9: {  	s31 =	sadd.s32 $0x1, s20;
	s18 =	smov.u32 s19;
	p0 =	por !p0, !p0  }
0x1ca: {  	p4 =	por !p4, !p4;
	s20 =	smov.u32 s31;
	s19 =	smov.u32 s1  }
.LBB2_1:
0x1cb: {  	p2 =	sge.u32 s20, s12  }
0x1cc: {  	s0 =	smulhi.u32 @!p2 $0xAAAAAAAB, s20  }
0x1cd: {  	s1 =	smov.u32 s19;
	p3 =	sgt.s32 @!p2 s19, $0x184F0  }
0x1ce: {  	s2 =	sshra.s32 @!p2 s19, $0x1F;
	p3 =	por !p3, p2;
	s0 =	sshrl.u32 @!p2 s0, $0x1  }
0x1cf: {  	s2 =	sand.u32 @!p2 s2, s19;
	s1 =	simm.s32 @p3 $0x184F0;
	s0 =	smul.u32 @!p2 $0x3, s0  }
0x1d0: {  	s1 =	ssub.s32 @!p2 s1, s2  }
0x1d1: {  	s23 =	sadd.s32 $0xFFFFFFFF, s20;
	s1 =	sadd.s32 @!p2 $0xFFFE7B10, s1;
	s0 =	ssub.s32 @!p2 s20, s0  }
0x1d2: {  	s2 =	sshll.u32 @!p2 s1, $0x2;
	p3 =	sgt.s32 @!p2 s1, $0x1AF;
	s0 =	smul.u32 @!p2 $0x6C0, s0  }
0x1d3: {  	s5 =	sand.u32 @!p2 $0x7, s19;
	s1 =	ssub.s32 @!p2 $0x6C0, s2;
	p3 =	por !p3, p2  }
0x1d4: {  	s2 =	sshrl.u32 @!p2 s19, $0x3;
	s1 =	sshrl.u32 @!p2 s1, $0x2;
	s0 =	sshrl.u32 @!p2 s0, $0x2  }
0x1d5: {  	s2 =	sadd.s32 @!p2 s2, s14;
	s1 =	simm.s32 @!p3 $0x0;
	s0 =	sadd.s32 @!p2 $0x3888, s0  }
0x1d6: {  	[tilespmem:s0], [sflag:$0xA] =	stream.linear.gather @!p2 [hbm4b:s2+s5], s1, $0x38;
	[tilespmem:$0x1F0F8] =	vst v63  }
0x1d7: {  	p2 =	sge.u32 s23, s12  }
0x1d8: {  	p3 =	sgt.s32 @!p2 s18, $0x184F0  }
0x1d9: {  	s0 =	smov.u32 s18;
	s1 =	sshra.s32 @!p2 s18, $0x1F;
	p3 =	por !p3, p2  }
0x1da: {  	s1 =	sand.u32 @!p2 s1, s18;
	s0 =	simm.s32 @p3 $0x184F0  }
0x1db: {  	s0 =	ssub.s32 @!p2 s0, s1  }
0x1dc: {  	s0 =	sadd.s32 @!p2 $0xFFFE7B10, s0  }
0x1dd: {  	s1 =	sshll.u32 @!p2 s0, $0x2  }
0x1de: {  	p3 =	sgt.s32 @!p2 s0, $0x1AF;
	s0 =	ssub.s32 @!p2 $0x6C0, s1  }
0x1df: {  	s22 =	ssub.s32 @!p2 $0x186A0, s18;
	p3 =	por !p3, p2;
	s0 =	sshrl.u32 @!p2 s0, $0x2  }
0x1e0: {  	s1 =	sand.u32 @!p2 $0x1, s23;
	s0 =	simm.s32 @!p3 $0x0;
	p3 =	slt.s32 @!p2 s22, $0x1  }
0x1e1: {  	s2 =	simm.s32 @!p2 $0xA;
	s1 =	smul.u32 @!p2 $0x6C0, s1;
	p3 =	por p2, p3  }
.Ltmp2:
0x1e2: {  	_ =	swait.ge @!p2 [sflag:s2], s0;
	(pc) =	sbr.rel @p3 .LBB2_7-.Ltmp2, $4  }
0x1e3: {  	s5 =	ssub.s32 @!p2 $0x0, s0;
	[sflag:s2] =	ssyncset.done @!p2 $0x0  }
0x1e4: {  	s1 =	sshrl.u32 @!p2 s1, $0x2;
	[sflag:s2] =	ssyncadd.s32 @!p2 s5;
	s2 =	sshrl.u32 @!p2 s18, $0x3  }
0x1e5: {  	s1 =	sadd.s32 @!p2 $0x3D98, s1;
	s5 =	sand.u32 @!p2 $0x7, s18;
	s2 =	sadd.s32 @!p2 s2, s15  }
0x1e6: {  	[tilespmem:s1], [sflag:$0xB] =	stream.linear.gather @!p2 [hbm4b:s2+s5], s0, $0x38;
	[tilespmem:$0x1F0F8] =	vst v63  }
0x1e7: {  	s0 =	smulhi.u32 $0xAAAAAAAB, s23;
	_ =	sdelay $0x1  }
0x1e8: {  	s0 =	sshrl.u32 s0, $0x1  }
0x1e9: {  	s0 =	smul.u32 $0x3, s0;
	_ =	sdelay $0x1  }
0x1ea: {  	s0 =	ssub.s32 s23, s0  }
0x1eb: {  	s1 =	simm.s32 $0x1;
	s0 =	smul.u32 $0x6C0, s0  }
.Ltmp3:
0x1ec: {  	s1 =	simm.s32 @!p0 $0x0;
	(pc) =	sbr.rel .LBB2_4-.Ltmp3, $4  }
0x1ed: {  	s1 =	smul.u32 $0x36000, s1  }
0x1ee: {  	p3 =	slt.s32 @!p2 s22, $0x1B0;
	s0 =	sshrl.u32 s0, $0x2  }
0x1ef: {  	p2 =	por !p3, p2;
	s1 =	sshrl.u32 s1, $0x2;
	s0 =	sadd.s32 $0x3888, s0  }
0x1f0: {  	s24 =	simm.s32 $0x0;
	s22 =	simm.s32 @p2 $0x1B0;
	s23 =	sadd.s32 $0x40F8, s1;
	v1 =	vmov s0  }
.LBB2_3:
0x1f1: {  	p2 =	sge.s32 s24, s22  }
.Ltmp4:
0x1f2: {  	_ = 	snop;
	(pc) =	sbr.rel @p2 .LBB2_7-.Ltmp4, $2  }
0x1f3: {  	_ =	sdelay $0x2  }
0x1f4: {  	s23 =	sadd.s32 $0x800, s23  }
.LBB2_4:
0x1f5: {  	p2 =	sle.s32 s22, s24  }
.Ltmp5:
0x1f6: {  	_ = 	snop;
	(pc) =	sbr.rel @p2 .LBB2_3-.Ltmp5, $2  }
0x1f7: {  	_ =	sdelay $0x2  }
0x1f8: {  	s0 =	smov.u32 s24;
	s24 =	sadd.s32 $0x10, s24  }
0x1f9: {  	s1 =	ssub.s32 s22, s0  }
0x1fa: {  	p2 =	slt.s32 s1, $0x10  }
0x1fb: {  	s1 =	simm.s32 @!p2 $0x10  }
0x1fc: {  	v2 =	vmov s1  }
0x1fd: {  	vm0 =	vgt.s32 v2, v0;
	_ =	sdelay $0x5  }
0x1fe: {  	v2 =	vld.idx.msk [tilespmem:v1+s0+$0x0 ss:$0x1], vm0;
	_ =	sdelay $0x2  }
0x1ff: {  	p2 =	slt.s32 s24, s22;
	s1 =	smov.u32 s22  }
0x200: {  	s2 =	smov.u32 s23;
	s25 =	simm.s32 $0x0;
	s1 =	smov.u32 @p2 s24  }
.LBB2_6:
0x201: {  	(v2sf) =	vpush v2, s25;
	_ =	sdelay $0xc  }
0x202: {  	s25 =	sadd.s32 $0x1, s25  }
0x203: {  	s31 =	sadd.s32 s25, s0  }
0x204: {  	p2 =	slt.s32 s31, s1;
	s5 =	spop (v2sf)  }
.Ltmp6:
0x205: {  	s5 =	sshll.u32 s5, $0x4;
	(pc) =	sbr.rel @p2 .LBB2_6-.Ltmp6, $4  }
0x206: {  	s5 =	sand.u32 $0x1FFFFFF0, s5  }
0x207: {  	s5 =	sadd.s32 s11, s5  }
0x208: {  	[tilespmem:s2], [sflag:$0x9] =	stream.linear.gather [hbm4b:s5+s16], $0x10, $0x38;
	[tilespmem:$0x1F0F8] =	vst v63  }
0x209: {  	s2 =	sadd.s32 $0x80, s2  }
.Ltmp7:
0x20a: {  	_ = 	snop;
	(pc) =	sbr.rel .LBB2_3-.Ltmp7, $1  }
0x20b: {  	_ =	sdelay $0x3  }
.LBB2_7:
0x20c: {  	p2 =	slt.u32 s20, $0x2  }
.Ltmp8:
0x20d: {  	_ = 	snop;
	(pc) =	sbr.rel @p2 .LBB2_20-.Ltmp8, $1  }
0x20e: {  	_ =	sdelay $0x3  }
0x20f: {  	p2 =	sgt.s32 s21, $0x184F0  }
0x210: {  	s0 =	smov.u32 s21;
	s1 =	sshra.s32 s21, $0x1F;
	s2 =	ssub.s32 $0x186A0, s21  }
0x211: {  	s0 =	simm.s32 @!p2 $0x184F0;
	s1 =	sand.u32 s1, s21;
	p2 =	slt.s32 s2, $0x1B0  }
0x212: {  	s0 =	ssub.s32 s0, s1;
	s2 =	simm.s32 @!p2 $0x1B0  }
0x213: {  	s0 =	sadd.s32 $0xFFFE7B10, s0;
	s24 =	sshll.u32 s2, $0x4  }
0x214: {  	s28 =	simm.s32 $0x9;
	s25 =	sshll.u32 s0, $0x2;
	s1 =	sand.u32 $0x3FFFFFF0, s24  }
0x215: {  	p2 =	sgt.s32 s0, $0x1AF;
	s26 =	ssub.s32 $0x6C0, s25;
	_ =	swait.ge [sflag:s28], s1  }
0x216: {  	s1 =	ssub.s32 $0x0, s1;
	[sflag:s28] =	ssyncset.done $0x0;
	s0 =	sshrl.u32 s26, $0x2  }
0x217: {  	s30 =	simm.s32 $0xB;
	[sflag:s28] =	ssyncadd.s32 s1;
	s0 =	simm.s32 @p2 $0x0  }
0x218: {  	_ =	swait.ge [sflag:s30], s0  }
0x219: {  	s0 =	ssub.s32 $0x0, s0;
	[sflag:s30] =	ssyncset.done $0x0  }
0x21a: {  	[sflag:s30] =	ssyncadd.s32 s0  }
0x21b: {  	v1 =	vld [tilespmem:$0x3648];
	_ =	sdelay $0x4  }
0x21c: {  	(v2sf) =	vpush v1, $0x0  }
0x21d: {  	(v2sf) =	vpush v1, $0x1  }
0x21e: {  	(v2sf) =	vpush v1, $0x2;
	_ =	sdelay $0x3  }
0x21f: {  	s0 =	sadd.s32 $0x1B0, s21  }
0x220: {  	s1 =	ssub.s32 $0x30D40, s21;
	p2 =	slt.s32 s7, s0  }
0x221: {  	s0 =	smov.u32 @p2 s7;
	p2 =	sgt.s32 s1, $0x0  }
0x222: {  	s25 =	ssub.s32 s0, s21;
	s1 =	simm.s32 @!p2 $0x0  }
0x223: {  	p2 =	slt.s32 s1, s25  }
0x224: {  	s25 =	smov.u32 @p2 s1  }
0x225: {  	s24 =	simm.s32 $0x1;
	p2 =	slt.s32 s25, $0x1  }
.Ltmp9:
0x226: {  	s24 =	simm.s32 @!p4 $0x0;
	(pc) =	sbr.rel @p2 .LBB2_12-.Ltmp9, $4  }
0x227: {  	s31 =	smul.u32 $0x6C0, s24  }
0x228: {  	s26 =	spop (v2sf)  }
0x229: {  	s0 =	sshrl.u32 s31, $0x2;
	s29 =	spop (v2sf)  }
0x22a: {  	s22 =	sadd.s32 $0x3D98, s0;
	s21 =	spop (v2sf)  }
0x22b: {  	s0 =	smin.u32 s25, $0x10  }
0x22c: {  	v1 =	vmov s0  }
0x22d: {  	p3 =	sgt.s32 s25, $0x10;
	vm1 =	vgt.u32 v1, v0  }
.Ltmp10:
0x22e: {  	_ = 	snop;
	(pc) =	sbr.rel @!p3 .LBB2_11-.Ltmp10, $2  }
0x22f: {  	_ =	sdelay $0x2  }
0x230: {  	s23 =	simm.s32 $0x10;
	s28 =	sadd.s32 $0xFFFFFFF0, s25;
	s0 =	smov.u32 s22;
	vm0 =	vmmov vm1  }
.LBB2_10:
0x231: {  	s1 =	smin.u32 s28, $0x10;
	s23 =	sadd.s32 $0x10, s23;
	v1 =	vld.msk [tilespmem:s0+$0x0 ss:$0x1], vm1  }
0x232: {  	v2 =	vmov s1;
	p3 =	slt.s32 s23, s25  }
0x233: {  	vm1 =	vgt.u32 v2, v0  }
.Ltmp11:
0x234: {  	(pc) =	sbr.rel @p3 .LBB2_10-.Ltmp11, $3  }
0x235: {  	_ =	sdelay $0x1  }
0x236: {  	v1 =	vshll.u32 v1, $0x4  }
0x237: {  	s28 =	sadd.s32 $0xFFFFFFF0, s28;
	[tilespmem:s0+$0x0] =	vst.msk vm0, v1;
	s0 =	sadd.s32 $0x10, s0;
	vm0 =	vmmov vm1  }
.LBB2_11:
0x238: {  	_ =	sdelay $0x4  }
0x239: {  	v1 =	vld.msk [tilespmem:s0+$0x0 ss:$0x1], vm1;
	_ =	sdelay $0x4  }
0x23a: {  	v1 =	vshll.u32 v1, $0x4  }
0x23b: {  	[tilespmem:s0+$0x0] =	vst.msk vm0, v1  }
.LBB2_12:
0x23c: {  	s0 =	sand.u32 $0x1, s20  }
0x23d: {  	s0 =	smul.u32 $0x1B0, s0  }
0x23e: {  	p3 =	sne.s32 s29, $0xFFFFFFFF  }
0x23f: {  	v1 =	vld.msk @!p3 [tilespmem:s0+$0x3D98], $0x1;
	_ =	sdelay $0x4  }
0x240: {  	(v2sf) =	vpush @!p3 v1, $0x0;
	_ =	sdelay $0xc  }
.Ltmp12:
0x241: {  	_ = 	snop;
	(pc) =	sbr.rel @p2 .LBB2_18-.Ltmp12, $4  }
0x242: {  	_ = 	snop  }
0x243: {  	s28 =	spop @!p3 (v2sf)  }
0x244: {  	s21 =	simm.s32 @!p3 $0x0;
	s23 =	smov.u32 s28  }
0x245: {  	[sflag:s17] =	ssyncpa.u1 $0x0;
	s28 =	smov.u32 @p3 s26;
	s23 =	smov.u32 @p3 s29  }
0x246: {  	v1 =	vld.msk [tilespmem:s22+$0x0], $0x1;
	_ =	sdelay $0x4  }
0x247: {  	(v2sf) =	vpush v1, $0x0;
	_ =	sdelay $0xe  }
0x248: {  	s0 =	simm.s32 @!p4 $0x0;
	s26 =	smul.u32 $0x36000, s24;
	s31 =	spop (v2sf)  }
0x249: {  	s29 =	ssub.s32 $0x0, s25;
	s0 =	simm.s32 @p4 $0x1;
	p2 =	seq.s32 s28, s31  }
0x24a: {  	s1 =	smov.u32 s28;
	[smem:$0x7FD] =	sst s0;
	p3 =	sgt.s32 @!p2 s28, $0x0  }
0x24b: {  	s0 =	sshrl.u32 s26, $0x2;
	s26 =	sadd.s32 $0x1, s29;
	p3 =	por !p3, p2  }
0x24c: {  	s1 =	simm.s32 @p3 $0x0;
	p3 =	seq.s32 s26, $0x0  }
.Ltmp13:
0x24d: {  	_ = 	snop;
	(pc) =	sbr.rel @p3 .LBB2_15-.Ltmp13, $4  }
0x24e: {  	s6 =	smov.u32 s4;
	s25 =	simm.s32 $0x0  }
0x24f: {  	s24 =	sadd.s32 $0x40F8, s0;
	s0 =	simm.s32 @!p2 $0x1;
	s2 =	smin.u32 @!p2 s1, $0x1A55BFE  }
0x250: {  	s30 =	sadd.s32 $0x1, s22;
	s0 =	smov.u32 @p2 s25;
	s5 =	sand.u32 @!p2 $0x1FFFFF8, s2  }
0x251: {  	s1 =	simm.s32 @!p2 $0x1B38;
	s2 =	sand.u32 @!p2 $0x7, s2;
	s5 =	sadd.s32 @!p2 s3, s5  }
.LBB2_14:
0x252: {  	s4 =	smov.u32 s0  }
0x253: {  	[tilespmem:s1], [sflag:$0x2] =	stream.linear.gather @!p2 [hbm4b:s5+s2], $0x10, $0x38;
	[tilespmem:$0x1F0F8] =	vst v63  }
0x254: {  	s26 =	sadd.s32 $0x1, s26;
	s2 =	smov.u32 s31;
	v1 =	vld.msk [tilespmem:s30+$0x0], $0x1  }
0x255: {  	p3 =	seq.s32 s26, $0x0;
	_ =	sdelay $0x3  }
0x256: {  	(v2sf) =	vpush v1, $0x0;
	_ =	sdelay $0xe  }
0x257: {  	s31 =	spop (v2sf)  }
0x258: {  	p2 =	seq.s32 s2, s31  }
0x259: {  	p4 =	sgt.s32 @!p2 s2, $0x0;
	s1 =	sshll.u32 @!p2 s0, $0x6;
	s0 =	sadd.s32 @!p2 $0x1, s0  }
.Ltmp14:
0x25a: {  	p4 =	por !p4, p2;
	s1 =	sshra.s32 @!p2 s1, $0x2;
	(pc) =	sbr.rel @!p3 .LBB2_14-.Ltmp14, $4  }
0x25b: {  	s0 =	smov.u32 @p2 s4;
	s2 =	simm.s32 @p4 $0x0;
	s1 =	sadd.s32 @!p2 $0x1B38, s1  }
0x25c: {  	s2 =	smin.u32 @!p2 s2, $0x1A55BFE  }
0x25d: {  	s4 =	sand.u32 @!p2 $0x1FFFFF8, s2;
	s2 =	sand.u32 @!p2 $0x7, s2  }
0x25e: {  	s30 =	sadd.s32 $0x1, s30;
	s5 =	sadd.s32 @!p2 s3, s4  }
.LBB2_15:
0x25f: {  	[tilespmem:s1], [sflag:$0x2] =	stream.linear.gather @!p2 [hbm4b:s5+s2], $0x10, $0x38;
	[tilespmem:$0x1F0F8] =	vst v63  }
0x260: {  	s0 =	sshll.u32 s0, $0x4  }
0x261: {  	s31 =	simm.s32 $0x2;
	s0 =	sand.u32 $0x3FFFFFF0, s0  }
0x262: {  	_ =	swait.ge [sflag:s31], s0  }
0x263: {  	s0 =	ssub.s32 $0x0, s0;
	[sflag:s31] =	ssyncset.done $0x0  }
0x264: {  	[sflag:s31] =	ssyncadd.s32 s0  }
0x265: {  	v1 =	vld.msk [tilespmem:s22+$0x0], $0x1;
	_ =	sdelay $0x4  }
0x266: {  	(v2sf) =	vpush v1, $0x0;
	_ =	sdelay $0xe  }
0x267: {  	s26 =	spop (v2sf)  }
0x268: {  	p2 =	sne.s32 s28, s26  }
0x269: {  	p4 =	sne.s32 @p2 s28, s23  }
0x26a: {  	p3 =	por !p4, !p2  }
0x26b: {  	s0 =	simm.s32 @!p3 $0x0  }
0x26c: {  	v1 =	vld @!p3 [tilespmem:s0+$0x1B38]  }
0x26d: {  	p5 =	sgt.u32 @!p3 s28, $0x1A55BFE  }
0x26e: {  	s1 =	sshll.u32 @!p3 s21, $0x6;
	p6 =	por @p2 p5, !p4  }
0x26f: {  	s1 =	sshra.s32 @!p3 s1, $0x2;
	p1 =	por p6, !p2;
	p6 =	por p4, !p2  }
0x270: {  	s2 =	sadd.s32 @!p3 $0x28, s1;
	s4 =	sand.u32 @!p1 $0x1FFFFF8, s28;
	s5 =	sshll.u32 @!p6 s21, $0x6  }
0x271: {  	s28 =	sand.u32 @!p1 $0x7, s28;
	[tilespmem:s1+$0x28] =	vst.add.f32.msk @!p3 $0xffff, v1;
	s1 =	sadd.s32 @!p1 s3, s4;
	s4 =	sshra.s32 @!p6 s5, $0x2  }
0x272: {  	[hbm4b:s1+s28] =	stream.linear.scatter @!p1 [tilespmem:s2], [sflag:$0xC], $0x10, $0x38;
	[tilespmem:$0x1F0F8] =	vst v63  }
0x273: {  	s0 =	rddreg [dreg:$0x4];
	s1 =	sadd.s32 @!p6 $0x28, s4;
	s2 =	simm.s32 @!p6 $0x1  }
0x274: {  	[spmem:s0] =	stream.linear.scatter @!p6 [tilespmem:s1], [sflag:$0x1], $0x10, $0x38;
	[tilespmem:$0x1F0F8] =	vst v63  }
0x275: {  	s0 =	sadd.s32 @p2 $0x1, s21;
	_ =	swait.ge @!p6 [sflag:s2], $0x10  }
0x276: {  	s1 =	sshrl.u32 @p2 s0, $0x4;
	[sflag:s2] =	ssyncset.done @!p6 $0x0  }
0x277: {  	s1 =	smulhi.u32 @p2 $0x97B425F, s1;
	[sflag:s2] =	ssyncadd.s32 @!p6 $0xFFFFFFF0  }
0x278: {  	s28 =	sadd.s32 $0x1, s29;
	v1 =	vld @p2 [tilespmem:s24+$0x0]  }
0x279: {  	p1 =	por @p2 !p5, !p4;
	p4 =	seq.s32 s28, $0x0;
	s1 =	smul.u32 @p2 $0x1B0, s1  }
.Ltmp15:
0x27a: {  	p1 =	por !p1, !p2;
	s2 =	simm.s32 @!p3 $0x0;
	(pc) =	sbr.rel @p4 .LBB2_17-.Ltmp15, $4  }
0x27b: {  	s4 =	sshll.u32 @!p2 s21, $0x6;
	s2 =	simm.s32 @!p1 $0x40;
	s0 =	ssub.s32 @p2 s0, s1  }
0x27c: {  	s29 =	simm.s32 $0x0;
	s2 =	sadd.s32 @!p3 $0x0, s2;
	s5 =	sshll.u32 @p2 s0, $0x4  }
0x27d: {  	s30 =	sshra.s32 @!p2 s4, $0x2;
	s1 =	simm.s32 @p2 $0x1;
	s2 =	smov.u32 @p3 s25;
	[tilespmem:s5+$0x28] =	vst @p2 v1  }
0x27e: {  	s21 =	smov.u32 @p2 s0;
	s29 =	smov.u32 @p2 s2;
	s25 =	smov.u32 @p2 s1;
	v1 =	vld @!p2 [tilespmem:s24+$0x0]  }
.LBB2_16:
0x27f: {  	_ =	sdelay $0x3  }
0x280: {  	s22 =	sadd.s32 $0x1, s22;
	[tilespmem:s30+$0x28] =	vst.add.f32.msk @!p2 $0xffff, v1  }
0x281: {  	v1 =	vld.msk [tilespmem:s22+$0x0], $0x1;
	_ =	sdelay $0x4  }
0x282: {  	(v2sf) =	vpush v1, $0x0;
	_ =	sdelay $0xe  }
0x283: {  	s0 =	smov.u32 s26;
	s26 =	spop (v2sf)  }
0x284: {  	p2 =	sne.s32 s0, s26  }
0x285: {  	p5 =	sne.s32 @p2 s0, s23  }
0x286: {  	s4 =	sshll.u32 @!p2 s21, $0x6;
	p4 =	por !p5, !p2  }
0x287: {  	s30 =	sshra.s32 @!p2 s4, $0x2;
	s4 =	sshll.u32 @!p4 s25, $0x6  }
0x288: {  	s4 =	sshra.s32 @!p4 s4, $0x2  }
0x289: {  	p1 =	sgt.u32 @!p4 s0, $0x1A55BFE;
	v1 =	vld @!p4 [tilespmem:s4+$0x1B38]  }
0x28a: {  	s31 =	sshll.u32 @!p4 s21, $0x6;
	p6 =	por @p2 p1, !p5;
	p1 =	por @p2 !p1, !p5  }
0x28b: {  	s8 =	simm.s32 @!p4 $0x0;
	s31 =	sshra.s32 @!p4 s31, $0x2;
	p1 =	por !p1, !p2  }
0x28c: {  	p5 =	por p5, !p2;
	s8 =	simm.s32 @!p1 $0x40;
	p1 =	por p6, !p2  }
0x28d: {  	s4 =	sadd.s32 @!p4 $0x28, s31;
	s13 =	sshll.u32 @!p5 s21, $0x6;
	s10 =	sand.u32 @!p1 $0x1FFFFF8, s0  }
0x28e: {  	s13 =	sshra.s32 @!p5 s13, $0x2;
	s0 =	sand.u32 @!p1 $0x7, s0;
	s10 =	sadd.s32 @!p1 s3, s10;
	[tilespmem:s31+$0x28] =	vst.add.f32.msk @!p4 $0xffff, v1  }
0x28f: {  	[hbm4b:s10+s0] =	stream.linear.scatter @!p1 [tilespmem:s4], [sflag:$0xC], $0x10, $0x38;
	[tilespmem:$0x1F0F8] =	vst v63  }
0x290: {  	s1 =	rddreg [dreg:$0x4];
	s0 =	sadd.s32 @!p5 $0x28, s13;
	s4 =	simm.s32 @!p5 $0x1  }
0x291: {  	[spmem:s1] =	stream.linear.scatter @!p5 [tilespmem:s0], [sflag:$0x1], $0x10, $0x38;
	[tilespmem:$0x1F0F8] =	vst v63  }
0x292: {  	s2 =	sadd.s32 @p2 $0x1, s21;
	_ =	swait.ge @!p5 [sflag:s4], $0x10  }
0x293: {  	s5 =	sshrl.u32 @p2 s2, $0x4;
	[sflag:s4] =	ssyncset.done @!p5 $0x0  }
0x294: {  	s24 =	sadd.s32 $0x80, s24;
	s5 =	smulhi.u32 @p2 $0x97B425F, s5;
	[sflag:s4] =	ssyncadd.s32 @!p5 $0xFFFFFFF0  }
0x295: {  	s28 =	sadd.s32 $0x1, s28;
	v1 =	vld @p2 [tilespmem:s24+$0x0]  }
0x296: {  	p3 =	seq.s32 s28, $0x0;
	s5 =	smul.u32 @p2 $0x1B0, s5  }
.Ltmp16:
0x297: {  	_ = 	snop;
	(pc) =	sbr.rel @!p3 .LBB2_16-.Ltmp16, $4  }
0x298: {  	s2 =	ssub.s32 @p2 s2, s5  }
0x299: {  	s8 =	sadd.s32 @!p4 s8, s29;
	s5 =	sshll.u32 @p2 s2, $0x4  }
0x29a: {  	s9 =	sadd.s32 @p2 $0x1, s25;
	s8 =	smov.u32 @p4 s29;
	[tilespmem:s5+$0x28] =	vst @p2 v1  }
0x29b: {  	s25 =	smov.u32 @p2 s9;
	s21 =	smov.u32 @p2 s2;
	s29 =	smov.u32 @p2 s8;
	v1 =	vld @!p2 [tilespmem:s24+$0x0]  }
.LBB2_17:
.Ltmp17:
0x29c: {  	_ = 	snop;
	(pc) =	sbr.rel .LBB2_19-.Ltmp17, $3  }
0x29d: {  	s1 =	sld [smem:$0x7FD];
	_ =	sdelay $0x1  }
0x29e: {  	s0 =	sshrl.u32 s29, $0x2;
	s28 =	smov.u32 s26  }
0x29f: {  	s4 =	smov.u32 s6;
	s6 =	rddreg [dreg:$0x6];
	p4 =	seq.s32 s1, $0x1;
	[tilespmem:s30+$0x28] =	vst.add.f32.msk @!p2 $0xffff, v1  }
.LBB2_21:
0x2a0: {  	_ =	sfence.sel $0x180000  }
0x2a1: {  	s0 =	simm.s32 $0x9;
	[bflag:$0x0] =	sbarrier.arrive $0xFFFF  }
0x2a2: {  	s24 =	simm.s32 $0xA;
	[sflag:s0] =	ssyncpa.u1 $0x1  }
0x2a3: {  	s25 =	simm.s32 $0xB;
	[sflag:s24] =	ssyncpa.u1 $0x1  }
0x2a4: {  	s26 =	simm.s32 $0x2;
	[sflag:s25] =	ssyncpa.u1 $0x1  }
0x2a5: {  	[sflag:s26] =	ssyncpa.u1 $0x1  }
0x2a6: {  	v0 =	vld [tilespmem:$0x3648];
	_ =	sdelay $0x4  }
0x2a7: {  	(v2sf) =	vpush v0, $0x0  }
0x2a8: {  	(v2sf) =	vpush v0, $0x1;
	_ =	sdelay $0x1  }
0x2a9: {  	(v2sf) =	vpush v0, $0x2;
	_ =	sdelay $0xb  }
0x2aa: {  	s0 =	spop (v2sf)  }
0x2ab: {  	s1 =	spop (v2sf)  }
0x2ac: {  	s2 =	smov.u32 s0;
	p0 =	sne.s32 s0, s1  }
0x2ad: {  	s4 =	spop (v2sf);
	s2 =	simm.s32 @!p0 $0xFFFFFFFF  }
0x2ae: {  	v2 =	vimm.s32 $0x1;
	v3 =	vlaneseq.u32;
	p0 =	seq.s32 s4, $0xFFFFFFFF;
	v1 =	vmov s2  }
0x2af: {  	s16 =	stileid.u32;
	v0 =	vperm.xlane v0, v2;
	p1 =	sne.s32 @!p0 s0, s1;
	v1 =	vperm.xlane v1, v3  }
0x2b0: {  	vm0 =	vcmask $0x3F04;
	s6 =	simm.s32 $0x3648;
	s0 =	simm.s32 @!p0 $0x1;
	p1 =	por !p1, p0  }
0x2b1: {  	s2 =	sshll.u32 s16, $0x1;
	s1 =	sshll.u32 @!p0 s4, $0x6;
	s0 =	simm.s32 @p1 $0x0;
	v0 =	vsel vm0, v1, v0  }
0x2b2: {  	s5 =	sor.u32 $0x200, s2;
	s1 =	sshra.s32 @!p0 s1, $0x2;
	s0 =	sor.u32 @!p0 s0, s2;
	[tilespmem:$0x3648] =	vst v0  }
0x2b3: {  	[spmem:s5] =	stream.linear.scatter [tilespmem:s6], [sflag:$0x1], $0x2, $0x38;
	[tilespmem:$0x1F0F8] =	vst v63  }
0x2b4: {  	s1 =	sadd.s32 @!p0 $0x28, s1;
	s0 =	sshll.u32 @!p0 s0, $0x4  }
0x2b5: {  	[spmem:s0] =	stream.linear.scatter @!p0 [tilespmem:s1], [sflag:$0x1], $0x10, $0x38;
	[tilespmem:$0x1F0F8] =	vst v63  }
0x2b6: {  	s0 =	simm.s32 @!p0 $0x12  }
0x2b7: {  	s28 =	simm.s32 $0x1;
	s0 =	simm.s32 @p0 $0x2  }
0x2b8: {  	_ =	swait.ge [sflag:s28], s0  }
0x2b9: {  	s0 =	ssub.s32 $0x0, s0;
	[sflag:s28] =	ssyncset.done $0x0  }
0x2ba: {  	p0 =	sne.s32 s16, $0x0;
	[sflag:s28] =	ssyncadd.s32 s0  }
.Ltmp18:
0x2bb: {  	_ =	sfence.stream.spmem;
	(pc) =	sbr.rel @p0 .LBB2_38-.Ltmp18, $4  }
0x2bc: {  	s29 =	simm.s32 $0x3;
	[bflag:$0x0] =	sbarrier.arrive $0xFFFF  }
0x2bd: {  	s30 =	simm.s32 $0x4;
	[sflag:s29] =	ssyncpa.u1 $0x1  }
0x2be: {  	s31 =	simm.s32 $0x3C;
	[sflag:s30] =	ssyncpa.u1 $0x1  }
0x2bf: {  	s17 =	rddreg [dreg:$0x5];
	[sflag:s31] =	ssyncpa.u1 $0x1  }
0x2c0: {  	_ =	sfence.stream.spmem;
	s0 =	simm.s32 $0x5  }
0x2c1: {  	s1 =	simm.s32 $0x200;
	s2 =	simm.s32 $0x3658;
	[sflag:s0] =	ssyncpa.u1 $0x0  }
0x2c2: {  	[tilespmem:s2], [sflag:$0x5] =	stream.linear.gather [spmem:s1], $0x20, $0x38;
	[tilespmem:$0x1F0F8] =	vst v63  }
0x2c3: {  	s26 =	simm.s32 $0x0;
	s28 =	simm.s32 $0x3678  }
0x2c4: {  	[tilespmem:s28], [sflag:$0x5] =	stream.linear.gather [spmem:s26], $0x200, $0x38;
	[tilespmem:$0x1F0F8] =	vst v63  }
0x2c5: {  	_ =	swait.ge [sflag:s0], $0x220  }
0x2c6: {  	[sflag:s0] =	ssyncset.done $0x0  }
0x2c7: {  	s29 =	simm.s32 $0x0;
	[sflag:s0] =	ssyncadd.s32 $0xFFFFFDE0  }
0x2c8: {  	v0 =	vld.msk [tilespmem:s29+$0x3658], $0x1;
	_ =	sdelay $0x1  }
0x2c9: {  	s30 =	simm.s32 $0x1  }
0x2ca: {  	v1 =	vld.msk [tilespmem:s30+$0x3658], $0x1;
	_ =	sdelay $0x1  }
0x2cb: {  	(v2sf) =	vpush v0, $0x0;
	_ =	sdelay $0x2  }
0x2cc: {  	(v2sf) =	vpush v1, $0x0;
	_ =	sdelay $0x2  }
0x2cd: {  	s31 =	simm.s32 $0x2  }
0x2ce: {  	v0 =	vld.msk [tilespmem:s31+$0x3658], $0x1;
	_ =	sdelay $0x2  }
0x2cf: {  	s6 =	simm.s32 $0xFFFFFFFF;
	s1 =	simm.s32 $0xFFFFFFFF;
	s0 =	simm.s32 $0xC  }
.LBB2_23:
0x2d0: {  	s2 =	smov.u32 s6;
	s4 =	smov.u32 s1  }
0x2d1: {  	s1 =	sshra.s32 s0, $0x2;
	p1 =	sne.s32 s0, $0x7C;
	s0 =	sadd.s32 $0x4, s0;
	(v2sf) =	vpush v0, $0x0  }
0x2d2: {  	v0 =	vld.msk [tilespmem:s1+$0x3658], $0x1  }
.Ltmp19:
0x2d3: {  	(pc) =	sbr.rel @p1 .LBB2_23-.Ltmp19, $4  }
0x2d4: {  	s6 =	spop (v2sf)  }
0x2d5: {  	p2 =	sne.s32 s4, $0xFFFFFFFF;
	s1 =	smov.u32 s6  }
0x2d6: {  	p3 =	seq.s32 s6, $0xFFFFFFFF;
	s1 =	smov.u32 @p2 s4  }
0x2d7: {  	s6 =	smov.u32 @p3 s2;
	s1 =	smov.u32 @p3 s4  }
0x2d8: {  	(v2sf) =	vpush v0, $0x0;
	_ =	sdelay $0x8  }
0x2d9: {  	s0 =	spop (v2sf)  }
0x2da: {  	p1 =	sne.s32 s1, $0xFFFFFFFF;
	s2 =	smov.u32 s0  }
0x2db: {  	s9 =	simm.s32 $0x6;
	p2 =	seq.s32 s0, $0xFFFFFFFF;
	s2 =	smov.u32 @p1 s1  }
0x2dc: {  	s10 =	simm.s32 $0x3638;
	s2 =	smov.u32 @p2 s1;
	s1 =	spop (v2sf)  }
0x2dd: {  	s0 =	smov.u32 @p2 s6;
	p1 =	sne.s32 s2, $0xFFFFFFFF;
	s4 =	smov.u32 s1  }
.Ltmp20:
0x2de: {  	p2 =	seq.s32 s1, $0xFFFFFFFF;
	s4 =	smov.u32 @p1 s2;
	(pc) =	sbr.rel .LBB2_25-.Ltmp20, $4  }
0x2df: {  	s11 =	simm.s32 $0x0;
	s4 =	smov.u32 @p2 s2;
	s7 =	spop (v2sf)  }
0x2e0: {  	[sflag:s9] =	ssyncpa.u1 $0x0;
	p1 =	sne.s32 s4, $0xFFFFFFFF;
	s8 =	smov.u32 s7  }
0x2e1: {  	s1 =	smov.u32 @p2 s0;
	p2 =	seq.s32 s7, $0xFFFFFFFF;
	s8 =	smov.u32 @p1 s4  }
0x2e2: {  	s6 =	simm.s32 $0x0;
	s7 =	smov.u32 @p2 s1;
	s8 =	smov.u32 @p2 s4  }
.LBB2_30:
0x2e3: {  	p1 =	sgt.u32 s12, $0x1A55BFE  }
0x2e4: {  	p2 =	seq.s32 @!p1 s12, s8  }
0x2e5: {  	p1 =	por p1, p2  }
0x2e6: {  	p2 =	sne.s32 @!p1 s12, s7  }
0x2e7: {  	p1 =	por p1, !p2  }
0x2e8: {  	s0 =	sshll.u32 @p1 s11, $0x6  }
0x2e9: {  	s0 =	sand.u32 @!p1 $0x1FFFFF8, s12  }
0x2ea: {  	s1 =	sand.u32 @!p1 $0x7, s12;
	s0 =	sadd.s32 @!p1 s3, s0  }
0x2eb: {  	[tilespmem:s10], [sflag:$0x6] =	stream.linear.gather @!p1 [hbm4b:s0+s1], $0x10, $0x38;
	[tilespmem:$0x1F0F8] =	vst v63  }
0x2ec: {  	_ =	swait.ge @!p1 [sflag:s9], $0x10  }
0x2ed: {  	[sflag:s9] =	ssyncset.done @!p1 $0x0  }
0x2ee: {  	[sflag:s9] =	ssyncadd.s32 @!p1 $0xFFFFFFF0  }
0x2ef: {  	v1 =	vld @!p1 [tilespmem:$0x3638];
	_ =	sdelay $0x2  }
0x2f0: {  	s0 =	sshll.u32 @!p1 s11, $0x6  }
0x2f1: {  	s1 =	sshrl.u32 @!p1 s0, $0x2  }
0x2f2: {  	[tilespmem:s1+$0x3678] =	vst.add.f32.msk @!p1 $0xffff, v1  }
0x2f3: {  	s0 =	sshrl.u32 s0, $0x2;
	[tilespmem:s6+$0x3658] =	vst.msk $0x1, v0  }
0x2f4: {  	v0 =	vld [tilespmem:s0+$0x3678];
	_ =	sdelay $0x2  }
0x2f5: {  	s31 =	sshll.u32 s6, $0x6  }
0x2f6: {  	s0 =	sshra.s32 s31, $0x2  }
0x2f7: {  	s6 =	sadd.s32 $0x1, s6;
	[tilespmem:s0+$0x3678] =	vst v0  }
.LBB2_32:
0x2f8: {  	s11 =	sadd.s32 $0x1, s11  }
0x2f9: {  	p1 =	sne.s32 s11, $0x20  }
.Ltmp21:
0x2fa: {  	_ = 	snop;
	(pc) =	sbr.rel @!p1 .LBB2_33-.Ltmp21, $1  }
0x2fb: {  	_ =	sdelay $0x3  }
.LBB2_25:
0x2fc: {  	v0 =	vld.msk [tilespmem:s11+$0x3658], $0x1;
	_ =	sdelay $0x4  }
0x2fd: {  	(v2sf) =	vpush v0, $0x0;
	_ =	sdelay $0xe  }
0x2fe: {  	s12 =	spop (v2sf)  }
0x2ff: {  	p1 =	seq.s32 s12, $0xFFFFFFFF  }
.Ltmp22:
0x300: {  	_ = 	snop;
	(pc) =	sbr.rel @p1 .LBB2_32-.Ltmp22, $1  }
0x301: {  	_ =	sdelay $0x3  }
0x302: {  	p1 =	slt.s32 s6, $0x1  }
.Ltmp23:
0x303: {  	_ = 	snop;
	(pc) =	sbr.rel @p1 .LBB2_30-.Ltmp23, $1  }
0x304: {  	_ =	sdelay $0x3  }
0x305: {  	s13 =	simm.s32 $0x3658;
	p1 =	por $0x0, $0x0  }
0x306: {  	v1 =	vld.msk @!p1 [tilespmem:s13+$0x0], $0x1;
	_ =	sdelay $0x4  }
0x307: {  	(v2sf) =	vpush @!p1 v1, $0x0;
	_ =	sdelay $0xd  }
0x308: {  	p3 =	sne.s32 s6, $0x1  }
.Ltmp24:
0x309: {  	s0 =	spop @!p1 (v2sf);
	(pc) =	sbr.rel @!p3 .LBB2_29-.Ltmp24, $4  }
0x30a: {  	p2 =	seq.s32 @!p1 s12, s0  }
0x30b: {  	s14 =	simm.s32 $0x0;
	p2 =	por !p2, p1  }
0x30c: {  	s0 =	simm.s32 $0xFFFFFFFF;
	s14 =	simm.s32 @p2 $0xFFFFFFFF  }
0x30d: {  	s15 =	simm.s32 $0x1;
	s14 =	smov.u32 @p1 s0  }
.LBB2_28:
0x30e: {  	s0 =	smov.u32 s14;
	p1 =	sne.s32 s14, $0xFFFFFFFF  }
0x30f: {  	s13 =	sadd.s32 $0x1, s13;
	s14 =	smov.u32 s15;
	s15 =	sadd.s32 $0x1, s15  }
0x310: {  	p2 =	sne.s32 s6, s15;
	v1 =	vld.msk @!p1 [tilespmem:s13+$0x0], $0x1;
	_ =	sdelay $0x4  }
0x311: {  	(v2sf) =	vpush @!p1 v1, $0x0;
	_ =	sdelay $0xe  }
.Ltmp25:
0x312: {  	s1 =	spop @!p1 (v2sf);
	(pc) =	sbr.rel @p2 .LBB2_28-.Ltmp25, $4  }
0x313: {  	p3 =	seq.s32 @!p1 s12, s1  }
0x314: {  	p3 =	por !p3, p1  }
0x315: {  	s14 =	simm.s32 @p3 $0xFFFFFFFF  }
0x316: {  	s14 =	smov.u32 @p1 s0  }
.LBB2_29:
0x317: {  	p1 =	sne.s32 s14, $0xFFFFFFFF  }
.Ltmp26:
0x318: {  	_ = 	snop;
	(pc) =	sbr.rel @!p1 .LBB2_30-.Ltmp26, $1  }
0x319: {  	_ =	sdelay $0x3  }
0x31a: {  	s0 =	sshll.u32 s11, $0x4  }
0x31b: {  	s0 =	sand.u32 $0x3FFFFFF0, s0  }
0x31c: {  	v0 =	vld [tilespmem:s0+$0x3678]  }
.Ltmp27:
0x31d: {  	_ = 	snop;
	(pc) =	sbr.rel .LBB2_32-.Ltmp27, $4  }
0x31e: {  	_ = 	snop  }
0x31f: {  	s31 =	sshll.u32 s14, $0x6  }
0x320: {  	s0 =	sshra.s32 s31, $0x2  }
0x321: {  	[tilespmem:s0+$0x3678] =	vst.add.f32.msk $0xffff, v0  }
.LBB2_33:
0x322: {  	s0 =	simm.s32 $0x6;
	p1 =	seq.s32 s6, $0x0  }
0x323: {  	[sflag:s0] =	ssyncpa.u1 $0x1;
	v0 =	vimm.s32 @p1 $0xFFFFFFFF  }
0x324: {  	s9 =	sadd.s32 $0xFFFFFFFF, s6;
	[tilespmem:$0x3878] =	vst @p1 v0  }
0x325: {  	v0 =	vld.msk @!p1 [tilespmem:s9+$0x3658], $0x1;
	_ =	sdelay $0x1  }
0x326: {  	v1 =	vld.msk @!p1 [tilespmem:$0x3658], $0x1;
	_ =	sdelay $0x2  }
0x327: {  	p2 =	seq.s32 @!p1 s9, $0x0;
	v0 =	vbroadcast @!p1 v0, $0x0  }
0x328: {  	vm0 =	vmmov @!p1 $0x1;
	p2 =	por !p2, p1  }
0x329: {  	v1 =	vnsel @!p1 vm0, $0xFFFFFFFF, v1;
	vm0 =	vcmask @!p1 $0x308;
	v0 =	vpsel !p2, $0xFFFFFFFF, v0  }
0x32a: {  	p2 =	sne.s32 @!p1 s8, s7;
	v0 =	vsel @!p1 vm0, v1, v0  }
0x32b: {  	s0 =	simm.s32 @!p1 $0x3678;
	s1 =	simm.s32 @!p1 $0x0;
	p3 =	por !p2, p1;
	[tilespmem:$0x3878] =	vst @!p1 v0  }
0x32c: {  	[spmem:s1] =	stream.linear.scatter @!p1 [tilespmem:s0], [sflag:$0x1], $0x10, $0x38;
	[tilespmem:$0x1F0F8] =	vst v63  }
0x32d: {  	s0 =	sshll.u32 @!p3 s9, $0x6  }
0x32e: {  	s0 =	sshra.s32 @!p3 s0, $0x2  }
0x32f: {  	s1 =	simm.s32 @!p3 $0x10;
	s0 =	sadd.s32 @!p3 $0x3678, s0  }
0x330: {  	[spmem:s1] =	stream.linear.scatter @!p3 [tilespmem:s0], [sflag:$0x1], $0x10, $0x38;
	[tilespmem:$0x1F0F8] =	vst v63  }
0x331: {  	s0 =	simm.s32 @!p3 $0x1  }
0x332: {  	_ =	swait.ge @!p3 [sflag:s0], $0x20  }
0x333: {  	p1 =	por p2, p1;
	[sflag:s0] =	ssyncset.done @!p3 $0x0  }
0x334: {  	[sflag:s0] =	ssyncadd.s32 @!p3 $0xFFFFFFE0;
	s0 =	simm.s32 @!p1 $0x1  }
0x335: {  	_ =	swait.ge @!p1 [sflag:s0], $0x10  }
0x336: {  	s29 =	simm.s32 $0x3878;
	[sflag:s0] =	ssyncset.done @!p1 $0x0  }
0x337: {  	s30 =	simm.s32 $0x200;
	s31 =	simm.s32 $0x1;
	[sflag:s0] =	ssyncadd.s32 @!p1 $0xFFFFFFF0  }
0x338: {  	[spmem:s30] =	stream.linear.scatter [tilespmem:s29], [sflag:$0x1], $0x10, $0x38;
	[tilespmem:$0x1F0F8] =	vst v63  }
0x339: {  	_ =	swait.ge [sflag:s31], $0x10  }
0x33a: {  	[sflag:s31] =	ssyncset.done $0x0  }
0x33b: {  	p1 =	seq.s32 s17, $0x0;
	s8 =	rddreg [dreg:$0x1];
	[sflag:s31] =	ssyncadd.s32 $0xFFFFFFF0  }
0x33c: {  	s1 =	sshll.u32 @p1 s8, $0xE;
	s7 =	rddreg [dreg:$0x2]  }
0x33d: {  	s0 =	sadd.s32 @p1 $0x15C3C, s1;
	s1 =	sshll.u32 @p1 s7, $0x11  }
0x33e: {  	_ =	sfence.stream.spmem;
	s0 =	sor.u32 @p1 s1, s0  }
0x33f: {  	[sflag:s0] =	ssyncadd.remote.s32 @p1 $0x1;
	s0 =	simm.s32 @p1 $0x4  }
0x340: {  	s2 =	simm.s32 @!p1 $0x3C;
	s1 =	sand.u32 $0xFFFFFFFE, s8;
	_ =	swait.ge @p1 [sflag:s0], $0x6  }
0x341: {  	s4 =	simm.s32 @!p1 $0x0;
	s1 =	sadd.s32 @!p1 $0x4, s1;
	[sflag:s0] =	ssyncset.done @p1 $0x0  }
0x342: {  	s5 =	simm.s32 @!p1 $0x20;
	[sflag:s0] =	ssyncadd.s32 @p1 $0xFFFFFFFA;
	s0 =	sshll.u32 @!p1 s1, $0x1A  }
0x343: {  	s1 =	sshll.u32 @!p1 s1, $0xD;
	s0 =	sor.u32 @!p1 s0, s7;
	_ =	swait.eq @!p1 [sflag:s2], $0x1  }
0x344: {  	s1 =	sor.u32 @!p1 $0x1C04, s1;
	s2 =	simm.s32 @!p1 $0x1C03;
	s0 =	sor.u32 @!p1 $0x80004000, s0  }
0x345: {  	[spmem:s5], [sflag:s1] =	dma.general @!p1 [spmem:s4], [sflag:s2], length:$0x4, [dreg:$0x0], stride_count:$0x0, ici_dest:s0, dma_misc:DstOpCode:WRITE  }
0x346: {  	p2 =	slt.s32 s9, $0x2;
	s4 =	simm.s32 @!p1 $0x40;
	s5 =	simm.s32 @!p1 $0x42  }
0x347: {  	[spmem:s5], [sflag:s1] =	dma.general @!p1 [spmem:s4], [sflag:s2], length:$0x2, [dreg:$0x0], stride_count:$0x0, ici_dest:s0, dma_misc:DstOpCode:WRITE  }
.Ltmp28:
0x348: {  	s0 =	simm.s32 @!p1 $0x3;
	(pc) =	sbr.rel @p2 .LBB2_37-.Ltmp28, $4  }
0x349: {  	s1 =	sshll.u32 @!p1 s8, $0xE;
	_ =	swait.ge @!p1 [sflag:s0], $0x6  }
0x34a: {  	s2 =	sshll.u32 @!p1 s7, $0x11;
	s1 =	sadd.s32 @!p1 $0x11C3C, s1;
	[sflag:s0] =	ssyncset.done @!p1 $0x0  }
0x34b: {  	[sflag:s0] =	ssyncadd.s32 @!p1 $0xFFFFFFFA;
	s0 =	sor.u32 @!p1 s2, s1  }
0x34c: {  	[sflag:s0] =	ssyncadd.remote.s32 @!p1 $0xFFFFFFFF;
	s0 =	simm.s32 $0x0  }
0x34d: {  	s0 =	simm.s32 $0x3659  }
0x34e: {  	v0 =	vld.msk [tilespmem:s0+$0x0], $0x1;
	_ =	sdelay $0x4  }
0x34f: {  	(v2sf) =	vpush v0, $0x0;
	_ =	sdelay $0xd  }
0x350: {  	s2 =	sadd.s32 $0xFFFFFFFE, s6  }
0x351: {  	s2 =	sadd.s32 $0xFFFFFFFF, s2;
	s0 =	spop (v2sf)  }
0x352: {  	p2 =	sne.s32 s2, $0x0;
	p1 =	sgt.u32 s0, $0x1A55BFE  }
.Ltmp29:
0x353: {  	s4 =	sand.u32 @!p1 $0x1FFFFF8, s0;
	(pc) =	sbr.rel @!p2 .LBB2_36-.Ltmp29, $4  }
0x354: {  	s1 =	simm.s32 $0x3688;
	s0 =	sand.u32 @!p1 $0x7, s0;
	s4 =	sadd.s32 @!p1 s3, s4  }
0x355: {  	[hbm4b:s4+s0] =	stream.linear.scatter @!p1 [tilespmem:s1], [sflag:$0x5], $0x10, $0x38;
	[tilespmem:$0x1F0F8] =	vst v63  }
0x356: {  	s0 =	simm.s32 $0x0  }
0x357: {  	s6 =	simm.s32 $0x0;
	s7 =	simm.s32 $0x365A;
	s0 =	simm.s32 @!p1 $0x40  }
.LBB2_35:
0x358: {  	v0 =	vld.msk [tilespmem:s7+$0x0], $0x1;
	s2 =	sadd.s32 $0xFFFFFFFF, s2;
	s6 =	sadd.s32 s6, s0  }
0x359: {  	p1 =	sne.s32 s2, $0x0;
	_ =	sdelay $0x3  }
0x35a: {  	(v2sf) =	vpush v0, $0x0;
	_ =	sdelay $0xe  }
.Ltmp30:
0x35b: {  	s4 =	spop (v2sf);
	(pc) =	sbr.rel @p1 .LBB2_35-.Ltmp30, $4  }
0x35c: {  	s0 =	simm.s32 $0x0;
	p2 =	sgt.u32 s4, $0x1A55BFE  }
0x35d: {  	s1 =	sadd.s32 $0x10, s1;
	s0 =	simm.s32 @!p2 $0x40;
	s5 =	sand.u32 @!p2 $0x1FFFFF8, s4  }
0x35e: {  	s7 =	sadd.s32 $0x1, s7;
	s4 =	sand.u32 @!p2 $0x7, s4;
	s5 =	sadd.s32 @!p2 s3, s5  }
0x35f: {  	[hbm4b:s5+s4] =	stream.linear.scatter @!p2 [tilespmem:s1], [sflag:$0x5], $0x10, $0x38;
	[tilespmem:$0x1F0F8] =	vst v63  }
.LBB2_36:
0x360: {  	s0 =	sadd.s32 s6, s0  }
0x361: {  	s0 =	sshrl.u32 s0, $0x2  }
.LBB2_37:
0x362: {  	s1 =	simm.s32 $0x5  }
0x363: {  	_ =	swait.ge [sflag:s1], s0  }
0x364: {  	s31 =	ssub.s32 $0x0, s0;
	[sflag:s1] =	ssyncset.done $0x0  }
0x365: {  	[sflag:s1] =	ssyncadd.s32 s31  }
0x366: {  	[sflag:s1] =	ssyncpa.u1 $0x1  }
.LBB2_38:
0x367: {  	s0 =	sor.u32 s17, s16  }
0x368: {  	p1 =	sne.s32 s0, $0x0  }
.Ltmp31:
0x369: {  	_ = 	snop;
	(pc) =	sbr.rel @p1 .LBB2_53-.Ltmp31, $3  }
0x36a: {  	_ =	sdelay $0x1  }
0x36b: {  	[bflag:$0x0] =	sbarrier.arrive $0xFFFF  }
0x36c: {  	_ =	sfence  }
0x36d: {  	s0 =	simm.s32 $0x7  }
0x36e: {  	s1 =	simm.s32 $0x200;
	s2 =	simm.s32 $0x3658;
	[sflag:s0] =	ssyncpa.u1 $0x0  }
0x36f: {  	[tilespmem:s2], [sflag:$0x7] =	stream.linear.gather [spmem:s1], $0x20, $0x38;
	[tilespmem:$0x1F0F8] =	vst v63  }
0x370: {  	s30 =	simm.s32 $0x3678;
	s1 =	simm.s32 $0x0  }
0x371: {  	[tilespmem:s30], [sflag:$0x7] =	stream.linear.gather [spmem:s1], $0x200, $0x38;
	[tilespmem:$0x1F0F8] =	vst v63  }
.Ltmp32:
0x372: {  	_ = 	snop;
	(pc) =	sbr.rel .LBB2_40-.Ltmp32, $4  }
0x373: {  	_ =	swait.ge [sflag:s0], $0x220  }
0x374: {  	[sflag:s0] =	ssyncset.done $0x0  }
0x375: {  	s31 =	simm.s32 $0x8;
	[sflag:s0] =	ssyncadd.s32 $0xFFFFFDE0  }
0x376: {  	s2 =	simm.s32 $0x0;
	[sflag:s31] =	ssyncpa.u1 $0x0  }
.LBB2_45:
0x377: {  	p1 =	slt.u32 s4, $0x1A55BFF  }
0x378: {  	s0 =	sand.u32 @p1 $0x1FFFFF8, s4  }
0x379: {  	s4 =	sand.u32 @p1 $0x7, s4;
	s5 =	simm.s32 @p1 $0x3638;
	s0 =	sadd.s32 @p1 s3, s0  }
0x37a: {  	[tilespmem:s5], [sflag:$0x8] =	stream.linear.gather @p1 [hbm4b:s0+s4], $0x10, $0x38;
	[tilespmem:$0x1F0F8] =	vst v63  }
0x37b: {  	s0 =	simm.s32 @p1 $0x8  }
0x37c: {  	_ =	swait.ge @p1 [sflag:s0], $0x10  }
0x37d: {  	[sflag:s0] =	ssyncset.done @p1 $0x0  }
0x37e: {  	[sflag:s0] =	ssyncadd.s32 @p1 $0xFFFFFFF0  }
0x37f: {  	v1 =	vld @p1 [tilespmem:$0x3638];
	_ =	sdelay $0x2  }
0x380: {  	s0 =	sshll.u32 @p1 s2, $0x6  }
0x381: {  	s5 =	sshll.u32 @!p1 s2, $0x6;
	s4 =	sshrl.u32 @p1 s0, $0x2  }
0x382: {  	s5 =	smov.u32 @p1 s0;
	[tilespmem:s4+$0x3678] =	vst.add.f32.msk @p1 $0xffff, v1  }
0x383: {  	s0 =	sshrl.u32 s5, $0x2;
	[tilespmem:s1+$0x3658] =	vst.msk $0x1, v0  }
0x384: {  	v0 =	vld [tilespmem:s0+$0x3678];
	_ =	sdelay $0x2  }
0x385: {  	s31 =	sshll.u32 s1, $0x6  }
0x386: {  	s0 =	sshra.s32 s31, $0x2  }
0x387: {  	s1 =	sadd.s32 $0x1, s1;
	[tilespmem:s0+$0x3678] =	vst v0  }
.LBB2_47:
0x388: {  	s2 =	sadd.s32 $0x1, s2  }
0x389: {  	p1 =	sne.s32 s2, $0x20  }
.Ltmp33:
0x38a: {  	_ = 	snop;
	(pc) =	sbr.rel @!p1 .LBB2_48-.Ltmp33, $1  }
0x38b: {  	_ =	sdelay $0x3  }
.LBB2_40:
0x38c: {  	v0 =	vld.msk [tilespmem:s2+$0x3658], $0x1;
	_ =	sdelay $0x4  }
0x38d: {  	(v2sf) =	vpush v0, $0x0;
	_ =	sdelay $0xe  }
0x38e: {  	s4 =	spop (v2sf)  }
0x38f: {  	p1 =	seq.s32 s4, $0xFFFFFFFF  }
.Ltmp34:
0x390: {  	_ = 	snop;
	(pc) =	sbr.rel @p1 .LBB2_47-.Ltmp34, $1  }
0x391: {  	_ =	sdelay $0x3  }
0x392: {  	p1 =	slt.s32 s1, $0x1  }
.Ltmp35:
0x393: {  	_ = 	snop;
	(pc) =	sbr.rel @p1 .LBB2_45-.Ltmp35, $1  }
0x394: {  	_ =	sdelay $0x3  }
0x395: {  	s5 =	simm.s32 $0x3658;
	p1 =	por $0x0, $0x0  }
0x396: {  	v1 =	vld.msk @!p1 [tilespmem:s5+$0x0], $0x1;
	_ =	sdelay $0x4  }
0x397: {  	(v2sf) =	vpush @!p1 v1, $0x0;
	_ =	sdelay $0xd  }
0x398: {  	p3 =	sne.s32 s1, $0x1  }
.Ltmp36:
0x399: {  	s0 =	spop @!p1 (v2sf);
	(pc) =	sbr.rel @!p3 .LBB2_44-.Ltmp36, $4  }
0x39a: {  	p2 =	seq.s32 @!p1 s4, s0  }
0x39b: {  	s6 =	simm.s32 $0x0;
	p2 =	por !p2, p1  }
0x39c: {  	s0 =	simm.s32 $0xFFFFFFFF;
	s6 =	simm.s32 @p2 $0xFFFFFFFF  }
0x39d: {  	s7 =	simm.s32 $0x1;
	s6 =	smov.u32 @p1 s0  }
.LBB2_43:
0x39e: {  	s0 =	smov.u32 s6;
	p1 =	sne.s32 s6, $0xFFFFFFFF  }
0x39f: {  	s5 =	sadd.s32 $0x1, s5;
	s6 =	smov.u32 s7;
	s7 =	sadd.s32 $0x1, s7  }
0x3a0: {  	p2 =	sne.s32 s1, s7;
	v1 =	vld.msk @!p1 [tilespmem:s5+$0x0], $0x1;
	_ =	sdelay $0x4  }
0x3a1: {  	(v2sf) =	vpush @!p1 v1, $0x0;
	_ =	sdelay $0xe  }
.Ltmp37:
0x3a2: {  	s8 =	spop @!p1 (v2sf);
	(pc) =	sbr.rel @p2 .LBB2_43-.Ltmp37, $4  }
0x3a3: {  	p3 =	seq.s32 @!p1 s4, s8  }
0x3a4: {  	p3 =	por !p3, p1  }
0x3a5: {  	s6 =	simm.s32 @p3 $0xFFFFFFFF  }
0x3a6: {  	s6 =	smov.u32 @p1 s0  }
.LBB2_44:
0x3a7: {  	p1 =	sne.s32 s6, $0xFFFFFFFF  }
.Ltmp38:
0x3a8: {  	_ = 	snop;
	(pc) =	sbr.rel @!p1 .LBB2_45-.Ltmp38, $1  }
0x3a9: {  	_ =	sdelay $0x3  }
0x3aa: {  	s0 =	sshll.u32 s2, $0x4  }
0x3ab: {  	s0 =	sand.u32 $0x3FFFFFF0, s0  }
0x3ac: {  	v0 =	vld [tilespmem:s0+$0x3678]  }
.Ltmp39:
0x3ad: {  	_ = 	snop;
	(pc) =	sbr.rel .LBB2_47-.Ltmp39, $4  }
0x3ae: {  	_ = 	snop  }
0x3af: {  	s31 =	sshll.u32 s6, $0x6  }
0x3b0: {  	s0 =	sshra.s32 s31, $0x2  }
0x3b1: {  	[tilespmem:s0+$0x3678] =	vst.add.f32.msk $0xffff, v0  }
.LBB2_48:
0x3b2: {  	p1 =	slt.s32 s1, $0x1  }
.Ltmp40:
0x3b3: {  	_ = 	snop;
	(pc) =	sbr.rel @p1 .LBB2_52-.Ltmp40, $3  }
0x3b4: {  	_ =	sdelay $0x1  }
0x3b5: {  	s0 =	simm.s32 $0x8  }
0x3b6: {  	s2 =	simm.s32 $0x0;
	[sflag:s0] =	ssyncpa.u1 $0x1  }
0x3b7: {  	s0 =	simm.s32 $0x3658  }
0x3b8: {  	v0 =	vld.msk [tilespmem:s0+$0x0], $0x1;
	_ =	sdelay $0x4  }
0x3b9: {  	(v2sf) =	vpush v0, $0x0;
	_ =	sdelay $0xe  }
0x3ba: {  	s1 =	sadd.s32 $0xFFFFFFFF, s1;
	s0 =	spop (v2sf)  }
0x3bb: {  	p2 =	sne.s32 s1, $0x0;
	p1 =	sgt.u32 s0, $0x1A55BFE  }
.Ltmp41:
0x3bc: {  	s5 =	sand.u32 @!p1 $0x1FFFFF8, s0;
	(pc) =	sbr.rel @!p2 .LBB2_51-.Ltmp41, $4  }
0x3bd: {  	s4 =	simm.s32 $0x3678;
	s0 =	sand.u32 @!p1 $0x7, s0;
	s5 =	sadd.s32 @!p1 s3, s5  }
0x3be: {  	[hbm4b:s5+s0] =	stream.linear.scatter @!p1 [tilespmem:s4], [sflag:$0x7], $0x10, $0x38;
	[tilespmem:$0x1F0F8] =	vst v63  }
0x3bf: {  	s0 =	simm.s32 $0x0  }
0x3c0: {  	s5 =	simm.s32 $0x3659;
	s0 =	simm.s32 @!p1 $0x40  }
.LBB2_50:
0x3c1: {  	v0 =	vld.msk [tilespmem:s5+$0x0], $0x1;
	s1 =	sadd.s32 $0xFFFFFFFF, s1;
	s2 =	sadd.s32 s2, s0  }
0x3c2: {  	p1 =	sne.s32 s1, $0x0;
	_ =	sdelay $0x3  }
0x3c3: {  	(v2sf) =	vpush v0, $0x0;
	_ =	sdelay $0xe  }
.Ltmp42:
0x3c4: {  	s6 =	spop (v2sf);
	(pc) =	sbr.rel @p1 .LBB2_50-.Ltmp42, $4  }
0x3c5: {  	s0 =	simm.s32 $0x0;
	p2 =	sgt.u32 s6, $0x1A55BFE  }
0x3c6: {  	s4 =	sadd.s32 $0x10, s4;
	s0 =	simm.s32 @!p2 $0x40;
	s7 =	sand.u32 @!p2 $0x1FFFFF8, s6  }
0x3c7: {  	s5 =	sadd.s32 $0x1, s5;
	s6 =	sand.u32 @!p2 $0x7, s6;
	s7 =	sadd.s32 @!p2 s3, s7  }
0x3c8: {  	[hbm4b:s7+s6] =	stream.linear.scatter @!p2 [tilespmem:s4], [sflag:$0x7], $0x10, $0x38;
	[tilespmem:$0x1F0F8] =	vst v63  }
.LBB2_51:
0x3c9: {  	s0 =	sadd.s32 s2, s0  }
0x3ca: {  	s2 =	sshrl.u32 s0, $0x2  }
.LBB2_52:
0x3cb: {  	s0 =	simm.s32 $0x7  }
0x3cc: {  	_ =	swait.ge [sflag:s0], s2  }
0x3cd: {  	s1 =	ssub.s32 $0x0, s2;
	[sflag:s0] =	ssyncset.done $0x0  }
0x3ce: {  	[sflag:s0] =	ssyncadd.s32 s1  }
0x3cf: {  	[sflag:s0] =	ssyncpa.u1 $0x1  }
.LBB2_53:
0x3d0: {  	_ =	sfence;
	s0 =	simm.s32 $0x1  }
0x3d1: {  	[sflag:s0] =	ssyncpa.u1 $0x1  }
0x3d2: {  	_ =	strace $0x90000047  }
0x3d3: {  	[bflag:$0x2] =	sbarrier.arrive $0xFFFF  }
0x3d4: {  	s0 =	rddreg [dreg:$0x3]  }
0x3d5: {  	s0 =	sadd.s32 @!p0 $0x100000, s0  }
0x3d6: {  	[sflag:s0] =	ssyncadd.tile.s32 @!p0 $0x1;
	_ =	shalt  }
.Lfunc_end2:
_tile_overlayer_lowered:
.L_overlay_start_2:
0x3d7: {  	(tag) =	ssettag $0x2  }
0x3d8: {  	s0 =	rddreg [dreg:$0x0];
	s2 =	stileid.u32  }
0x3d9: {  	s1 =	rddreg [dreg:$0x1];
	p0 =	sne.s32 s2, $0x0  }
0x3da: {  	s3 =	rddreg [dreg:$0x2];
	[bflag:$0x3] =	sbarrier.arrive $0xFFFF;
	s2 =	simm.s32 @!p0 $0x1C01  }
0x3db: {  	[timem:s3], [sflag:s2] =	dma.local @!p0 [hbm:s0], s1  }
0x3dc: {  	s0 =	simm.s32 @!p0 $0x1  }
0x3dd: {  	_ =	swait.ge @!p0 [sflag:s0], s1  }
0x3de: {  	s1 =	ssub.s32 @!p0 $0x0, s1;
	[sflag:s0] =	ssyncset.done @!p0 $0x0  }
0x3df: {  	[sflag:s0] =	ssyncadd.s32 @!p0 s1  }
0x3e0: {  	[bflag:$0x3] =	sbarrier.arrive $0xFFFF  }
0x3e1: {  	_ =	shalt  }

// kernel: sparse-core-data-format-call.1.cloned.1.call-start
scs
called_computation.2_lowered:
.L_overlay_start_0:
0x0: {  	s1 =	sld [smem:$0x3FD9]  }
0x1: {  	s2 =	sld [smem:$0x3FFE];
	_ =	sdelay $0x1  }
0x2: {  	s3 =	srdreg.scid  }
0x3: {  	s0 =	sand.u32 $0x1, s3  }
0x4: {  	s17 =	sshll.u32 s0, $0xA;
	s1 =	sadd.s32 s2, s1  }
0x5: {  	s1 =	sadd.s32 s1, s17  }
0x6: {  	[smem:$0x3FC4] =	sst s1  }
0x7: {  	_ = 	snop  }
0x8: {  	(tm) =	ssettm $0x1  }
0x9: {  	s18 =	sld [smem:$0x3FFB];
	_ =	sdelay $0x3  }
0xa: {  	_ =	strace s18  }
0xb: {  	s1 =	sld [smem:$0x3FFC];
	_ =	sdelay $0x3  }
0xc: {  	_ =	strace s1  }
0xd: {  	s1 =	sld [smem:$0x3FFD];
	_ =	sdelay $0x3  }
0xe: {  	_ =	strace s1  }
0xf: {  	_ =	strace $0x8FFFFFFF  }
0x10: {  	s19 =	sld [smem:$0x3FDB];
	_ =	sdelay $0x1  }
0x11: {  	s20 =	simm.s32 $_scs_section_size  }
0x12: {  	s4 =	simm.s32 $_size__tile_overlayer_lowered;
	s5 =	simm.s32 $_tile_overlayer_lowered  }
0x13: {  	s23 =	simm.s32 $0x1BFF;
	s22 =	sshll.u32 s5, $0x1;
	s1 =	sadd.s32 s20, s19  }
0x14: {  	s6 =	simm.s32 $0x0;
	s21 =	sshll.u32 s4, $0x1;
	s4 =	sadd.s32 s22, s1  }
0x15: {  	[timem:s6], [sflag:s23] =	dma.local [hbm:s4], s21  }
0x16: {  	_ =	swait.ge [sflag:s23], s21  }
0x17: {  	s2 =	ssub.s32 $0x0, s21;
	[sflag:s23] =	ssyncset.done $0x0  }
0x18: {  	[sflag:s23] =	ssyncadd.s32 s2;
	_ =	sdelay $0x1  }
0x19: {  	s24 =	simm.s32 $0x1B8B  }
0x1a: {  	_ =	swait.ge [sflag:s24], $0x1  }
0x1b: {  	[sflag:s24] =	ssyncset.done $0x0  }
0x1c: {  	s26 =	simm.s32 $0x1B8E;
	s25 =	sld [smem:$0x3FFE];
	[sflag:s24] =	ssyncadd.s32 $0xFFFFFFFF  }
0x1d: {  	s27 =	simm.s32 $execute0_lowered;
	[smem:$0x3FD2] =	sst s26  }
0x1e: {  	s4 =	sshll.u32 s27, $0x1;
	_ =	strace $0x80000049;
	[dreg:$0x1] =	wrdreg $0xFFFFFFFF  }
0x1f: {  	s28 =	simm.s32 $_size_execute0_lowered;
	s1 =	sadd.s32 s1, s4;
	[dreg:$0x0] =	wrdreg $0x0  }
0x20: {  	s4 =	sshll.u32 s28, $0x1;
	[dreg:$0x2] =	wrdreg s1  }
0x21: {  	[dreg:$0x3] =	wrdreg s4  }
0x22: {  	[dreg:$0x4] =	wrdreg $0xC0  }
0x23: {  	_ =	task [dreg:s6], $0x5FFFF  }
0x24: {  	[dreg:$0x1] =	wrdreg $0xFFFFFFFF  }
0x25: {  	[dreg:$0x0] =	wrdreg $0x60  }
0x26: {  	[dreg:$0x2] =	wrdreg s25  }
0x27: {  	[dreg:$0x3] =	wrdreg $0x9  }
0x28: {  	_ =	task.clear_ibuf [dreg:s6], $0x4FFFF;
	_ =	strace $0x90000049  }
0x29: {  	s29 =	simm.s32 $0x9;
	_ =	strace $0x8000004B  }
0x2a: {  	_ =	swait.ge [sflag:s29], $0x1  }
0x2b: {  	[sflag:s29] =	ssyncadd.s32 $0xFFFFFFFF  }
0x2c: {  	_ =	strace $0x9000004B  }
0x2d: {  	_ =	sfence  }
0x2e: {  	s30 =	sld [smem:$0x0];
	_ =	sdelay $0x2  }
0x2f: {  	s31 =	sshll.u32 s3, $0xD;
	s3 =	sshrl.u32 s3, $0x2  }
0x30: {  	s2 =	sand.u32 $0x4000, s31;
	s1 =	sadd.s32 s3, s30  }
0x31: {  	s0 =	sor.u32 s2, s0;
	s1 =	sshll.u32 s1, $0x11  }
0x32: {  	s0 =	sor.u32 s1, s0  }
0x33: {  	s0 =	sadd.s32 $0x8F2B, s0  }
0x34: {  	[sflag:s0] =	ssyncadd.remote.s32 $0x1  }
0x35: {  	_ =	sfence.sel $0xFFFF  }
0x36: {  	[dreg:$0x0] =	wrdreg $0xFFFFFFFF;
	(pc) =	sbr.abs _section_cstart, $3  }
0x37: {  	[dreg:$0x1] =	wrdreg $0xFFFFFFFF  }
0x38: {  	_ =	task.clear_ibuf [dreg:s6], $0x2FFFF;
	_ =	strace $0x9FFFFFFF  }
0x39: {  	(tm) =	ssettm $0x7FFFFFFF  }
tec
execute0_lowered:
.L_overlay_start_1:
0x0: {  	(tag) =	ssettag $0x1  }
0x1: {  	s0 =	srdreg.scid  }
0x2: {  	s4 =	rddreg [dreg:$0x0];
	s1 =	stileid.u32  }
0x3: {  	s5 =	simm.s32 $0x1;
	s7 =	simm.s32 $0x2;
	s0 =	sshll.u32 s0, $0x4  }
0x4: {  	s11 =	simm.s32 $0x0;
	p0 =	por $0x0, $0x0;
	s2 =	sand.u32 $0x10, s0  }
.Ltmp0:
0x5: {  	s8 =	simm.s32 $0xD2B000;
	s3 =	sor.u32 s1, s2;
	(pc) =	sbr.rel .LBB1_1-.Ltmp0, $4  }
0x6: {  	s0 =	rddreg [dreg:$0x1];
	_ =	strace $0x8000004A;
	s3 =	sshll.u32 s3, $0x7  }
0x7: {  	s10 =	simm.s32 $0x0;
	s2 =	sadd.s32 $0x365600, s4;
	s6 =	ssub.s32 $0x1A5580, s3  }
0x8: {  	s4 =	sadd.s32 $0x2045200, s4;
	[sflag:s5] =	ssyncpa.u1 $0x0;
	s6 =	sshrl.u32 s6, $0xC  }
0x9: {  	[sflag:s7] =	ssyncpa.u1 $0x0;
	s9 =	smov.u32 s3;
	s7 =	sor.u32 $0x2, s6  }
.LBB1_5:
0xa: {  	s13 =	sadd.s32 $0x1000, s9  }
0xb: {  	p2 =	sgt.s32 s13, $0x1A55BF  }
0xc: {  	s13 =	smov.u32 @p2 s3;
	p2 =	sne.s32 s10, s7  }
.Ltmp1:
0xd: {  	p1 =	slt.u32 s10, $0x2;
	(pc) =	sbr.rel @!p2 .LBB1_6-.Ltmp1, $4  }
0xe: {  	s12 =	simm.s32 @!p1 $0x2  }
0xf: {  	s14 =	sadd.s32 $0x1, s10;
	_ =	swait.ge @!p1 [sflag:s12], $0x800  }
0x10: {  	s11 =	smov.u32 s9;
	p0 =	por !p0, !p0;
	[sflag:s12] =	ssyncset.done @!p1 $0x0  }
0x11: {  	s10 =	smov.u32 s14;
	s9 =	smov.u32 s13;
	[sflag:s12] =	ssyncadd.s32 @!p1 $0xFFFFF800  }
.LBB1_1:
0x12: {  	p1 =	sgt.u32 s10, s6  }
0x13: {  	s13 =	smov.u32 s9;
	p2 =	sgt.s32 @!p1 s9, $0x1A5540  }
0x14: {  	s12 =	sand.u32 @!p1 $0x1FFFFFF, s9;
	s14 =	sshra.s32 @!p1 s9, $0x1F;
	p2 =	por !p2, p1  }
0x15: {  	s15 =	smulhi.u32 @!p1 $0x13711C3, s12;
	s14 =	sand.u32 @!p1 s14, s9;
	s13 =	simm.s32 @p2 $0x1A5540  }
0x16: {  	s13 =	ssub.s32 @!p1 s13, s14  }
0x17: {  	s14 =	sshrl.u32 @!p1 s15, $0xD;
	s13 =	sadd.s32 @!p1 $0xFFE5AAC0, s13  }
0x18: {  	s15 =	sxor.u32 @!p1 $0xFFFFFFFF, s10;
	s14 =	smul.u32 @!p1 $0x1A55C0, s14;
	s16 =	sshll.u32 @!p1 s13, $0x6  }
0x19: {  	s15 =	sshll.u32 @!p1 s15, $0xB;
	p2 =	sgt.s32 @!p1 s13, $0x7F;
	s13 =	ssub.s32 @!p1 $0x2000, s16  }
0x1a: {  	s12 =	ssub.s32 @!p1 s12, s14;
	p2 =	por !p2, p1;
	s14 =	sand.u32 @!p1 $0x800, s15  }
0x1b: {  	s15 =	simm.s32 @!p1 $0x10;
	s13 =	sshrl.u32 @!p1 s13, $0x2;
	s12 =	sshll.u32 @!p1 s12, $0x4  }
0x1c: {  	s16 =	simm.s32 @!p1 $0x80;
	s13 =	simm.s32 @!p2 $0x0;
	s12 =	sadd.s32 @!p1 s2, s12  }
0x1d: {  	[tilespmem:s14], [sflag:$0x1] =	stream.strided.gather @!p1 [hbm4b:s12+s15], s13, s16, s15, $0x38;
	[tilespmem:$0x2020] =	vst v63  }
0x1e: {  	p1 =	seq.s32 s10, $0x0  }
0x1f: {  	p2 =	sge.u32 @!p1 s10, s7  }
0x20: {  	p1 =	por p1, p2  }
.Ltmp2:
0x21: {  	_ = 	snop;
	(pc) =	sbr.rel @p1 .LBB1_5-.Ltmp2, $1  }
0x22: {  	_ =	sdelay $0x3  }
0x23: {  	p1 =	sgt.s32 s11, $0x1A5540;
	s12 =	smov.u32 s11;
	s13 =	sshra.s32 s11, $0x1F  }
0x24: {  	s12 =	simm.s32 @!p1 $0x1A5540;
	s13 =	sand.u32 s13, s11  }
0x25: {  	s12 =	ssub.s32 s12, s13  }
0x26: {  	s12 =	sadd.s32 $0xFFE5AAC0, s12  }
0x27: {  	s29 =	sshll.u32 s12, $0x6  }
0x28: {  	s13 =	ssub.s32 $0x2000, s29  }
0x29: {  	p1 =	sgt.s32 s12, $0x7F;
	s12 =	sshrl.u32 s13, $0x2  }
0x2a: {  	s13 =	simm.s32 $0x1;
	s12 =	simm.s32 @p1 $0x0  }
0x2b: {  	s13 =	simm.s32 @!p0 $0x0;
	_ =	swait.ge [sflag:s5], s12  }
0x2c: {  	s14 =	sshll.u32 s13, $0xB;
	s12 =	ssub.s32 $0x0, s12;
	[sflag:s5] =	ssyncset.done $0x0  }
0x2d: {  	s15 =	sor.u32 $0x40, s14;
	[sflag:s5] =	ssyncadd.s32 s12  }
0x2e: {  	v2 =	vld [tilespmem:s15+$0x30]  }
0x2f: {  	s30 =	smul.u32 $0x2040, s13;
	v4 =	vld [tilespmem:s15+$0xFFFFFFD0]  }
0x30: {  	v5 =	vld [tilespmem:s15+$0xFFFFFFE0]  }
0x31: {  	s31 =	sand.u32 $0x1, s10;
	s12 =	sshrl.u32 s30, $0x2;
	v0 =	vld [tilespmem:s15+$0xFFFFFFF0]  }
0x32: {  	s13 =	smul.u32 $0x2040, s31;
	s12 =	sor.u32 $0x1007, s12;
	v3 =	vld [tilespmem:s15+$0x0]  }
0x33: {  	v1 =	vld [tilespmem:s15+$0x10];
	[tilespmem:s12+$0x0 ss:$0x81] =	vst.msk $0xffff, v2  }
0x34: {  	s13 =	sshrl.u32 s13, $0x2;
	[tilespmem:s12+$0xFFFFFFFA ss:$0x81] =	vst.msk $0xffff, v4;
	v4 =	vld [tilespmem:s15+$0x20]  }
0x35: {  	s14 =	simm.s32 $0x0;
	s13 =	sor.u32 $0x1000, s13;
	v2 =	vld [tilespmem:s15+$0xFFFFFFC0];
	[tilespmem:s12+$0xFFFFFFFB ss:$0x81] =	vst.msk $0xffff, v5;
	s15 =	sadd.s32 $0x80, s15  }
.LBB1_3:
0x36: {  	v5 =	vld [tilespmem:s15+$0x30];
	s14 =	sadd.s32 $0x8, s14;
	[tilespmem:s12+$0xFFFFFFFC ss:$0x81] =	vst.msk $0xffff, v0  }
0x37: {  	v6 =	vld [tilespmem:s15+$0xFFFFFFD0];
	p1 =	slt.u32 s14, $0x78;
	[tilespmem:s12+$0xFFFFFFFD ss:$0x81] =	vst.msk $0xffff, v3  }
0x38: {  	v7 =	vld [tilespmem:s15+$0xFFFFFFE0];
	[tilespmem:s12+$0xFFFFFFFE ss:$0x81] =	vst.msk $0xffff, v1  }
.Ltmp3:
0x39: {  	v0 =	vld [tilespmem:s15+$0xFFFFFFF0];
	[tilespmem:s12+$0xFFFFFFFF ss:$0x81] =	vst.msk $0xffff, v4;
	(pc) =	sbr.rel @p1 .LBB1_3-.Ltmp3, $4  }
0x3a: {  	v3 =	vld [tilespmem:s15+$0x0];
	[tilespmem:s12+$0xFFFFFFF9 ss:$0x81] =	vst.msk $0xffff, v2;
	s12 =	sadd.s32 $0x8, s12  }
0x3b: {  	v1 =	vld [tilespmem:s15+$0x10];
	[tilespmem:s12+$0x0 ss:$0x81] =	vst.msk $0xffff, v5  }
0x3c: {  	[tilespmem:s12+$0xFFFFFFFA ss:$0x81] =	vst.msk $0xffff, v6;
	v4 =	vld [tilespmem:s15+$0x20]  }
0x3d: {  	v2 =	vld [tilespmem:s15+$0xFFFFFFC0];
	[tilespmem:s12+$0xFFFFFFFB ss:$0x81] =	vst.msk $0xffff, v7;
	s15 =	sadd.s32 $0x80, s15  }
0x3e: {  	s14 =	sshll.u32 s11, $0x3  }
0x3f: {  	s14 =	sand.u32 $0xFFFFFC00, s14  }
0x40: {  	s15 =	sshrl.u32 s14, $0x9  }
0x41: {  	s15 =	smulhi.u32 $0x1370ED, s15;
	_ =	sdelay $0x1  }
0x42: {  	s28 =	sand.u32 $0x7F, s11;
	s16 =	smul.u32 $0x1A5600, s15  }
0x43: {  	[tilespmem:s12+$0xFFFFFFFC ss:$0x81] =	vst.msk $0xffff, v0;
	s11 =	sor.u32 s28, s14  }
.Ltmp4:
0x44: {  	[tilespmem:s12+$0xFFFFFFFD ss:$0x81] =	vst.msk $0xffff, v3;
	s29 =	sand.u32 $0xF, s15;
	s11 =	ssub.s32 s11, s16;
	(pc) =	sbr.rel .LBB1_5-.Ltmp4, $4  }
0x45: {  	[tilespmem:s12+$0xFFFFFFFE ss:$0x81] =	vst.msk $0xffff, v1;
	s14 =	smul.u32 $0x34AC0, s29;
	s30 =	sshrl.u32 s11, $0x3;
	s11 =	sand.u32 $0x7, s11  }
0x46: {  	[tilespmem:s12+$0xFFFFFFFF ss:$0x81] =	vst.msk $0xffff, v4;
	s15 =	sadd.s32 s4, s30;
	s11 =	sshll.u32 s11, $0x12  }
0x47: {  	[tilespmem:s12+$0xFFFFFFF9 ss:$0x81] =	vst.msk $0xffff, v2;
	s31 =	sadd.s32 s14, s15;
	s11 =	sor.u32 $0x400, s11  }
0x48: {  	[hbm4b:s31+s11] =	stream.strided.scatter [tilespmem:s13], [sflag:$0x2], $0x800, s8, s11, $0x20;
	[tilespmem:$0x2020] =	vst v63  }
.LBB1_6:
0x49: {  	_ =	sfence.sel $0x180000  }
0x4a: {  	s2 =	simm.s32 $0x1;
	[bflag:$0x0] =	sbarrier.arrive $0xFFFF  }
0x4b: {  	s31 =	simm.s32 $0x2;
	[sflag:s2] =	ssyncpa.u1 $0x1  }
0x4c: {  	[sflag:s31] =	ssyncpa.u1 $0x1  }
0x4d: {  	p0 =	sne.s32 s1, $0x0;
	_ =	strace $0x9000004A  }
0x4e: {  	s0 =	sadd.s32 @!p0 $0x100000, s0;
	[bflag:$0x2] =	sbarrier.arrive $0xFFFF  }
0x4f: {  	[sflag:s0] =	ssyncadd.tile.s32 @!p0 $0x1;
	_ =	shalt  }
.Lfunc_end1:
_tile_overlayer_lowered:
.L_overlay_start_2:
0x50: {  	(tag) =	ssettag $0x2  }
0x51: {  	s0 =	rddreg [dreg:$0x0];
	s2 =	stileid.u32  }
0x52: {  	s1 =	rddreg [dreg:$0x1];
	p0 =	sne.s32 s2, $0x0  }
0x53: {  	s3 =	rddreg [dreg:$0x2];
	[bflag:$0x3] =	sbarrier.arrive $0xFFFF;
	s2 =	simm.s32 @!p0 $0x1C01  }
0x54: {  	[timem:s3], [sflag:s2] =	dma.local @!p0 [hbm:s0], s1  }
0x55: {  	s0 =	simm.s32 @!p0 $0x1  }
0x56: {  	_ =	swait.ge @!p0 [sflag:s0], s1  }
0x57: {  	s1 =	ssub.s32 @!p0 $0x0, s1;
	[sflag:s0] =	ssyncset.done @!p0 $0x0  }
0x58: {  	[sflag:s0] =	ssyncadd.s32 @!p0 s1  }
0x59: {  	[bflag:$0x3] =	sbarrier.arrive $0xFFFF  }
0x5a: {  	_ =	shalt  }

// kernel: sparse-core-data-format-call.cloned.1.call-start
scs
called_computation.1_lowered:
.L_overlay_start_0:
0x0: {  	s1 =	sld [smem:$0x3FD9]  }
0x1: {  	s2 =	sld [smem:$0x3FFE];
	_ =	sdelay $0x1  }
0x2: {  	s3 =	srdreg.scid  }
0x3: {  	s0 =	sand.u32 $0x1, s3  }
0x4: {  	s17 =	sshll.u32 s0, $0xA;
	s1 =	sadd.s32 s2, s1  }
0x5: {  	s1 =	sadd.s32 s1, s17  }
0x6: {  	[smem:$0x3FC4] =	sst s1  }
0x7: {  	_ = 	snop  }
0x8: {  	(tm) =	ssettm $0x1  }
0x9: {  	s18 =	sld [smem:$0x3FFB];
	_ =	sdelay $0x3  }
0xa: {  	_ =	strace s18  }
0xb: {  	s1 =	sld [smem:$0x3FFC];
	_ =	sdelay $0x3  }
0xc: {  	_ =	strace s1  }
0xd: {  	s1 =	sld [smem:$0x3FFD];
	_ =	sdelay $0x3  }
0xe: {  	_ =	strace s1  }
0xf: {  	_ =	strace $0x8FFFFFFF  }
0x10: {  	s19 =	sld [smem:$0x3FDB];
	_ =	sdelay $0x1  }
0x11: {  	s20 =	simm.s32 $_scs_section_size  }
0x12: {  	s4 =	simm.s32 $_size__tile_overlayer_lowered;
	s5 =	simm.s32 $_tile_overlayer_lowered  }
0x13: {  	s23 =	simm.s32 $0x1BFF;
	s22 =	sshll.u32 s5, $0x1;
	s1 =	sadd.s32 s20, s19  }
0x14: {  	s6 =	simm.s32 $0x0;
	s21 =	sshll.u32 s4, $0x1;
	s4 =	sadd.s32 s22, s1  }
0x15: {  	[timem:s6], [sflag:s23] =	dma.local [hbm:s4], s21  }
0x16: {  	_ =	swait.ge [sflag:s23], s21  }
0x17: {  	s2 =	ssub.s32 $0x0, s21;
	[sflag:s23] =	ssyncset.done $0x0  }
0x18: {  	[sflag:s23] =	ssyncadd.s32 s2;
	_ =	sdelay $0x1  }
0x19: {  	s24 =	simm.s32 $0x1B8B  }
0x1a: {  	_ =	swait.ge [sflag:s24], $0x1  }
0x1b: {  	[sflag:s24] =	ssyncset.done $0x0  }
0x1c: {  	s26 =	simm.s32 $0x1B8E;
	s25 =	sld [smem:$0x3FFE];
	[sflag:s24] =	ssyncadd.s32 $0xFFFFFFFF  }
0x1d: {  	s27 =	simm.s32 $execute0_lowered;
	[smem:$0x3FD2] =	sst s26  }
0x1e: {  	s4 =	sshll.u32 s27, $0x1;
	_ =	strace $0x8000004C;
	[dreg:$0x1] =	wrdreg $0xFFFFFFFF  }
0x1f: {  	s28 =	simm.s32 $_size_execute0_lowered;
	s1 =	sadd.s32 s1, s4;
	[dreg:$0x0] =	wrdreg $0x0  }
0x20: {  	s4 =	sshll.u32 s28, $0x1;
	[dreg:$0x2] =	wrdreg s1  }
0x21: {  	[dreg:$0x3] =	wrdreg s4  }
0x22: {  	[dreg:$0x4] =	wrdreg $0xC0  }
0x23: {  	_ =	task [dreg:s6], $0x5FFFF  }
0x24: {  	[dreg:$0x1] =	wrdreg $0xFFFFFFFF  }
0x25: {  	[dreg:$0x0] =	wrdreg $0x60  }
0x26: {  	[dreg:$0x2] =	wrdreg s25  }
0x27: {  	[dreg:$0x3] =	wrdreg $0x9  }
0x28: {  	_ =	task.clear_ibuf [dreg:s6], $0x4FFFF;
	_ =	strace $0x9000004C  }
0x29: {  	s29 =	simm.s32 $0x9;
	_ =	strace $0x8000004E  }
0x2a: {  	_ =	swait.ge [sflag:s29], $0x1  }
0x2b: {  	[sflag:s29] =	ssyncadd.s32 $0xFFFFFFFF  }
0x2c: {  	_ =	strace $0x9000004E  }
0x2d: {  	_ =	sfence  }
0x2e: {  	s30 =	sld [smem:$0x0];
	_ =	sdelay $0x2  }
0x2f: {  	s31 =	sshll.u32 s3, $0xD;
	s3 =	sshrl.u32 s3, $0x2  }
0x30: {  	s2 =	sand.u32 $0x4000, s31;
	s1 =	sadd.s32 s3, s30  }
0x31: {  	s0 =	sor.u32 s2, s0;
	s1 =	sshll.u32 s1, $0x11  }
0x32: {  	s0 =	sor.u32 s1, s0  }
0x33: {  	s0 =	sadd.s32 $0x8F2B, s0  }
0x34: {  	[sflag:s0] =	ssyncadd.remote.s32 $0x1  }
0x35: {  	_ =	sfence.sel $0xFFFF  }
0x36: {  	[dreg:$0x0] =	wrdreg $0xFFFFFFFF;
	(pc) =	sbr.abs _section_cstart, $3  }
0x37: {  	[dreg:$0x1] =	wrdreg $0xFFFFFFFF  }
0x38: {  	_ =	task.clear_ibuf [dreg:s6], $0x2FFFF;
	_ =	strace $0x9FFFFFFF  }
0x39: {  	(tm) =	ssettm $0x7FFFFFFF  }
tec
execute0_lowered:
.L_overlay_start_1:
0x0: {  	(tag) =	ssettag $0x1  }
0x1: {  	s0 =	srdreg.scid;
	s31 =	stileid.u32  }
0x2: {  	s6 =	rddreg [dreg:$0x0];
	_ =	strace $0x8000004D;
	s7 =	simm.s32 $0x2  }
0x3: {  	s20 =	simm.s32 $0x0;
	p0 =	por $0x0, $0x0;
	s22 =	simm.s32 $0x0  }
0x4: {  	s23 =	simm.s32 $0x0;
	s24 =	simm.s32 $0x0;
	s2 =	sand.u32 $0x1, s0  }
0x5: {  	s21 =	simm.s32 $0x0;
	s9 =	simm.s32 $0x0;
	s1 =	ssub.s32 $0x2, s2  }
0x6: {  	s15 =	simm.s32 $0x0;
	s3 =	ssub.s32 $0x2A, s31;
	s4 =	sshrl.u32 s1, $0x1  }
0x7: {  	s12 =	simm.s32 $0x0;
	s3 =	sshrl.u32 s3, $0x4;
	s4 =	ssub.s32 s1, s4  }
0x8: {  	s13 =	simm.s32 $0x0;
	s14 =	simm.s32 $0x0;
	s4 =	smul.u32 s4, s3  }
.Ltmp0:
0x9: {  	s17 =	stileid.u32;
	s18 =	simm.s32 $0x0;
	(pc) =	sbr.rel .LBB1_1-.Ltmp0, $4  }
0xa: {  	s19 =	simm.s32 $0x0;
	s5 =	sadd.s32 $0x845600, s6;
	s30 =	sadd.s32 $0x2045200, s6  }
0xb: {  	s0 =	simm.s32 $0x0;
	s3 =	simm.s32 $0x1;
	s4 =	smul.u32 $0x44C, s4  }
0xc: {  	[dreg:$0x2] =	wrdreg s30;
	s16 =	smov.u32 s2;
	[sflag:s3] =	ssyncpa.u1 $0x0  }
0xd: {  	s1 =	simm.s32 $0x0;
	[sflag:s7] =	ssyncpa.u1 $0x0;
	s7 =	sor.u32 $0x1, s4  }
.LBB1_4:
0xe: {  	p1 =	sgt.s32 s12, $0x1A;
	s30 =	smov.u32 s12;
	s31 =	sshra.s32 s12, $0x1F  }
0xf: {  	s29 =	sshra.s32 s29, $0x2;
	s30 =	simm.s32 @!p1 $0x1A;
	s31 =	sand.u32 s31, s12  }
0x10: {  	s10 =	sshrl.u32 s13, $0x4;
	s11 =	smov.u32 s1;
	s30 =	ssub.s32 s30, s31  }
0x11: {  	s8 =	sshra.s32 s13, $0x1F;
	s28 =	sadd.s32 s29, s28;
	s31 =	sadd.s32 $0xFFFFFFE6, s30  }
0x12: {  	s30 =	ssub.s32 $0x1B, s30;
	p1 =	sgt.s32 s31, $0x0;
	s31 =	sshra.s32 s1, $0x1F  }
0x13: {  	s30 =	simm.s32 @p1 $0x0;
	p1 =	sgt.s32 s1, $0x1;
	s31 =	sand.u32 s31, s1  }
0x14: {  	s29 =	sand.u32 $0x1FFFFF8, s10;
	s11 =	simm.s32 @!p1 $0x1;
	s31 =	sxor.u32 $0xFFFFFFFF, s31  }
0x15: {  	p1 =	sgt.s32 s13, $0x70;
	s11 =	sadd.s32 s31, s11;
	s31 =	smov.u32 s13  }
0x16: {  	s10 =	smov.u32 s15;
	s31 =	simm.s32 @!p1 $0x70;
	p1 =	sgt.s32 s15, $0xA  }
0x17: {  	s8 =	sand.u32 s8, s13;
	s10 =	simm.s32 @!p1 $0xA  }
0x18: {  	p1 =	sgt.s32 s11, $0x0;
	s8 =	ssub.s32 s31, s8;
	s31 =	sshra.s32 s15, $0x1F  }
0x19: {  	s11 =	ssub.s32 $0x1, s11;
	s6 =	ssub.s32 $0x80, s8;
	s31 =	sand.u32 s31, s15  }
0x1a: {  	s8 =	sadd.s32 $0xFFFFFF90, s8;
	s11 =	simm.s32 @p1 $0x0;
	s6 =	smul.u32 $0x58, s6  }
0x1b: {  	s10 =	ssub.s32 s10, s31;
	p1 =	sgt.s32 s8, $0xF;
	s31 =	smov.u32 s9  }
0x1c: {  	v5 =	vld [tilespmem:s26+$0xFFFFFFD0];
	[tilespmem:s27+$0x440 ss:$0x11] =	vst.msk $0xffff, v4;
	s8 =	sadd.s32 $0xFFFFFFF6, s10;
	s6 =	simm.s32 @p1 $0x0;
	p1 =	sgt.s32 s9, $0x63  }
0x1d: {  	v58 =	vld [tilespmem:s26+$0xFFFFFFE0];
	[tilespmem:s27+$0x550 ss:$0x11] =	vst.msk $0xffff, v3;
	s31 =	simm.s32 @!p1 $0x63;
	s6 =	smul.u32 s11, s6;
	s11 =	sshra.s32 s9, $0x1F  }
0x1e: {  	[tilespmem:s27+$0x660 ss:$0x11] =	vst.msk $0xffff, v2;
	p1 =	sgt.s32 s8, $0x0;
	s8 =	smulhi.u32 $0x2E8BA2F, s29;
	s11 =	sand.u32 s11, s9  }
0x1f: {  	[tilespmem:s27+$0x0 ss:$0x11] =	vst.msk $0xffff, v1;
	s10 =	ssub.s32 $0xB, s10;
	s11 =	ssub.s32 s31, s11;
	s6 =	smul.u32 s30, s6  }
0x20: {  	v59 =	vld [tilespmem:s26+$0xFFFFFFF0];
	[tilespmem:s28+$0x770 ss:$0x11] =	vst.msk $0xffff, v0;
	s10 =	simm.s32 @p1 $0x0;
	s8 =	smul.u32 $0x58, s8;
	s30 =	sadd.s32 $0xFFFFFF9D, s11  }
0x21: {  	v60 =	vld [tilespmem:s26+$0x0];
	[tilespmem:s28+$0x110 ss:$0x11] =	vst.msk $0xffff, v5;
	s11 =	ssub.s32 $0x64, s11;
	p1 =	sgt.s32 s30, $0x0;
	s6 =	smul.u32 s10, s6  }
0x22: {  	v61 =	vld [tilespmem:s26+$0x10];
	s27 =	sshrl.u32 s13, $0x3;
	[tilespmem:s28+$0x220 ss:$0x11] =	vst.msk $0xffff, v58;
	s30 =	smul.u32 $0x2F4400, s12;
	s11 =	simm.s32 @p1 $0x0  }
0x23: {  	v62 =	vld [tilespmem:s26+$0x20];
	s6 =	smul.u32 s11, s6;
	s11 =	sand.u32 $0xF, s27;
	s27 =	rddreg [dreg:$0x2]  }
0x24: {  	v63 =	vld [tilespmem:s26+$0xFFFFFFC0];
	s26 =	smul.u32 $0x17A200, s1;
	s10 =	sadd.s32 s27, s30  }
0x25: {  	s8 =	ssub.s32 s29, s8;
	[tilespmem:s28+$0x330 ss:$0x11] =	vst.msk $0xffff, v59;
	s10 =	sadd.s32 s11, s10;
	s11 =	smul.u32 $0x22600, s15  }
0x26: {  	s31 =	stileid.u32;
	s8 =	sshll.u32 s8, $0x4;
	[tilespmem:s28+$0x440 ss:$0x11] =	vst.msk $0xffff, v60;
	s10 =	sadd.s32 s26, s10  }
0x27: {  	[tilespmem:s28+$0x550 ss:$0x11] =	vst.msk $0xffff, v61;
	s30 =	smul.u32 $0x580, s9;
	s26 =	sand.u32 $0x7, s13;
	s10 =	sadd.s32 s11, s10  }
0x28: {  	[tilespmem:s28+$0x660 ss:$0x11] =	vst.msk $0xffff, v62;
	s6 =	sand.u32 $0x3FFFFFF8, s6;
	s29 =	sshll.u32 s26, $0x12;
	s8 =	sadd.s32 s8, s10  }
0x29: {  	[tilespmem:s28+$0x0 ss:$0x11] =	vst.msk $0xffff, v63;
	s10 =	sor.u32 $0x10, s29;
	s8 =	sadd.s32 s30, s8;
	s30 =	simm.s32 $0x80  }
0x2a: {  	[hbm4b:s8+s10] =	stream.strided.scatter [tilespmem:s25], [sflag:$0x2], s6, s30, s10, $0x8;
	[tilespmem:$0x2100] =	vst v63  }
.LBB1_5:
0x2b: {  	p1 =	slt.u32 s19, $0x2;
	s6 =	smov.u32 s24;
	s10 =	smov.u32 s23  }
0x2c: {  	s25 =	sadd.s32 $0x1, s14;
	s26 =	smov.u32 s16;
	s27 =	smov.u32 s18  }
0x2d: {  	p0 =	por !p0, !p0;
	p2 =	sgt.s32 @!p1 s24, $0x1A;
	s8 =	sshra.s32 @!p1 s24, $0x1F  }
0x2e: {  	p3 =	sgt.s32 @!p1 s23, $0x1;
	s11 =	sshra.s32 @!p1 s22, $0x1F;
	p2 =	por !p2, p1  }
0x2f: {  	s8 =	sand.u32 @!p1 s8, s24;
	p3 =	por !p3, p1;
	s6 =	simm.s32 @p2 $0x1A  }
0x30: {  	s11 =	sand.u32 @!p1 s11, s22;
	s24 =	smov.u32 s12;
	s6 =	ssub.s32 @!p1 s6, s8  }
0x31: {  	s12 =	smov.u32 s17;
	s10 =	simm.s32 @p3 $0x1;
	s8 =	sadd.s32 @!p1 $0xFFFFFFE6, s6  }
0x32: {  	p3 =	sgt.s32 @!p1 s22, $0xA;
	p2 =	sgt.s32 @!p1 s8, $0x0;
	s8 =	sshra.s32 @!p1 s23, $0x1F  }
0x33: {  	p3 =	por !p3, p1;
	s6 =	ssub.s32 @!p1 $0x1B, s6;
	s8 =	sand.u32 @!p1 s8, s23  }
0x34: {  	p2 =	por !p2, p1;
	s23 =	smov.u32 s1;
	s8 =	sxor.u32 @!p1 $0xFFFFFFFF, s8  }
0x35: {  	s6 =	simm.s32 @!p2 $0x0;
	s8 =	sadd.s32 @!p1 s8, s10;
	s10 =	smov.u32 s22  }
0x36: {  	s22 =	sshra.s32 @!p1 s21, $0x1F;
	s10 =	simm.s32 @p3 $0xA;
	p3 =	sgt.s32 @!p1 s8, $0x0  }
0x37: {  	s8 =	ssub.s32 @!p1 $0x1, s8;
	p3 =	por !p3, p1;
	s10 =	ssub.s32 @!p1 s10, s11  }
0x38: {  	s8 =	simm.s32 @!p3 $0x0;
	s11 =	sadd.s32 @!p1 $0xFFFFFFF6, s10;
	p3 =	sgt.s32 @!p1 s21, $0x70  }
0x39: {  	s10 =	ssub.s32 @!p1 $0xB, s10;
	p2 =	sgt.s32 @!p1 s11, $0x0;
	p3 =	por !p3, p1  }
0x3a: {  	s11 =	smov.u32 s21;
	s21 =	sand.u32 @!p1 s22, s21;
	s22 =	sshra.s32 @!p1 s20, $0x1F  }
0x3b: {  	p2 =	por !p2, p1;
	s11 =	simm.s32 @p3 $0x70;
	p3 =	sgt.s32 @!p1 s20, $0x63  }
0x3c: {  	p3 =	por !p3, p1;
	s11 =	ssub.s32 @!p1 s11, s21;
	s21 =	smov.u32 s20  }
0x3d: {  	s20 =	sand.u32 @!p1 s22, s20;
	s22 =	sadd.s32 @!p1 $0xFFFFFF90, s11;
	s11 =	ssub.s32 @!p1 $0x80, s11  }
0x3e: {  	s21 =	simm.s32 @p3 $0x63;
	p3 =	sgt.s32 @!p1 s22, $0xF;
	s11 =	smul.u32 @!p1 $0x58, s11  }
0x3f: {  	s10 =	simm.s32 @!p2 $0x0;
	s20 =	ssub.s32 @!p1 s21, s20;
	p2 =	por !p3, p1  }
0x40: {  	s1 =	smov.u32 s16;
	s21 =	sadd.s32 @!p1 $0xFFFFFF9D, s20;
	s11 =	simm.s32 @!p2 $0x0  }
0x41: {  	p2 =	sgt.s32 s25, $0x63;
	s8 =	smul.u32 @!p1 s8, s11;
	s11 =	simm.s32 $0x1  }
0x42: {  	s20 =	ssub.s32 @!p1 $0x64, s20;
	p3 =	sgt.s32 @!p1 s21, $0x0;
	s11 =	simm.s32 @!p2 $0x0  }
0x43: {  	p3 =	por !p3, p1;
	s6 =	smul.u32 @!p1 s6, s8;
	s8 =	sadd.s32 s11, s0  }
0x44: {  	s20 =	simm.s32 @!p3 $0x0;
	s11 =	sadd.s32 $0x2, s16;
	p3 =	sgt.s32 s8, $0xA  }
0x45: {  	s25 =	simm.s32 @p2 $0x0;
	s6 =	smul.u32 @!p1 s10, s6;
	s26 =	smov.u32 @p3 s11  }
0x46: {  	s10 =	sadd.s32 $0x10, s17;
	s11 =	smov.u32 s17;
	p2 =	sgt.s32 s26, $0x1  }
0x47: {  	s22 =	smov.u32 s15;
	s15 =	smov.u32 s0;
	s11 =	smov.u32 @p2 s10  }
0x48: {  	s8 =	simm.s32 @p3 $0x0;
	s10 =	sadd.s32 $0x10, s18;
	p3 =	sgt.s32 s11, $0x1A  }
0x49: {  	s21 =	smov.u32 s13;
	s13 =	smov.u32 s18;
	s27 =	smov.u32 @p3 s10  }
0x4a: {  	s0 =	smov.u32 s8;
	s26 =	smov.u32 @p2 s2;
	p2 =	sgt.s32 s27, $0xF  }
0x4b: {  	s6 =	smul.u32 @!p1 s20, s6;
	s27 =	simm.s32 @p2 $0x0;
	p2 =	sne.s32 s19, s7  }
.Ltmp1:
0x4c: {  	s20 =	smov.u32 s9;
	s9 =	smov.u32 s14;
	(pc) =	sbr.rel @!p2 .LBB1_6-.Ltmp1, $4  }
0x4d: {  	s14 =	smov.u32 s25;
	s6 =	sand.u32 @!p1 $0x3FFFFFF8, s6;
	s10 =	simm.s32 @!p1 $0x2  }
0x4e: {  	s16 =	smov.u32 s26;
	s11 =	smov.u32 @p3 s31;
	_ =	swait.ge @!p1 [sflag:s10], s6  }
0x4f: {  	s6 =	ssub.s32 @!p1 $0x0, s6;
	s17 =	smov.u32 s11;
	[sflag:s10] =	ssyncset.done @!p1 $0x0  }
0x50: {  	s19 =	sadd.s32 $0x1, s19;
	[sflag:s10] =	ssyncadd.s32 @!p1 s6;
	s18 =	smov.u32 s27  }
.LBB1_1:
0x51: {  	p1 =	sge.u32 s19, s4  }
0x52: {  	s27 =	smul.u32 @!p1 $0xF1500, s18  }
0x53: {  	s25 =	sand.u32 @!p1 $0x1FFFFFF, s14;
	s28 =	smul.u32 @!p1 $0x8F00, s17  }
0x54: {  	s26 =	smulhi.u32 @!p1 $0x2762763, s25  }
0x55: {  	s29 =	smul.u32 @!p1 $0x4780, s16  }
0x56: {  	s30 =	sxor.u32 @!p1 $0xFFFFFFFF, s19;
	s27 =	sadd.s32 @!p1 s5, s27;
	s26 =	smul.u32 @!p1 $0x68, s26  }
0x57: {  	s30 =	sshll.u32 @!p1 s30, $0xB;
	s27 =	sadd.s32 @!p1 s28, s27;
	s28 =	smul.u32 @!p1 $0x680, s0  }
0x58: {  	s25 =	ssub.s32 @!p1 s25, s26;
	s26 =	sadd.s32 @!p1 s29, s27;
	s27 =	sand.u32 @!p1 $0x800, s30  }
0x59: {  	s30 =	sadd.s32 $0xFFFFFFFF, s19;
	s25 =	sshll.u32 @!p1 s25, $0x4;
	s26 =	sadd.s32 @!p1 s28, s26  }
0x5a: {  	s28 =	simm.s32 @!p1 $0x78A800;
	s25 =	sadd.s32 @!p1 s25, s26;
	s26 =	simm.s32 @!p1 $0x80  }
0x5b: {  	[tilespmem:s27], [sflag:$0x1] =	stream.strided.gather @!p1 [hbm4b:s25+s26], $0x800, s28, s26, $0x38;
	[tilespmem:$0x2100] =	vst v63  }
0x5c: {  	p1 =	sge.u32 s30, s4  }
.Ltmp2:
0x5d: {  	_ = 	snop;
	(pc) =	sbr.rel @p1 .LBB1_5-.Ltmp2, $1  }
0x5e: {  	_ =	sdelay $0x3  }
0x5f: {  	s25 =	simm.s32 $0x1  }
0x60: {  	_ =	swait.ge [sflag:s3], $0x800;
	s25 =	simm.s32 @!p0 $0x0  }
0x61: {  	[sflag:s3] =	ssyncset.done $0x0;
	s26 =	sshll.u32 s25, $0xB  }
0x62: {  	[sflag:s3] =	ssyncadd.s32 $0xFFFFF800;
	s26 =	sor.u32 $0x40, s26  }
0x63: {  	s25 =	smul.u32 $0x2200, s25;
	v0 =	vld [tilespmem:s26+$0x30]  }
0x64: {  	v1 =	vld [tilespmem:s26+$0xFFFFFFD0]  }
0x65: {  	s25 =	sshrl.u32 s25, $0x2;
	v5 =	vld [tilespmem:s26+$0xFFFFFFE0]  }
0x66: {  	v6 =	vld [tilespmem:s26+$0xFFFFFFF0];
	s28 =	sor.u32 $0x1000, s25  }
0x67: {  	s31 =	sand.u32 $0x1, s19;
	v4 =	vld [tilespmem:s26+$0x0];
	s27 =	sadd.s32 $0x0, s28  }
0x68: {  	v3 =	vld [tilespmem:s26+$0x10];
	s25 =	smul.u32 $0x2200, s31;
	[tilespmem:s27+$0x770 ss:$0x11] =	vst.msk $0xffff, v0  }
0x69: {  	v2 =	vld [tilespmem:s26+$0x20];
	[tilespmem:s27+$0x110 ss:$0x11] =	vst.msk $0xffff, v1  }
0x6a: {  	s25 =	sshrl.u32 s25, $0x2;
	v1 =	vld [tilespmem:s26+$0xFFFFFFC0];
	[tilespmem:s27+$0x220 ss:$0x11] =	vst.msk $0xffff, v5;
	s26 =	sadd.s32 $0x80, s26  }
0x6b: {  	s29 =	simm.s32 $0x4;
	s30 =	simm.s32 $0x8;
	s25 =	sor.u32 $0x1000, s25;
	[tilespmem:s27+$0x330 ss:$0x11] =	vst.msk $0xffff, v6;
	v0 =	vld [tilespmem:s26+$0x30]  }
.LBB1_3:
0x6c: {  	p1 =	sne.s32 s30, $0x3C;
	v5 =	vld [tilespmem:s26+$0xFFFFFFD0];
	[tilespmem:s27+$0x440 ss:$0x11] =	vst.msk $0xffff, v4  }
0x6d: {  	v6 =	vld [tilespmem:s26+$0xFFFFFFE0];
	[tilespmem:s27+$0x550 ss:$0x11] =	vst.msk $0xffff, v3  }
0x6e: {  	s31 =	sshra.s32 s29, $0x2;
	s29 =	smov.u32 s30;
	v7 =	vld [tilespmem:s26+$0xFFFFFFF0];
	[tilespmem:s27+$0x660 ss:$0x11] =	vst.msk $0xffff, v2  }
.Ltmp3:
0x6f: {  	v4 =	vld [tilespmem:s26+$0x0];
	[tilespmem:s27+$0x0 ss:$0x11] =	vst.msk $0xffff, v1;
	s27 =	sadd.s32 s31, s28;
	(pc) =	sbr.rel @p1 .LBB1_3-.Ltmp3, $4  }
0x70: {  	v3 =	vld [tilespmem:s26+$0x10];
	[tilespmem:s27+$0x770 ss:$0x11] =	vst.msk $0xffff, v0  }
0x71: {  	[tilespmem:s27+$0x110 ss:$0x11] =	vst.msk $0xffff, v5;
	v2 =	vld [tilespmem:s26+$0x20]  }
0x72: {  	v1 =	vld [tilespmem:s26+$0xFFFFFFC0];
	[tilespmem:s27+$0x220 ss:$0x11] =	vst.msk $0xffff, v6;
	s26 =	sadd.s32 $0x80, s26  }
0x73: {  	s30 =	sadd.s32 $0x4, s30;
	v0 =	vld [tilespmem:s26+$0x30];
	[tilespmem:s27+$0x330 ss:$0x11] =	vst.msk $0xffff, v7  }
.Ltmp4:
0x74: {  	_ = 	snop;
	(pc) =	sbr.rel .LBB1_4-.Ltmp4, $1  }
0x75: {  	_ =	sdelay $0x3  }
.LBB1_6:
0x76: {  	_ =	sfence.sel $0x180000  }
0x77: {  	s0 =	simm.s32 $0x1;
	[bflag:$0x0] =	sbarrier.arrive $0xFFFF  }
0x78: {  	s30 =	simm.s32 $0x2;
	[sflag:s0] =	ssyncpa.u1 $0x1  }
0x79: {  	[sflag:s30] =	ssyncpa.u1 $0x1  }
0x7a: {  	_ =	strace $0x9000004D  }
0x7b: {  	[bflag:$0x2] =	sbarrier.arrive $0xFFFF  }
0x7c: {  	p0 =	sne.s32 s31, $0x0;
	s0 =	rddreg [dreg:$0x1]  }
0x7d: {  	s0 =	sadd.s32 @!p0 $0x100000, s0  }
0x7e: {  	[sflag:s0] =	ssyncadd.tile.s32 @!p0 $0x1;
	_ =	shalt  }
.Lfunc_end1:
_tile_overlayer_lowered:
.L_overlay_start_2:
0x7f: {  	(tag) =	ssettag $0x2  }
0x80: {  	s0 =	rddreg [dreg:$0x0];
	s2 =	stileid.u32  }
0x81: {  	s1 =	rddreg [dreg:$0x1];
	p0 =	sne.s32 s2, $0x0  }
0x82: {  	s3 =	rddreg [dreg:$0x2];
	[bflag:$0x3] =	sbarrier.arrive $0xFFFF;
	s2 =	simm.s32 @!p0 $0x1C01  }
0x83: {  	[timem:s3], [sflag:s2] =	dma.local @!p0 [hbm:s0], s1  }
0x84: {  	s0 =	simm.s32 @!p0 $0x1  }
0x85: {  	_ =	swait.ge @!p0 [sflag:s0], s1  }
0x86: {  	s1 =	ssub.s32 @!p0 $0x0, s1;
	[sflag:s0] =	ssyncset.done @!p0 $0x0  }
0x87: {  	[sflag:s0] =	ssyncadd.s32 @!p0 s1  }
0x88: {  	[bflag:$0x3] =	sbarrier.arrive $0xFFFF  }
0x89: {  	_ =	shalt  }

</sc_bundles>
